<compile_context>
chip_gen: v7x
topology: tpu7x:2x2x1
jax: 0.10.2.dev20260603
libtpu: 0.0.44.dev20260713+nightly
codegen_flags: <defaults>
</compile_context>

<pallas_src>
import functools

import jax
import jax.numpy as jnp
from jax import lax
from jax.experimental import pallas as pl
from jax.experimental.pallas import tpu as pltpu
from jax.experimental.pallas import tpu_sc as plsc

N_NODES = 10000
N_EDGES = 320000
D = 128

NC = 2
NS = 16
NW = NC * NS
PER_W = N_EDGES // NW
CH = 80
ITERS = PER_W // CH

_LEAK = 0.01


def _leaky(v):
    return jnp.maximum(v, _LEAK * v)


def _pre_body(x_ref, w1_ref, b1_ref, a_ref, b_ref):
    xb = x_ref[...]
    w1 = w1_ref[...]
    wa = w1[:, :D]
    wb = w1[:, D:]
    dn = (((1,), (1,)), ((), ()))
    b_ref[...] = lax.dot_general(xb, wb, dn, preferred_element_type=jnp.float32)
    a_ref[...] = (
        lax.dot_general(xb, wa - wb, dn, preferred_element_type=jnp.float32)
        + b1_ref[...]
    )


def _pre(x, W1, b1r):
    blk = N_NODES // 10
    return pl.pallas_call(
        _pre_body,
        grid=(10,),
        in_specs=[
            pl.BlockSpec((blk, D), lambda i: (i, 0)),
            pl.BlockSpec((D, 2 * D), lambda i: (0, 0)),
            pl.BlockSpec((1, D), lambda i: (0, 0)),
        ],
        out_specs=[
            pl.BlockSpec((blk, D), lambda i: (i, 0)),
            pl.BlockSpec((blk, D), lambda i: (i, 0)),
        ],
        out_shape=[
            jax.ShapeDtypeStruct((N_NODES, D), jnp.float32),
            jax.ShapeDtypeStruct((N_NODES, D), jnp.float32),
        ],
    )(x, W1, b1r)


def _sc_msg_body(a_hbm, b_hbm, dst_hbm, src_hbm, msg_out,
                 idx0, ar0, br0, idx1, ar1, br1, sem0, sem1):
    cid = lax.axis_index("c")
    sid = lax.axis_index("s")
    wid = cid * NS + sid
    ebase = wid * PER_W

    slots = ((idx0, ar0, br0, sem0),
             (idx1, ar1, br1, sem1))

    def prefetch(k, slot):
        idx, ar, br, sem = slot
        base = ebase + k * CH
        pltpu.sync_copy(dst_hbm.at[pl.ds(base, CH)], idx.at[pl.ds(0, CH)])
        pltpu.sync_copy(src_hbm.at[pl.ds(base, CH)], idx.at[pl.ds(CH, CH)])
        pltpu.async_copy(a_hbm.at[idx.at[pl.ds(0, CH)]], ar, sem)
        pltpu.async_copy(b_hbm.at[idx.at[pl.ds(CH, CH)]], br, sem)

    def process(k, slot):
        idx, ar, br, sem = slot
        pltpu.make_async_copy(a_hbm.at[pl.ds(0, CH)], ar, sem).wait()
        pltpu.make_async_copy(b_hbm.at[pl.ds(0, CH)], br, sem).wait()

        @plsc.parallel_loop(0, CH, unroll=4)
        def _(r):
            for c in range(D // 16):
                s = pl.ds(c * 16, 16)
                m = ar[r, s] + br[r, s]
                ar[r, s] = jnp.maximum(m, _LEAK * m)
        pltpu.sync_copy(ar, msg_out.at[pl.ds(ebase + k * CH, CH)])

    prefetch(0, slots[0])

    def pair(i, _):
        prefetch(2 * i + 1, slots[1])
        process(2 * i, slots[0])
        prefetch(2 * i + 2, slots[0])
        process(2 * i + 1, slots[1])
        return 0

    lax.fori_loop(0, (ITERS - 1) // 2, pair, 0)
    process(ITERS - 1, slots[0])


_sc_msg = functools.partial(
    pl.kernel,
    out_type=jax.ShapeDtypeStruct((N_EDGES, D), jnp.float32),
    mesh=plsc.VectorSubcoreMesh(core_axis_name="c", subcore_axis_name="s",
                                num_cores=NC, num_subcores=NS),
    scratch_types=[
        pltpu.VMEM((2 * CH,), jnp.int32),
        pltpu.VMEM((CH, D), jnp.float32),
        pltpu.VMEM((CH, D), jnp.float32),
        pltpu.VMEM((2 * CH,), jnp.int32),
        pltpu.VMEM((CH, D), jnp.float32),
        pltpu.VMEM((CH, D), jnp.float32),
        pltpu.SemaphoreType.DMA,
        pltpu.SemaphoreType.DMA,
    ],
)(_sc_msg_body)


def _post_body(acc_ref, cnt_ref, x_ref, w2_ref, b2_ref, g_ref, be_ref, o_ref):
    acc = acc_ref[...]
    cnt = cnt_ref[...]
    p = acc / jnp.maximum(cnt, 1.0)
    dn = (((1,), (1,)), ((), ()))
    g = lax.dot_general(p, w2_ref[...], dn, preferred_element_type=jnp.float32)
    g = g + b2_ref[...] * (cnt > 0).astype(jnp.float32)
    mu = jnp.mean(g, axis=1, keepdims=True)
    var = jnp.mean((g - mu) ** 2, axis=1, keepdims=True)
    hn = (g - mu) / jnp.sqrt(var + 1e-5) * g_ref[...] + be_ref[...]
    hn = hn + x_ref[...]
    o_ref[...] = _leaky(hn)


def _post(acc, cnt, x, W2, b2r, gr, ber):
    blk = 400
    grid = N_NODES // blk
    return pl.pallas_call(
        _post_body,
        grid=(grid,),
        in_specs=[
            pl.BlockSpec((blk, D), lambda i: (i, 0)),
            pl.BlockSpec((blk, 1), lambda i: (i, 0)),
            pl.BlockSpec((blk, D), lambda i: (i, 0)),
            pl.BlockSpec((D, D), lambda i: (0, 0)),
            pl.BlockSpec((1, D), lambda i: (0, 0)),
            pl.BlockSpec((1, D), lambda i: (0, 0)),
            pl.BlockSpec((1, D), lambda i: (0, 0)),
        ],
        out_specs=pl.BlockSpec((blk, D), lambda i: (i, 0)),
        out_shape=jax.ShapeDtypeStruct((N_NODES, D), jnp.float32),
    )(acc, cnt, x, W2, b2r, gr, ber)


def kernel(x, ei, W1, b1, W2, b2, gamma, beta):
    ei32 = ei.astype(jnp.int32)
    src = ei32[0]
    dst = ei32[1]

    a_tab, b_tab = _pre(x, W1, b1.reshape(1, D))

    msg = _sc_msg(a_tab, b_tab, dst, src)

    acc = jax.ops.segment_sum(msg, dst, num_segments=N_NODES)
    cnt = jax.ops.segment_sum(jnp.ones((N_EDGES, 1), jnp.float32), dst,
                              num_segments=N_NODES)

    return _post(acc, cnt, x, W2, b2.reshape(1, D),
                 gamma.reshape(1, D), beta.reshape(1, D))

# --- scband reference (transcript-rebuilt; emitter-appended) ---
"""Pipeline reference for scband-edge-conv-block-85074712199472 (READ-ONLY COPY).

The authoritative reference and input builder live on the scoring server;
editing this copy changes nothing except your own understanding.
"""

import jax, jax.numpy as jnp
import numpy as np

N_NODES = 10000
N_EDGES = 320000
IN_DIM = 128
OUT_DIM = 128


def setup_inputs(seed: int = 0) -> dict:
    key = jax.random.key(seed)
    k_x, k_ei, k_w1, k_b1, k_w2, k_b2 = jax.random.split(key, 6)
    x = jax.random.normal(k_x, (N_NODES, IN_DIM), dtype=jnp.float32)
    ei = jax.random.randint(k_ei, (2, N_EDGES), 0, N_NODES, dtype=jnp.int64)
    # Linear(in_dim*2 -> out_dim): torch weight layout [out, in]
    W1 = jax.random.normal(k_w1, (OUT_DIM, IN_DIM * 2), dtype=jnp.float32) * (1.0 / np.sqrt(IN_DIM * 2))
    b1 = jax.random.normal(k_b1, (OUT_DIM,), dtype=jnp.float32) * 0.01
    # Linear(out_dim -> out_dim)
    W2 = jax.random.normal(k_w2, (OUT_DIM, OUT_DIM), dtype=jnp.float32) * (1.0 / np.sqrt(OUT_DIM))
    b2 = jax.random.normal(k_b2, (OUT_DIM,), dtype=jnp.float32) * 0.01
    # LayerNorm affine params
    gamma = jnp.ones((OUT_DIM,), dtype=jnp.float32)
    beta = jnp.zeros((OUT_DIM,), dtype=jnp.float32)
    return {"x": x, "ei": ei, "W1": W1, "b1": b1, "W2": W2, "b2": b2, "gamma": gamma, "beta": beta}


def reference(x, ei, W1, b1, W2, b2, gamma, beta):
    # EdgeConv (PyG): for edge (j -> i), message = mlp(cat[x_i, x_j - x_i]); aggr='mean' at i.
    # Dropout is identity (eval mode).
    src = ei[0]
    dst = ei[1]
    x_i = jnp.take(x, dst, axis=0)
    x_j = jnp.take(x, src, axis=0)
    m = jnp.concatenate([x_i, x_j - x_i], axis=-1)  # [E, 2*in_dim]
    h = m @ W1.T + b1
    h = jax.nn.leaky_relu(h, negative_slope=0.01)
    h = h @ W2.T + b2  # [E, out_dim]
    # mean aggregation over destination nodes
    agg = jax.ops.segment_sum(h, dst, num_segments=N_NODES)
    cnt = jax.ops.segment_sum(jnp.ones((N_EDGES, 1), dtype=jnp.float32), dst, num_segments=N_NODES)
    agg = agg / jnp.maximum(cnt, 1.0)
    # LayerNorm
    mu = jnp.mean(agg, axis=-1, keepdims=True)
    var = jnp.var(agg, axis=-1, keepdims=True)
    hn = (agg - mu) / jnp.sqrt(var + 1e-5) * gamma + beta
    # residual (in_dim == out_dim)
    hn = hn + x
    return jax.nn.leaky_relu(hn, negative_slope=0.01)

if __name__ == "__main__":
    import jax
    _d = setup_inputs()
    print(jax.jit(kernel)(*tuple(_d.values())))

</pallas_src>

<mosaic_0001>
#map = affine_map<(d0, d1) -> (0, 0)>
#map1 = affine_map<(d0, d1) -> (0)>
module attributes {stable_mosaic.version = 14 : i64} {
  func.func @_sc_msg_body(%arg0: i32, %arg1: i32, %arg2: memref<10000x128xf32, #tpu.memory_space<hbm>>, %arg3: memref<10000x128xf32, #tpu.memory_space<hbm>>, %arg4: memref<320000xi32, #tpu.memory_space<hbm>>, %arg5: memref<320000xi32, #tpu.memory_space<hbm>>, %arg6: memref<320000x128xf32, #tpu.memory_space<hbm>>, %arg7: memref<160xi32, #tpu.memory_space<vmem>>, %arg8: memref<80x128xf32, #tpu.memory_space<vmem>>, %arg9: memref<80x128xf32, #tpu.memory_space<vmem>>, %arg10: memref<160xi32, #tpu.memory_space<vmem>>, %arg11: memref<80x128xf32, #tpu.memory_space<vmem>>, %arg12: memref<80x128xf32, #tpu.memory_space<vmem>>, %arg13: memref<!tpu.dma_semaphore, #tpu.memory_space<semaphore_mem>>, %arg14: memref<!tpu.dma_semaphore, #tpu.memory_space<semaphore_mem>>) attributes {dimension_semantics = [#tpu.dimension_semantics<core_parallel>, #tpu.dimension_semantics<subcore_parallel>], iteration_bounds = array<i64: 2, 16>, scalar_prefetch = 0 : i64, scratch_operands = 8 : i64, tpu.core_type = #tpu.core_type<sc_vector_subcore>, window_params = [{transform_indices = #map}, {transform_indices = #map}, {transform_indices = #map1}, {transform_indices = #map1}, {transform_indices = #map}]} {
    %mul3A = arith.constant 16 : i32
    %mul3A_0 = arith.muli %arg0, %mul3A : i32
    %add3A = arith.addi %mul3A_0, %arg1 : i32
    %mul3A_1 = arith.constant 10000 : i32
    %mul3A_2 = arith.muli %add3A, %mul3A_1 : i32
    %add3A_3 = arith.constant 0 : i32
    %add3A_4 = arith.addi %mul3A_2, %add3A_3 : i32
    "tpu.region"() ({
      %run_scoped3A = tpu.sem_alloc : memref<!tpu.dma_semaphore, #tpu.memory_space<semaphore_mem>>
      %dma_start3A_35 = arith.constant 0 : i32
      %dma_start3A_36 = tpu.memref_slice %arg7[%dma_start3A_35] : memref<160xi32, #tpu.memory_space<vmem>> -> memref<80xi32, #tpu.memory_space<vmem>>
      %dma_start3A_37 = tpu.memref_slice %arg4[%add3A_4] : memref<320000xi32, #tpu.memory_space<hbm>> -> memref<80xi32, #tpu.memory_space<hbm>>
      %dma_start3A_38 = arith.constant 0 : i32
      %dma_start3A_39 = tpu.memref_slice %arg7[%dma_start3A_38] : memref<160xi32, #tpu.memory_space<vmem>> -> memref<80xi32, #tpu.memory_space<vmem>>
      %dma_start3A_40 = tpu.memref_slice %arg4[%add3A_4] : memref<320000xi32, #tpu.memory_space<hbm>> -> memref<80xi32, #tpu.memory_space<hbm>>
      tpu.enqueue_dma source(%dma_start3A_40 : memref<80xi32, #tpu.memory_space<hbm>>) target(%dma_start3A_39 : memref<80xi32, #tpu.memory_space<vmem>>) target_semaphore(%run_scoped3A : memref<!tpu.dma_semaphore, #tpu.memory_space<semaphore_mem>>)
      %dma_wait3A_41 = arith.constant 0 : i32
      %dma_wait3A_42 = tpu.memref_slice %arg7[%dma_wait3A_41] : memref<160xi32, #tpu.memory_space<vmem>> -> memref<80xi32, #tpu.memory_space<vmem>>
      %dma_wait3A_43 = tpu.memref_slice %arg4[%add3A_4] : memref<320000xi32, #tpu.memory_space<hbm>> -> memref<80xi32, #tpu.memory_space<hbm>>
      %dma_wait3A_44 = arith.constant 0 : i32
      %dma_wait3A_45 = tpu.memref_slice %arg7[%dma_wait3A_44] : memref<160xi32, #tpu.memory_space<vmem>> -> memref<80xi32, #tpu.memory_space<vmem>>
      %dma_wait3A_46 = tpu.memref_slice %arg4[%add3A_4] : memref<320000xi32, #tpu.memory_space<hbm>> -> memref<80xi32, #tpu.memory_space<hbm>>
      tpu.wait_dma2 semaphore(%run_scoped3A : memref<!tpu.dma_semaphore, #tpu.memory_space<semaphore_mem>>) src(%dma_wait3A_46 : memref<80xi32, #tpu.memory_space<hbm>>) dst(%dma_wait3A_45 : memref<80xi32, #tpu.memory_space<vmem>>)
      tpu.yield
    }) : () -> ()
    "tpu.region"() ({
      %run_scoped3A = tpu.sem_alloc : memref<!tpu.dma_semaphore, #tpu.memory_space<semaphore_mem>>
      %dma_start3A_35 = arith.constant 80 : i32
      %dma_start3A_36 = tpu.memref_slice %arg7[%dma_start3A_35] : memref<160xi32, #tpu.memory_space<vmem>> -> memref<80xi32, #tpu.memory_space<vmem>>
      %dma_start3A_37 = tpu.memref_slice %arg5[%add3A_4] : memref<320000xi32, #tpu.memory_space<hbm>> -> memref<80xi32, #tpu.memory_space<hbm>>
      %dma_start3A_38 = arith.constant 80 : i32
      %dma_start3A_39 = tpu.memref_slice %arg7[%dma_start3A_38] : memref<160xi32, #tpu.memory_space<vmem>> -> memref<80xi32, #tpu.memory_space<vmem>>
      %dma_start3A_40 = tpu.memref_slice %arg5[%add3A_4] : memref<320000xi32, #tpu.memory_space<hbm>> -> memref<80xi32, #tpu.memory_space<hbm>>
      tpu.enqueue_dma source(%dma_start3A_40 : memref<80xi32, #tpu.memory_space<hbm>>) target(%dma_start3A_39 : memref<80xi32, #tpu.memory_space<vmem>>) target_semaphore(%run_scoped3A : memref<!tpu.dma_semaphore, #tpu.memory_space<semaphore_mem>>)
      %dma_wait3A_41 = arith.constant 80 : i32
      %dma_wait3A_42 = tpu.memref_slice %arg7[%dma_wait3A_41] : memref<160xi32, #tpu.memory_space<vmem>> -> memref<80xi32, #tpu.memory_space<vmem>>
      %dma_wait3A_43 = tpu.memref_slice %arg5[%add3A_4] : memref<320000xi32, #tpu.memory_space<hbm>> -> memref<80xi32, #tpu.memory_space<hbm>>
      %dma_wait3A_44 = arith.constant 80 : i32
      %dma_wait3A_45 = tpu.memref_slice %arg7[%dma_wait3A_44] : memref<160xi32, #tpu.memory_space<vmem>> -> memref<80xi32, #tpu.memory_space<vmem>>
      %dma_wait3A_46 = tpu.memref_slice %arg5[%add3A_4] : memref<320000xi32, #tpu.memory_space<hbm>> -> memref<80xi32, #tpu.memory_space<hbm>>
      tpu.wait_dma2 semaphore(%run_scoped3A : memref<!tpu.dma_semaphore, #tpu.memory_space<semaphore_mem>>) src(%dma_wait3A_46 : memref<80xi32, #tpu.memory_space<hbm>>) dst(%dma_wait3A_45 : memref<80xi32, #tpu.memory_space<vmem>>)
      tpu.yield
    }) : () -> ()
    %dma_start3A = arith.constant 0 : i32
    %dma_start3A_5 = tpu.memref_slice %arg7[%dma_start3A] : memref<160xi32, #tpu.memory_space<vmem>> -> memref<80xi32, #tpu.memory_space<vmem>>
    %dma_start3A_6 = arith.constant 0 : i32
    %dma_start3A_7 = arith.constant 0 : i32
    %dma_start3A_8 = tpu.memref_slice %arg2[%dma_start3A_6, %dma_start3A_7] : memref<10000x128xf32, #tpu.memory_space<hbm>> -> memref<10000x128xf32, #tpu.memory_space<hbm>>
    tpu.enqueue_indirect_dma source(%dma_start3A_8 : memref<10000x128xf32, #tpu.memory_space<hbm>>) target(%arg8 : memref<80x128xf32, #tpu.memory_space<vmem>>) offsets(%dma_start3A_5 : memref<80xi32, #tpu.memory_space<vmem>>) semaphore(%arg13 : memref<!tpu.dma_semaphore, #tpu.memory_space<semaphore_mem>>)
    %dma_start3A_9 = arith.constant 80 : i32
    %dma_start3A_10 = tpu.memref_slice %arg7[%dma_start3A_9] : memref<160xi32, #tpu.memory_space<vmem>> -> memref<80xi32, #tpu.memory_space<vmem>>
    %dma_start3A_11 = arith.constant 0 : i32
    %dma_start3A_12 = arith.constant 0 : i32
    %dma_start3A_13 = tpu.memref_slice %arg3[%dma_start3A_11, %dma_start3A_12] : memref<10000x128xf32, #tpu.memory_space<hbm>> -> memref<10000x128xf32, #tpu.memory_space<hbm>>
    tpu.enqueue_indirect_dma source(%dma_start3A_13 : memref<10000x128xf32, #tpu.memory_space<hbm>>) target(%arg9 : memref<80x128xf32, #tpu.memory_space<vmem>>) offsets(%dma_start3A_10 : memref<80xi32, #tpu.memory_space<vmem>>) semaphore(%arg13 : memref<!tpu.dma_semaphore, #tpu.memory_space<semaphore_mem>>)
    %scan3A = arith.constant 0 : i32
    %scan3A_14 = arith.constant 0 : i32
    %scan3A_15 = arith.constant 62 : i32
    %scan3A_16 = arith.addi %scan3A_14, %scan3A_15 : i32
    %scan3A_17 = arith.constant 1 : i32
    %scan3A_18 = scf.for %scan3A_35 = %scan3A_14 to %scan3A_16 step %scan3A_17 iter_args(%scan3A_36 = %scan3A) -> (i32)  : i32 {
      %mul3A_37 = arith.constant 2 : i32
      %mul3A_38 = arith.muli %mul3A_37, %scan3A_35 : i32
      %add3A_39 = arith.constant 1 : i32
      %add3A_40 = arith.addi %mul3A_38, %add3A_39 : i32
      %mul3A_41 = arith.constant 80 : i32
      %mul3A_42 = arith.muli %add3A_40, %mul3A_41 : i32
      %add3A_43 = arith.addi %mul3A_2, %mul3A_42 : i32
      "tpu.region"() ({
        %run_scoped3A = tpu.sem_alloc : memref<!tpu.dma_semaphore, #tpu.memory_space<semaphore_mem>>
        %dma_start3A_114 = arith.constant 0 : i32
        %dma_start3A_115 = tpu.memref_slice %arg10[%dma_start3A_114] : memref<160xi32, #tpu.memory_space<vmem>> -> memref<80xi32, #tpu.memory_space<vmem>>
        %dma_start3A_116 = tpu.memref_slice %arg4[%add3A_43] : memref<320000xi32, #tpu.memory_space<hbm>> -> memref<80xi32, #tpu.memory_space<hbm>>
        %dma_start3A_117 = arith.constant 0 : i32
        %dma_start3A_118 = tpu.memref_slice %arg10[%dma_start3A_117] : memref<160xi32, #tpu.memory_space<vmem>> -> memref<80xi32, #tpu.memory_space<vmem>>
        %dma_start3A_119 = tpu.memref_slice %arg4[%add3A_43] : memref<320000xi32, #tpu.memory_space<hbm>> -> memref<80xi32, #tpu.memory_space<hbm>>
        tpu.enqueue_dma source(%dma_start3A_119 : memref<80xi32, #tpu.memory_space<hbm>>) target(%dma_start3A_118 : memref<80xi32, #tpu.memory_space<vmem>>) target_semaphore(%run_scoped3A : memref<!tpu.dma_semaphore, #tpu.memory_space<semaphore_mem>>)
        %dma_wait3A_120 = arith.constant 0 : i32
        %dma_wait3A_121 = tpu.memref_slice %arg10[%dma_wait3A_120] : memref<160xi32, #tpu.memory_space<vmem>> -> memref<80xi32, #tpu.memory_space<vmem>>
        %dma_wait3A_122 = tpu.memref_slice %arg4[%add3A_43] : memref<320000xi32, #tpu.memory_space<hbm>> -> memref<80xi32, #tpu.memory_space<hbm>>
        %dma_wait3A_123 = arith.constant 0 : i32
        %dma_wait3A_124 = tpu.memref_slice %arg10[%dma_wait3A_123] : memref<160xi32, #tpu.memory_space<vmem>> -> memref<80xi32, #tpu.memory_space<vmem>>
        %dma_wait3A_125 = tpu.memref_slice %arg4[%add3A_43] : memref<320000xi32, #tpu.memory_space<hbm>> -> memref<80xi32, #tpu.memory_space<hbm>>
        tpu.wait_dma2 semaphore(%run_scoped3A : memref<!tpu.dma_semaphore, #tpu.memory_space<semaphore_mem>>) src(%dma_wait3A_125 : memref<80xi32, #tpu.memory_space<hbm>>) dst(%dma_wait3A_124 : memref<80xi32, #tpu.memory_space<vmem>>)
        tpu.yield
      }) : () -> ()
      "tpu.region"() ({
        %run_scoped3A = tpu.sem_alloc : memref<!tpu.dma_semaphore, #tpu.memory_space<semaphore_mem>>
        %dma_start3A_114 = arith.constant 80 : i32
        %dma_start3A_115 = tpu.memref_slice %arg10[%dma_start3A_114] : memref<160xi32, #tpu.memory_space<vmem>> -> memref<80xi32, #tpu.memory_space<vmem>>
        %dma_start3A_116 = tpu.memref_slice %arg5[%add3A_43] : memref<320000xi32, #tpu.memory_space<hbm>> -> memref<80xi32, #tpu.memory_space<hbm>>
        %dma_start3A_117 = arith.constant 80 : i32
        %dma_start3A_118 = tpu.memref_slice %arg10[%dma_start3A_117] : memref<160xi32, #tpu.memory_space<vmem>> -> memref<80xi32, #tpu.memory_space<vmem>>
        %dma_start3A_119 = tpu.memref_slice %arg5[%add3A_43] : memref<320000xi32, #tpu.memory_space<hbm>> -> memref<80xi32, #tpu.memory_space<hbm>>
        tpu.enqueue_dma source(%dma_start3A_119 : memref<80xi32, #tpu.memory_space<hbm>>) target(%dma_start3A_118 : memref<80xi32, #tpu.memory_space<vmem>>) target_semaphore(%run_scoped3A : memref<!tpu.dma_semaphore, #tpu.memory_space<semaphore_mem>>)
        %dma_wait3A_120 = arith.constant 80 : i32
        %dma_wait3A_121 = tpu.memref_slice %arg10[%dma_wait3A_120] : memref<160xi32, #tpu.memory_space<vmem>> -> memref<80xi32, #tpu.memory_space<vmem>>
        %dma_wait3A_122 = tpu.memref_slice %arg5[%add3A_43] : memref<320000xi32, #tpu.memory_space<hbm>> -> memref<80xi32, #tpu.memory_space<hbm>>
        %dma_wait3A_123 = arith.constant 80 : i32
        %dma_wait3A_124 = tpu.memref_slice %arg10[%dma_wait3A_123] : memref<160xi32, #tpu.memory_space<vmem>> -> memref<80xi32, #tpu.memory_space<vmem>>
        %dma_wait3A_125 = tpu.memref_slice %arg5[%add3A_43] : memref<320000xi32, #tpu.memory_space<hbm>> -> memref<80xi32, #tpu.memory_space<hbm>>
        tpu.wait_dma2 semaphore(%run_scoped3A : memref<!tpu.dma_semaphore, #tpu.memory_space<semaphore_mem>>) src(%dma_wait3A_125 : memref<80xi32, #tpu.memory_space<hbm>>) dst(%dma_wait3A_124 : memref<80xi32, #tpu.memory_space<vmem>>)
        tpu.yield
      }) : () -> ()
      %dma_start3A_44 = arith.constant 0 : i32
      %dma_start3A_45 = tpu.memref_slice %arg10[%dma_start3A_44] : memref<160xi32, #tpu.memory_space<vmem>> -> memref<80xi32, #tpu.memory_space<vmem>>
      %dma_start3A_46 = arith.constant 0 : i32
      %dma_start3A_47 = arith.constant 0 : i32
      %dma_start3A_48 = tpu.memref_slice %arg2[%dma_start3A_46, %dma_start3A_47] : memref<10000x128xf32, #tpu.memory_space<hbm>> -> memref<10000x128xf32, #tpu.memory_space<hbm>>
      tpu.enqueue_indirect_dma source(%dma_start3A_48 : memref<10000x128xf32, #tpu.memory_space<hbm>>) target(%arg11 : memref<80x128xf32, #tpu.memory_space<vmem>>) offsets(%dma_start3A_45 : memref<80xi32, #tpu.memory_space<vmem>>) semaphore(%arg14 : memref<!tpu.dma_semaphore, #tpu.memory_space<semaphore_mem>>)
      %dma_start3A_49 = arith.constant 80 : i32
      %dma_start3A_50 = tpu.memref_slice %arg10[%dma_start3A_49] : memref<160xi32, #tpu.memory_space<vmem>> -> memref<80xi32, #tpu.memory_space<vmem>>
      %dma_start3A_51 = arith.constant 0 : i32
      %dma_start3A_52 = arith.constant 0 : i32
      %dma_start3A_53 = tpu.memref_slice %arg3[%dma_start3A_51, %dma_start3A_52] : memref<10000x128xf32, #tpu.memory_space<hbm>> -> memref<10000x128xf32, #tpu.memory_space<hbm>>
      tpu.enqueue_indirect_dma source(%dma_start3A_53 : memref<10000x128xf32, #tpu.memory_space<hbm>>) target(%arg12 : memref<80x128xf32, #tpu.memory_space<vmem>>) offsets(%dma_start3A_50 : memref<80xi32, #tpu.memory_space<vmem>>) semaphore(%arg14 : memref<!tpu.dma_semaphore, #tpu.memory_space<semaphore_mem>>)
      %mul3A_54 = arith.constant 2 : i32
      %mul3A_55 = arith.muli %mul3A_54, %scan3A_35 : i32
      %dma_wait3A_56 = arith.constant 0 : i32
      %dma_wait3A_57 = arith.constant 0 : i32
      %dma_wait3A_58 = tpu.memref_slice %arg2[%dma_wait3A_56, %dma_wait3A_57] : memref<10000x128xf32, #tpu.memory_space<hbm>> -> memref<80x128xf32, #tpu.memory_space<hbm>>
      %dma_wait3A_59 = arith.constant 0 : i32
      %dma_wait3A_60 = arith.constant 0 : i32
      %dma_wait3A_61 = tpu.memref_slice %arg2[%dma_wait3A_59, %dma_wait3A_60] : memref<10000x128xf32, #tpu.memory_space<hbm>> -> memref<80x128xf32, #tpu.memory_space<hbm>>
      tpu.wait_dma2 semaphore(%arg13 : memref<!tpu.dma_semaphore, #tpu.memory_space<semaphore_mem>>) src(%dma_wait3A_61 : memref<80x128xf32, #tpu.memory_space<hbm>>) dst(%arg8 : memref<80x128xf32, #tpu.memory_space<vmem>>)
      %dma_wait3A_62 = arith.constant 0 : i32
      %dma_wait3A_63 = arith.constant 0 : i32
      %dma_wait3A_64 = tpu.memref_slice %arg3[%dma_wait3A_62, %dma_wait3A_63] : memref<10000x128xf32, #tpu.memory_space<hbm>> -> memref<80x128xf32, #tpu.memory_space<hbm>>
      %dma_wait3A_65 = arith.constant 0 : i32
      %dma_wait3A_66 = arith.constant 0 : i32
      %dma_wait3A_67 = tpu.memref_slice %arg3[%dma_wait3A_65, %dma_wait3A_66] : memref<10000x128xf32, #tpu.memory_space<hbm>> -> memref<80x128xf32, #tpu.memory_space<hbm>>
      tpu.wait_dma2 semaphore(%arg13 : memref<!tpu.dma_semaphore, #tpu.memory_space<semaphore_mem>>) src(%dma_wait3A_67 : memref<80x128xf32, #tpu.memory_space<hbm>>) dst(%arg9 : memref<80x128xf32, #tpu.memory_space<vmem>>)
      %parallel_loop3A_68 = arith.constant 0 : i32
      %parallel_loop3A_69 = arith.constant 80 : i32
      %parallel_loop3A_70 = arith.constant 1 : i32
      scf.for %parallel_loop3A_114 = %parallel_loop3A_68 to %parallel_loop3A_69 step %parallel_loop3A_70  : i32 {
        %parallel_loop3A_115 = arith.index_cast %parallel_loop3A_114 : i32 to index
        %parallel_loop3A_116 = arith.constant 0 : index
        %parallel_loop3A_117 = tpu.vector_load %arg8[%parallel_loop3A_115, %parallel_loop3A_116] {strides = array<i32>} : memref<80x128xf32, #tpu.memory_space<vmem>>, vector<1x16xf32>,
        %parallel_loop3A_118 = vector.shape_cast %parallel_loop3A_117 : vector<1x16xf32> to vector<16xf32>
        %parallel_loop3A_119 = arith.index_cast %parallel_loop3A_114 : i32 to index
        %parallel_loop3A_120 = arith.constant 0 : index
        %parallel_loop3A_121 = tpu.vector_load %arg9[%parallel_loop3A_119, %parallel_loop3A_120] {strides = array<i32>} : memref<80x128xf32, #tpu.memory_space<vmem>>, vector<1x16xf32>,
        %parallel_loop3A_122 = vector.shape_cast %parallel_loop3A_121 : vector<1x16xf32> to vector<16xf32>
        %parallel_loop3A_123 = arith.addf %parallel_loop3A_118, %parallel_loop3A_122 : vector<16xf32>
        %parallel_loop3A_124 = arith.constant 0.00999999977 : f32
        %parallel_loop3A_125 = vector.broadcast %parallel_loop3A_124 : f32 to vector<16xf32>
        %parallel_loop3A_126 = arith.mulf %parallel_loop3A_125, %parallel_loop3A_123 : vector<16xf32>
        %parallel_loop3A_127 = arith.maximumf %parallel_loop3A_123, %parallel_loop3A_126 : vector<16xf32>
        %parallel_loop3A_128 = arith.index_cast %parallel_loop3A_114 : i32 to index
        %parallel_loop3A_129 = arith.constant 0 : index
        %parallel_loop3A_130 = tpu.vector_load %arg8[%parallel_loop3A_128, %parallel_loop3A_129] {strides = array<i32>} : memref<80x128xf32, #tpu.memory_space<vmem>>, vector<1x16xf32>,
        %parallel_loop3A_131 = vector.shape_cast %parallel_loop3A_130 : vector<1x16xf32> to vector<16xf32>
        %parallel_loop3A_132 = vector.shape_cast %parallel_loop3A_127 : vector<16xf32> to vector<1x16xf32>
        tpu.vector_store %arg8[%parallel_loop3A_128, %parallel_loop3A_129], %parallel_loop3A_132 {strides = array<i32>} : memref<80x128xf32, #tpu.memory_space<vmem>>, vector<1x16xf32>,
        %parallel_loop3A_133 = arith.index_cast %parallel_loop3A_114 : i32 to index
        %parallel_loop3A_134 = arith.constant 16 : index
        %parallel_loop3A_135 = tpu.vector_load %arg8[%parallel_loop3A_133, %parallel_loop3A_134] {strides = array<i32>} : memref<80x128xf32, #tpu.memory_space<vmem>>, vector<1x16xf32>,
        %parallel_loop3A_136 = vector.shape_cast %parallel_loop3A_135 : vector<1x16xf32> to vector<16xf32>
        %parallel_loop3A_137 = arith.index_cast %parallel_loop3A_114 : i32 to index
        %parallel_loop3A_138 = arith.constant 16 : index
        %parallel_loop3A_139 = tpu.vector_load %arg9[%parallel_loop3A_137, %parallel_loop3A_138] {strides = array<i32>} : memref<80x128xf32, #tpu.memory_space<vmem>>, vector<1x16xf32>,
        %parallel_loop3A_140 = vector.shape_cast %parallel_loop3A_139 : vector<1x16xf32> to vector<16xf32>
        %parallel_loop3A_141 = arith.addf %parallel_loop3A_136, %parallel_loop3A_140 : vector<16xf32>
        %parallel_loop3A_142 = arith.constant 0.00999999977 : f32
        %parallel_loop3A_143 = vector.broadcast %parallel_loop3A_142 : f32 to vector<16xf32>
        %parallel_loop3A_144 = arith.mulf %parallel_loop3A_143, %parallel_loop3A_141 : vector<16xf32>
        %parallel_loop3A_145 = arith.maximumf %parallel_loop3A_141, %parallel_loop3A_144 : vector<16xf32>
        %parallel_loop3A_146 = arith.index_cast %parallel_loop3A_114 : i32 to index
        %parallel_loop3A_147 = arith.constant 16 : index
        %parallel_loop3A_148 = tpu.vector_load %arg8[%parallel_loop3A_146, %parallel_loop3A_147] {strides = array<i32>} : memref<80x128xf32, #tpu.memory_space<vmem>>, vector<1x16xf32>,
        %parallel_loop3A_149 = vector.shape_cast %parallel_loop3A_148 : vector<1x16xf32> to vector<16xf32>
        %parallel_loop3A_150 = vector.shape_cast %parallel_loop3A_145 : vector<16xf32> to vector<1x16xf32>
        tpu.vector_store %arg8[%parallel_loop3A_146, %parallel_loop3A_147], %parallel_loop3A_150 {strides = array<i32>} : memref<80x128xf32, #tpu.memory_space<vmem>>, vector<1x16xf32>,
        %parallel_loop3A_151 = arith.index_cast %parallel_loop3A_114 : i32 to index
        %parallel_loop3A_152 = arith.constant 32 : index
        %parallel_loop3A_153 = tpu.vector_load %arg8[%parallel_loop3A_151, %parallel_loop3A_152] {strides = array<i32>} : memref<80x128xf32, #tpu.memory_space<vmem>>, vector<1x16xf32>,
        %parallel_loop3A_154 = vector.shape_cast %parallel_loop3A_153 : vector<1x16xf32> to vector<16xf32>
        %parallel_loop3A_155 = arith.index_cast %parallel_loop3A_114 : i32 to index
        %parallel_loop3A_156 = arith.constant 32 : index
        %parallel_loop3A_157 = tpu.vector_load %arg9[%parallel_loop3A_155, %parallel_loop3A_156] {strides = array<i32>} : memref<80x128xf32, #tpu.memory_space<vmem>>, vector<1x16xf32>,
        %parallel_loop3A_158 = vector.shape_cast %parallel_loop3A_157 : vector<1x16xf32> to vector<16xf32>
        %parallel_loop3A_159 = arith.addf %parallel_loop3A_154, %parallel_loop3A_158 : vector<16xf32>
        %parallel_loop3A_160 = arith.constant 0.00999999977 : f32
        %parallel_loop3A_161 = vector.broadcast %parallel_loop3A_160 : f32 to vector<16xf32>
        %parallel_loop3A_162 = arith.mulf %parallel_loop3A_161, %parallel_loop3A_159 : vector<16xf32>
        %parallel_loop3A_163 = arith.maximumf %parallel_loop3A_159, %parallel_loop3A_162 : vector<16xf32>
        %parallel_loop3A_164 = arith.index_cast %parallel_loop3A_114 : i32 to index
        %parallel_loop3A_165 = arith.constant 32 : index
        %parallel_loop3A_166 = tpu.vector_load %arg8[%parallel_loop3A_164, %parallel_loop3A_165] {strides = array<i32>} : memref<80x128xf32, #tpu.memory_space<vmem>>, vector<1x16xf32>,
        %parallel_loop3A_167 = vector.shape_cast %parallel_loop3A_166 : vector<1x16xf32> to vector<16xf32>
        %parallel_loop3A_168 = vector.shape_cast %parallel_loop3A_163 : vector<16xf32> to vector<1x16xf32>
        tpu.vector_store %arg8[%parallel_loop3A_164, %parallel_loop3A_165], %parallel_loop3A_168 {strides = array<i32>} : memref<80x128xf32, #tpu.memory_space<vmem>>, vector<1x16xf32>,
        %parallel_loop3A_169 = arith.index_cast %parallel_loop3A_114 : i32 to index
        %parallel_loop3A_170 = arith.constant 48 : index
        %parallel_loop3A_171 = tpu.vector_load %arg8[%parallel_loop3A_169, %parallel_loop3A_170] {strides = array<i32>} : memref<80x128xf32, #tpu.memory_space<vmem>>, vector<1x16xf32>,
        %parallel_loop3A_172 = vector.shape_cast %parallel_loop3A_171 : vector<1x16xf32> to vector<16xf32>
        %parallel_loop3A_173 = arith.index_cast %parallel_loop3A_114 : i32 to index
        %parallel_loop3A_174 = arith.constant 48 : index
        %parallel_loop3A_175 = tpu.vector_load %arg9[%parallel_loop3A_173, %parallel_loop3A_174] {strides = array<i32>} : memref<80x128xf32, #tpu.memory_space<vmem>>, vector<1x16xf32>,
        %parallel_loop3A_176 = vector.shape_cast %parallel_loop3A_175 : vector<1x16xf32> to vector<16xf32>
        %parallel_loop3A_177 = arith.addf %parallel_loop3A_172, %parallel_loop3A_176 : vector<16xf32>
        %parallel_loop3A_178 = arith.constant 0.00999999977 : f32
        %parallel_loop3A_179 = vector.broadcast %parallel_loop3A_178 : f32 to vector<16xf32>
        %parallel_loop3A_180 = arith.mulf %parallel_loop3A_179, %parallel_loop3A_177 : vector<16xf32>
        %parallel_loop3A_181 = arith.maximumf %parallel_loop3A_177, %parallel_loop3A_180 : vector<16xf32>
        %parallel_loop3A_182 = arith.index_cast %parallel_loop3A_114 : i32 to index
        %parallel_loop3A_183 = arith.constant 48 : index
        %parallel_loop3A_184 = tpu.vector_load %arg8[%parallel_loop3A_182, %parallel_loop3A_183] {strides = array<i32>} : memref<80x128xf32, #tpu.memory_space<vmem>>, vector<1x16xf32>,
        %parallel_loop3A_185 = vector.shape_cast %parallel_loop3A_184 : vector<1x16xf32> to vector<16xf32>
        %parallel_loop3A_186 = vector.shape_cast %parallel_loop3A_181 : vector<16xf32> to vector<1x16xf32>
        tpu.vector_store %arg8[%parallel_loop3A_182, %parallel_loop3A_183], %parallel_loop3A_186 {strides = array<i32>} : memref<80x128xf32, #tpu.memory_space<vmem>>, vector<1x16xf32>,
        %parallel_loop3A_187 = arith.index_cast %parallel_loop3A_114 : i32 to index
        %parallel_loop3A_188 = arith.constant 64 : index
        %parallel_loop3A_189 = tpu.vector_load %arg8[%parallel_loop3A_187, %parallel_loop3A_188] {strides = array<i32>} : memref<80x128xf32, #tpu.memory_space<vmem>>, vector<1x16xf32>,
        %parallel_loop3A_190 = vector.shape_cast %parallel_loop3A_189 : vector<1x16xf32> to vector<16xf32>
        %parallel_loop3A_191 = arith.index_cast %parallel_loop3A_114 : i32 to index
        %parallel_loop3A_192 = arith.constant 64 : index
        %parallel_loop3A_193 = tpu.vector_load %arg9[%parallel_loop3A_191, %parallel_loop3A_192] {strides = array<i32>} : memref<80x128xf32, #tpu.memory_space<vmem>>, vector<1x16xf32>,
        %parallel_loop3A_194 = vector.shape_cast %parallel_loop3A_193 : vector<1x16xf32> to vector<16xf32>
        %parallel_loop3A_195 = arith.addf %parallel_loop3A_190, %parallel_loop3A_194 : vector<16xf32>
        %parallel_loop3A_196 = arith.constant 0.00999999977 : f32
        %parallel_loop3A_197 = vector.broadcast %parallel_loop3A_196 : f32 to vector<16xf32>
        %parallel_loop3A_198 = arith.mulf %parallel_loop3A_197, %parallel_loop3A_195 : vector<16xf32>
        %parallel_loop3A_199 = arith.maximumf %parallel_loop3A_195, %parallel_loop3A_198 : vector<16xf32>
        %parallel_loop3A_200 = arith.index_cast %parallel_loop3A_114 : i32 to index
        %parallel_loop3A_201 = arith.constant 64 : index
        %parallel_loop3A_202 = tpu.vector_load %arg8[%parallel_loop3A_200, %parallel_loop3A_201] {strides = array<i32>} : memref<80x128xf32, #tpu.memory_space<vmem>>, vector<1x16xf32>,
        %parallel_loop3A_203 = vector.shape_cast %parallel_loop3A_202 : vector<1x16xf32> to vector<16xf32>
        %parallel_loop3A_204 = vector.shape_cast %parallel_loop3A_199 : vector<16xf32> to vector<1x16xf32>
        tpu.vector_store %arg8[%parallel_loop3A_200, %parallel_loop3A_201], %parallel_loop3A_204 {strides = array<i32>} : memref<80x128xf32, #tpu.memory_space<vmem>>, vector<1x16xf32>,
        %parallel_loop3A_205 = arith.index_cast %parallel_loop3A_114 : i32 to index
        %parallel_loop3A_206 = arith.constant 80 : index
        %parallel_loop3A_207 = tpu.vector_load %arg8[%parallel_loop3A_205, %parallel_loop3A_206] {strides = array<i32>} : memref<80x128xf32, #tpu.memory_space<vmem>>, vector<1x16xf32>,
        %parallel_loop3A_208 = vector.shape_cast %parallel_loop3A_207 : vector<1x16xf32> to vector<16xf32>
        %parallel_loop3A_209 = arith.index_cast %parallel_loop3A_114 : i32 to index
        %parallel_loop3A_210 = arith.constant 80 : index
        %parallel_loop3A_211 = tpu.vector_load %arg9[%parallel_loop3A_209, %parallel_loop3A_210] {strides = array<i32>} : memref<80x128xf32, #tpu.memory_space<vmem>>, vector<1x16xf32>,
        %parallel_loop3A_212 = vector.shape_cast %parallel_loop3A_211 : vector<1x16xf32> to vector<16xf32>
        %parallel_loop3A_213 = arith.addf %parallel_loop3A_208, %parallel_loop3A_212 : vector<16xf32>
        %parallel_loop3A_214 = arith.constant 0.00999999977 : f32
        %parallel_loop3A_215 = vector.broadcast %parallel_loop3A_214 : f32 to vector<16xf32>
        %parallel_loop3A_216 = arith.mulf %parallel_loop3A_215, %parallel_loop3A_213 : vector<16xf32>
        %parallel_loop3A_217 = arith.maximumf %parallel_loop3A_213, %parallel_loop3A_216 : vector<16xf32>
        %parallel_loop3A_218 = arith.index_cast %parallel_loop3A_114 : i32 to index
        %parallel_loop3A_219 = arith.constant 80 : index
        %parallel_loop3A_220 = tpu.vector_load %arg8[%parallel_loop3A_218, %parallel_loop3A_219] {strides = array<i32>} : memref<80x128xf32, #tpu.memory_space<vmem>>, vector<1x16xf32>,
        %parallel_loop3A_221 = vector.shape_cast %parallel_loop3A_220 : vector<1x16xf32> to vector<16xf32>
        %parallel_loop3A_222 = vector.shape_cast %parallel_loop3A_217 : vector<16xf32> to vector<1x16xf32>
        tpu.vector_store %arg8[%parallel_loop3A_218, %parallel_loop3A_219], %parallel_loop3A_222 {strides = array<i32>} : memref<80x128xf32, #tpu.memory_space<vmem>>, vector<1x16xf32>,
        %parallel_loop3A_223 = arith.index_cast %parallel_loop3A_114 : i32 to index
        %parallel_loop3A_224 = arith.constant 96 : index
        %parallel_loop3A_225 = tpu.vector_load %arg8[%parallel_loop3A_223, %parallel_loop3A_224] {strides = array<i32>} : memref<80x128xf32, #tpu.memory_space<vmem>>, vector<1x16xf32>,
        %parallel_loop3A_226 = vector.shape_cast %parallel_loop3A_225 : vector<1x16xf32> to vector<16xf32>
        %parallel_loop3A_227 = arith.index_cast %parallel_loop3A_114 : i32 to index
        %parallel_loop3A_228 = arith.constant 96 : index
        %parallel_loop3A_229 = tpu.vector_load %arg9[%parallel_loop3A_227, %parallel_loop3A_228] {strides = array<i32>} : memref<80x128xf32, #tpu.memory_space<vmem>>, vector<1x16xf32>,
        %parallel_loop3A_230 = vector.shape_cast %parallel_loop3A_229 : vector<1x16xf32> to vector<16xf32>
        %parallel_loop3A_231 = arith.addf %parallel_loop3A_226, %parallel_loop3A_230 : vector<16xf32>
        %parallel_loop3A_232 = arith.constant 0.00999999977 : f32
        %parallel_loop3A_233 = vector.broadcast %parallel_loop3A_232 : f32 to vector<16xf32>
        %parallel_loop3A_234 = arith.mulf %parallel_loop3A_233, %parallel_loop3A_231 : vector<16xf32>
        %parallel_loop3A_235 = arith.maximumf %parallel_loop3A_231, %parallel_loop3A_234 : vector<16xf32>
        %parallel_loop3A_236 = arith.index_cast %parallel_loop3A_114 : i32 to index
        %parallel_loop3A_237 = arith.constant 96 : index
        %parallel_loop3A_238 = tpu.vector_load %arg8[%parallel_loop3A_236, %parallel_loop3A_237] {strides = array<i32>} : memref<80x128xf32, #tpu.memory_space<vmem>>, vector<1x16xf32>,
        %parallel_loop3A_239 = vector.shape_cast %parallel_loop3A_238 : vector<1x16xf32> to vector<16xf32>
        %parallel_loop3A_240 = vector.shape_cast %parallel_loop3A_235 : vector<16xf32> to vector<1x16xf32>
        tpu.vector_store %arg8[%parallel_loop3A_236, %parallel_loop3A_237], %parallel_loop3A_240 {strides = array<i32>} : memref<80x128xf32, #tpu.memory_space<vmem>>, vector<1x16xf32>,
        %parallel_loop3A_241 = arith.index_cast %parallel_loop3A_114 : i32 to index
        %parallel_loop3A_242 = arith.constant 112 : index
        %parallel_loop3A_243 = tpu.vector_load %arg8[%parallel_loop3A_241, %parallel_loop3A_242] {strides = array<i32>} : memref<80x128xf32, #tpu.memory_space<vmem>>, vector<1x16xf32>,
        %parallel_loop3A_244 = vector.shape_cast %parallel_loop3A_243 : vector<1x16xf32> to vector<16xf32>
        %parallel_loop3A_245 = arith.index_cast %parallel_loop3A_114 : i32 to index
        %parallel_loop3A_246 = arith.constant 112 : index
        %parallel_loop3A_247 = tpu.vector_load %arg9[%parallel_loop3A_245, %parallel_loop3A_246] {strides = array<i32>} : memref<80x128xf32, #tpu.memory_space<vmem>>, vector<1x16xf32>,
        %parallel_loop3A_248 = vector.shape_cast %parallel_loop3A_247 : vector<1x16xf32> to vector<16xf32>
        %parallel_loop3A_249 = arith.addf %parallel_loop3A_244, %parallel_loop3A_248 : vector<16xf32>
        %parallel_loop3A_250 = arith.constant 0.00999999977 : f32
        %parallel_loop3A_251 = vector.broadcast %parallel_loop3A_250 : f32 to vector<16xf32>
        %parallel_loop3A_252 = arith.mulf %parallel_loop3A_251, %parallel_loop3A_249 : vector<16xf32>
        %parallel_loop3A_253 = arith.maximumf %parallel_loop3A_249, %parallel_loop3A_252 : vector<16xf32>
        %parallel_loop3A_254 = arith.index_cast %parallel_loop3A_114 : i32 to index
        %parallel_loop3A_255 = arith.constant 112 : index
        %parallel_loop3A_256 = tpu.vector_load %arg8[%parallel_loop3A_254, %parallel_loop3A_255] {strides = array<i32>} : memref<80x128xf32, #tpu.memory_space<vmem>>, vector<1x16xf32>,
        %parallel_loop3A_257 = vector.shape_cast %parallel_loop3A_256 : vector<1x16xf32> to vector<16xf32>
        %parallel_loop3A_258 = vector.shape_cast %parallel_loop3A_253 : vector<16xf32> to vector<1x16xf32>
        tpu.vector_store %arg8[%parallel_loop3A_254, %parallel_loop3A_255], %parallel_loop3A_258 {strides = array<i32>} : memref<80x128xf32, #tpu.memory_space<vmem>>, vector<1x16xf32>,
      } {sc.loop_unroll_factor = 4 : i64, sc.parallel_access}
      %mul3A_71 = arith.constant 80 : i32
      %mul3A_72 = arith.muli %mul3A_55, %mul3A_71 : i32
      %add3A_73 = arith.addi %mul3A_2, %mul3A_72 : i32
      "tpu.region"() ({
        %run_scoped3A = tpu.sem_alloc : memref<!tpu.dma_semaphore, #tpu.memory_space<semaphore_mem>>
        %dma_start3A_114 = arith.constant 0 : i32
        %dma_start3A_115 = tpu.memref_slice %arg6[%add3A_73, %dma_start3A_114] : memref<320000x128xf32, #tpu.memory_space<hbm>> -> memref<80x128xf32, #tpu.memory_space<hbm>>
        %dma_start3A_116 = arith.constant 0 : i32
        %dma_start3A_117 = tpu.memref_slice %arg6[%add3A_73, %dma_start3A_116] : memref<320000x128xf32, #tpu.memory_space<hbm>> -> memref<80x128xf32, #tpu.memory_space<hbm>>
        tpu.enqueue_dma source(%arg8 : memref<80x128xf32, #tpu.memory_space<vmem>>) target(%dma_start3A_117 : memref<80x128xf32, #tpu.memory_space<hbm>>) target_semaphore(%run_scoped3A : memref<!tpu.dma_semaphore, #tpu.memory_space<semaphore_mem>>)
        %dma_wait3A_118 = arith.constant 0 : i32
        %dma_wait3A_119 = tpu.memref_slice %arg6[%add3A_73, %dma_wait3A_118] : memref<320000x128xf32, #tpu.memory_space<hbm>> -> memref<80x128xf32, #tpu.memory_space<hbm>>
        %dma_wait3A_120 = arith.constant 0 : i32
        %dma_wait3A_121 = tpu.memref_slice %arg6[%add3A_73, %dma_wait3A_120] : memref<320000x128xf32, #tpu.memory_space<hbm>> -> memref<80x128xf32, #tpu.memory_space<hbm>>
        tpu.wait_dma2 semaphore(%run_scoped3A : memref<!tpu.dma_semaphore, #tpu.memory_space<semaphore_mem>>) src(%arg8 : memref<80x128xf32, #tpu.memory_space<vmem>>) dst(%dma_wait3A_121 : memref<80x128xf32, #tpu.memory_space<hbm>>)
        tpu.yield
      }) : () -> ()
      %mul3A_74 = arith.constant 2 : i32
      %mul3A_75 = arith.muli %mul3A_74, %scan3A_35 : i32
      %add3A_76 = arith.constant 2 : i32
      %add3A_77 = arith.addi %mul3A_75, %add3A_76 : i32
      %mul3A_78 = arith.constant 80 : i32
      %mul3A_79 = arith.muli %add3A_77, %mul3A_78 : i32
      %add3A_80 = arith.addi %mul3A_2, %mul3A_79 : i32
      "tpu.region"() ({
        %run_scoped3A = tpu.sem_alloc : memref<!tpu.dma_semaphore, #tpu.memory_space<semaphore_mem>>
        %dma_start3A_114 = arith.constant 0 : i32
        %dma_start3A_115 = tpu.memref_slice %arg7[%dma_start3A_114] : memref<160xi32, #tpu.memory_space<vmem>> -> memref<80xi32, #tpu.memory_space<vmem>>
        %dma_start3A_116 = tpu.memref_slice %arg4[%add3A_80] : memref<320000xi32, #tpu.memory_space<hbm>> -> memref<80xi32, #tpu.memory_space<hbm>>
        %dma_start3A_117 = arith.constant 0 : i32
        %dma_start3A_118 = tpu.memref_slice %arg7[%dma_start3A_117] : memref<160xi32, #tpu.memory_space<vmem>> -> memref<80xi32, #tpu.memory_space<vmem>>
        %dma_start3A_119 = tpu.memref_slice %arg4[%add3A_80] : memref<320000xi32, #tpu.memory_space<hbm>> -> memref<80xi32, #tpu.memory_space<hbm>>
        tpu.enqueue_dma source(%dma_start3A_119 : memref<80xi32, #tpu.memory_space<hbm>>) target(%dma_start3A_118 : memref<80xi32, #tpu.memory_space<vmem>>) target_semaphore(%run_scoped3A : memref<!tpu.dma_semaphore, #tpu.memory_space<semaphore_mem>>)
        %dma_wait3A_120 = arith.constant 0 : i32
        %dma_wait3A_121 = tpu.memref_slice %arg7[%dma_wait3A_120] : memref<160xi32, #tpu.memory_space<vmem>> -> memref<80xi32, #tpu.memory_space<vmem>>
        %dma_wait3A_122 = tpu.memref_slice %arg4[%add3A_80] : memref<320000xi32, #tpu.memory_space<hbm>> -> memref<80xi32, #tpu.memory_space<hbm>>
        %dma_wait3A_123 = arith.constant 0 : i32
        %dma_wait3A_124 = tpu.memref_slice %arg7[%dma_wait3A_123] : memref<160xi32, #tpu.memory_space<vmem>> -> memref<80xi32, #tpu.memory_space<vmem>>
        %dma_wait3A_125 = tpu.memref_slice %arg4[%add3A_80] : memref<320000xi32, #tpu.memory_space<hbm>> -> memref<80xi32, #tpu.memory_space<hbm>>
        tpu.wait_dma2 semaphore(%run_scoped3A : memref<!tpu.dma_semaphore, #tpu.memory_space<semaphore_mem>>) src(%dma_wait3A_125 : memref<80xi32, #tpu.memory_space<hbm>>) dst(%dma_wait3A_124 : memref<80xi32, #tpu.memory_space<vmem>>)
        tpu.yield
      }) : () -> ()
      "tpu.region"() ({
        %run_scoped3A = tpu.sem_alloc : memref<!tpu.dma_semaphore, #tpu.memory_space<semaphore_mem>>
        %dma_start3A_114 = arith.constant 80 : i32
        %dma_start3A_115 = tpu.memref_slice %arg7[%dma_start3A_114] : memref<160xi32, #tpu.memory_space<vmem>> -> memref<80xi32, #tpu.memory_space<vmem>>
        %dma_start3A_116 = tpu.memref_slice %arg5[%add3A_80] : memref<320000xi32, #tpu.memory_space<hbm>> -> memref<80xi32, #tpu.memory_space<hbm>>
        %dma_start3A_117 = arith.constant 80 : i32
        %dma_start3A_118 = tpu.memref_slice %arg7[%dma_start3A_117] : memref<160xi32, #tpu.memory_space<vmem>> -> memref<80xi32, #tpu.memory_space<vmem>>
        %dma_start3A_119 = tpu.memref_slice %arg5[%add3A_80] : memref<320000xi32, #tpu.memory_space<hbm>> -> memref<80xi32, #tpu.memory_space<hbm>>
        tpu.enqueue_dma source(%dma_start3A_119 : memref<80xi32, #tpu.memory_space<hbm>>) target(%dma_start3A_118 : memref<80xi32, #tpu.memory_space<vmem>>) target_semaphore(%run_scoped3A : memref<!tpu.dma_semaphore, #tpu.memory_space<semaphore_mem>>)
        %dma_wait3A_120 = arith.constant 80 : i32
        %dma_wait3A_121 = tpu.memref_slice %arg7[%dma_wait3A_120] : memref<160xi32, #tpu.memory_space<vmem>> -> memref<80xi32, #tpu.memory_space<vmem>>
        %dma_wait3A_122 = tpu.memref_slice %arg5[%add3A_80] : memref<320000xi32, #tpu.memory_space<hbm>> -> memref<80xi32, #tpu.memory_space<hbm>>
        %dma_wait3A_123 = arith.constant 80 : i32
        %dma_wait3A_124 = tpu.memref_slice %arg7[%dma_wait3A_123] : memref<160xi32, #tpu.memory_space<vmem>> -> memref<80xi32, #tpu.memory_space<vmem>>
        %dma_wait3A_125 = tpu.memref_slice %arg5[%add3A_80] : memref<320000xi32, #tpu.memory_space<hbm>> -> memref<80xi32, #tpu.memory_space<hbm>>
        tpu.wait_dma2 semaphore(%run_scoped3A : memref<!tpu.dma_semaphore, #tpu.memory_space<semaphore_mem>>) src(%dma_wait3A_125 : memref<80xi32, #tpu.memory_space<hbm>>) dst(%dma_wait3A_124 : memref<80xi32, #tpu.memory_space<vmem>>)
        tpu.yield
      }) : () -> ()
      %dma_start3A_81 = arith.constant 0 : i32
      %dma_start3A_82 = tpu.memref_slice %arg7[%dma_start3A_81] : memref<160xi32, #tpu.memory_space<vmem>> -> memref<80xi32, #tpu.memory_space<vmem>>
      %dma_start3A_83 = arith.constant 0 : i32
      %dma_start3A_84 = arith.constant 0 : i32
      %dma_start3A_85 = tpu.memref_slice %arg2[%dma_start3A_83, %dma_start3A_84] : memref<10000x128xf32, #tpu.memory_space<hbm>> -> memref<10000x128xf32, #tpu.memory_space<hbm>>
      tpu.enqueue_indirect_dma source(%dma_start3A_85 : memref<10000x128xf32, #tpu.memory_space<hbm>>) target(%arg8 : memref<80x128xf32, #tpu.memory_space<vmem>>) offsets(%dma_start3A_82 : memref<80xi32, #tpu.memory_space<vmem>>) semaphore(%arg13 : memref<!tpu.dma_semaphore, #tpu.memory_space<semaphore_mem>>)
      %dma_start3A_86 = arith.constant 80 : i32
      %dma_start3A_87 = tpu.memref_slice %arg7[%dma_start3A_86] : memref<160xi32, #tpu.memory_space<vmem>> -> memref<80xi32, #tpu.memory_space<vmem>>
      %dma_start3A_88 = arith.constant 0 : i32
      %dma_start3A_89 = arith.constant 0 : i32
      %dma_start3A_90 = tpu.memref_slice %arg3[%dma_start3A_88, %dma_start3A_89] : memref<10000x128xf32, #tpu.memory_space<hbm>> -> memref<10000x128xf32, #tpu.memory_space<hbm>>
      tpu.enqueue_indirect_dma source(%dma_start3A_90 : memref<10000x128xf32, #tpu.memory_space<hbm>>) target(%arg9 : memref<80x128xf32, #tpu.memory_space<vmem>>) offsets(%dma_start3A_87 : memref<80xi32, #tpu.memory_space<vmem>>) semaphore(%arg13 : memref<!tpu.dma_semaphore, #tpu.memory_space<semaphore_mem>>)
      %mul3A_91 = arith.constant 2 : i32
      %mul3A_92 = arith.muli %mul3A_91, %scan3A_35 : i32
      %add3A_93 = arith.constant 1 : i32
      %add3A_94 = arith.addi %mul3A_92, %add3A_93 : i32
      %dma_wait3A_95 = arith.constant 0 : i32
      %dma_wait3A_96 = arith.constant 0 : i32
      %dma_wait3A_97 = tpu.memref_slice %arg2[%dma_wait3A_95, %dma_wait3A_96] : memref<10000x128xf32, #tpu.memory_space<hbm>> -> memref<80x128xf32, #tpu.memory_space<hbm>>
      %dma_wait3A_98 = arith.constant 0 : i32
      %dma_wait3A_99 = arith.constant 0 : i32
      %dma_wait3A_100 = tpu.memref_slice %arg2[%dma_wait3A_98, %dma_wait3A_99] : memref<10000x128xf32, #tpu.memory_space<hbm>> -> memref<80x128xf32, #tpu.memory_space<hbm>>
      tpu.wait_dma2 semaphore(%arg14 : memref<!tpu.dma_semaphore, #tpu.memory_space<semaphore_mem>>) src(%dma_wait3A_100 : memref<80x128xf32, #tpu.memory_space<hbm>>) dst(%arg11 : memref<80x128xf32, #tpu.memory_space<vmem>>)
      %dma_wait3A_101 = arith.constant 0 : i32
      %dma_wait3A_102 = arith.constant 0 : i32
      %dma_wait3A_103 = tpu.memref_slice %arg3[%dma_wait3A_101, %dma_wait3A_102] : memref<10000x128xf32, #tpu.memory_space<hbm>> -> memref<80x128xf32, #tpu.memory_space<hbm>>
      %dma_wait3A_104 = arith.constant 0 : i32
      %dma_wait3A_105 = arith.constant 0 : i32
      %dma_wait3A_106 = tpu.memref_slice %arg3[%dma_wait3A_104, %dma_wait3A_105] : memref<10000x128xf32, #tpu.memory_space<hbm>> -> memref<80x128xf32, #tpu.memory_space<hbm>>
      tpu.wait_dma2 semaphore(%arg14 : memref<!tpu.dma_semaphore, #tpu.memory_space<semaphore_mem>>) src(%dma_wait3A_106 : memref<80x128xf32, #tpu.memory_space<hbm>>) dst(%arg12 : memref<80x128xf32, #tpu.memory_space<vmem>>)
      %parallel_loop3A_107 = arith.constant 0 : i32
      %parallel_loop3A_108 = arith.constant 80 : i32
      %parallel_loop3A_109 = arith.constant 1 : i32
      scf.for %parallel_loop3A_114 = %parallel_loop3A_107 to %parallel_loop3A_108 step %parallel_loop3A_109  : i32 {
        %parallel_loop3A_115 = arith.index_cast %parallel_loop3A_114 : i32 to index
        %parallel_loop3A_116 = arith.constant 0 : index
        %parallel_loop3A_117 = tpu.vector_load %arg11[%parallel_loop3A_115, %parallel_loop3A_116] {strides = array<i32>} : memref<80x128xf32, #tpu.memory_space<vmem>>, vector<1x16xf32>,
        %parallel_loop3A_118 = vector.shape_cast %parallel_loop3A_117 : vector<1x16xf32> to vector<16xf32>
        %parallel_loop3A_119 = arith.index_cast %parallel_loop3A_114 : i32 to index
        %parallel_loop3A_120 = arith.constant 0 : index
        %parallel_loop3A_121 = tpu.vector_load %arg12[%parallel_loop3A_119, %parallel_loop3A_120] {strides = array<i32>} : memref<80x128xf32, #tpu.memory_space<vmem>>, vector<1x16xf32>,
        %parallel_loop3A_122 = vector.shape_cast %parallel_loop3A_121 : vector<1x16xf32> to vector<16xf32>
        %parallel_loop3A_123 = arith.addf %parallel_loop3A_118, %parallel_loop3A_122 : vector<16xf32>
        %parallel_loop3A_124 = arith.constant 0.00999999977 : f32
        %parallel_loop3A_125 = vector.broadcast %parallel_loop3A_124 : f32 to vector<16xf32>
        %parallel_loop3A_126 = arith.mulf %parallel_loop3A_125, %parallel_loop3A_123 : vector<16xf32>
        %parallel_loop3A_127 = arith.maximumf %parallel_loop3A_123, %parallel_loop3A_126 : vector<16xf32>
        %parallel_loop3A_128 = arith.index_cast %parallel_loop3A_114 : i32 to index
        %parallel_loop3A_129 = arith.constant 0 : index
        %parallel_loop3A_130 = tpu.vector_load %arg11[%parallel_loop3A_128, %parallel_loop3A_129] {strides = array<i32>} : memref<80x128xf32, #tpu.memory_space<vmem>>, vector<1x16xf32>,
        %parallel_loop3A_131 = vector.shape_cast %parallel_loop3A_130 : vector<1x16xf32> to vector<16xf32>
        %parallel_loop3A_132 = vector.shape_cast %parallel_loop3A_127 : vector<16xf32> to vector<1x16xf32>
        tpu.vector_store %arg11[%parallel_loop3A_128, %parallel_loop3A_129], %parallel_loop3A_132 {strides = array<i32>} : memref<80x128xf32, #tpu.memory_space<vmem>>, vector<1x16xf32>,
        %parallel_loop3A_133 = arith.index_cast %parallel_loop3A_114 : i32 to index
        %parallel_loop3A_134 = arith.constant 16 : index
        %parallel_loop3A_135 = tpu.vector_load %arg11[%parallel_loop3A_133, %parallel_loop3A_134] {strides = array<i32>} : memref<80x128xf32, #tpu.memory_space<vmem>>, vector<1x16xf32>,
        %parallel_loop3A_136 = vector.shape_cast %parallel_loop3A_135 : vector<1x16xf32> to vector<16xf32>
        %parallel_loop3A_137 = arith.index_cast %parallel_loop3A_114 : i32 to index
        %parallel_loop3A_138 = arith.constant 16 : index
        %parallel_loop3A_139 = tpu.vector_load %arg12[%parallel_loop3A_137, %parallel_loop3A_138] {strides = array<i32>} : memref<80x128xf32, #tpu.memory_space<vmem>>, vector<1x16xf32>,
        %parallel_loop3A_140 = vector.shape_cast %parallel_loop3A_139 : vector<1x16xf32> to vector<16xf32>
        %parallel_loop3A_141 = arith.addf %parallel_loop3A_136, %parallel_loop3A_140 : vector<16xf32>
        %parallel_loop3A_142 = arith.constant 0.00999999977 : f32
        %parallel_loop3A_143 = vector.broadcast %parallel_loop3A_142 : f32 to vector<16xf32>
        %parallel_loop3A_144 = arith.mulf %parallel_loop3A_143, %parallel_loop3A_141 : vector<16xf32>
        %parallel_loop3A_145 = arith.maximumf %parallel_loop3A_141, %parallel_loop3A_144 : vector<16xf32>
        %parallel_loop3A_146 = arith.index_cast %parallel_loop3A_114 : i32 to index
        %parallel_loop3A_147 = arith.constant 16 : index
        %parallel_loop3A_148 = tpu.vector_load %arg11[%parallel_loop3A_146, %parallel_loop3A_147] {strides = array<i32>} : memref<80x128xf32, #tpu.memory_space<vmem>>, vector<1x16xf32>,
        %parallel_loop3A_149 = vector.shape_cast %parallel_loop3A_148 : vector<1x16xf32> to vector<16xf32>
        %parallel_loop3A_150 = vector.shape_cast %parallel_loop3A_145 : vector<16xf32> to vector<1x16xf32>
        tpu.vector_store %arg11[%parallel_loop3A_146, %parallel_loop3A_147], %parallel_loop3A_150 {strides = array<i32>} : memref<80x128xf32, #tpu.memory_space<vmem>>, vector<1x16xf32>,
        %parallel_loop3A_151 = arith.index_cast %parallel_loop3A_114 : i32 to index
        %parallel_loop3A_152 = arith.constant 32 : index
        %parallel_loop3A_153 = tpu.vector_load %arg11[%parallel_loop3A_151, %parallel_loop3A_152] {strides = array<i32>} : memref<80x128xf32, #tpu.memory_space<vmem>>, vector<1x16xf32>,
        %parallel_loop3A_154 = vector.shape_cast %parallel_loop3A_153 : vector<1x16xf32> to vector<16xf32>
        %parallel_loop3A_155 = arith.index_cast %parallel_loop3A_114 : i32 to index
        %parallel_loop3A_156 = arith.constant 32 : index
        %parallel_loop3A_157 = tpu.vector_load %arg12[%parallel_loop3A_155, %parallel_loop3A_156] {strides = array<i32>} : memref<80x128xf32, #tpu.memory_space<vmem>>, vector<1x16xf32>,
        %parallel_loop3A_158 = vector.shape_cast %parallel_loop3A_157 : vector<1x16xf32> to vector<16xf32>
        %parallel_loop3A_159 = arith.addf %parallel_loop3A_154, %parallel_loop3A_158 : vector<16xf32>
        %parallel_loop3A_160 = arith.constant 0.00999999977 : f32
        %parallel_loop3A_161 = vector.broadcast %parallel_loop3A_160 : f32 to vector<16xf32>
        %parallel_loop3A_162 = arith.mulf %parallel_loop3A_161, %parallel_loop3A_159 : vector<16xf32>
        %parallel_loop3A_163 = arith.maximumf %parallel_loop3A_159, %parallel_loop3A_162 : vector<16xf32>
        %parallel_loop3A_164 = arith.index_cast %parallel_loop3A_114 : i32 to index
        %parallel_loop3A_165 = arith.constant 32 : index
        %parallel_loop3A_166 = tpu.vector_load %arg11[%parallel_loop3A_164, %parallel_loop3A_165] {strides = array<i32>} : memref<80x128xf32, #tpu.memory_space<vmem>>, vector<1x16xf32>,
        %parallel_loop3A_167 = vector.shape_cast %parallel_loop3A_166 : vector<1x16xf32> to vector<16xf32>
        %parallel_loop3A_168 = vector.shape_cast %parallel_loop3A_163 : vector<16xf32> to vector<1x16xf32>
        tpu.vector_store %arg11[%parallel_loop3A_164, %parallel_loop3A_165], %parallel_loop3A_168 {strides = array<i32>} : memref<80x128xf32, #tpu.memory_space<vmem>>, vector<1x16xf32>,
        %parallel_loop3A_169 = arith.index_cast %parallel_loop3A_114 : i32 to index
        %parallel_loop3A_170 = arith.constant 48 : index
        %parallel_loop3A_171 = tpu.vector_load %arg11[%parallel_loop3A_169, %parallel_loop3A_170] {strides = array<i32>} : memref<80x128xf32, #tpu.memory_space<vmem>>, vector<1x16xf32>,
        %parallel_loop3A_172 = vector.shape_cast %parallel_loop3A_171 : vector<1x16xf32> to vector<16xf32>
        %parallel_loop3A_173 = arith.index_cast %parallel_loop3A_114 : i32 to index
        %parallel_loop3A_174 = arith.constant 48 : index
        %parallel_loop3A_175 = tpu.vector_load %arg12[%parallel_loop3A_173, %parallel_loop3A_174] {strides = array<i32>} : memref<80x128xf32, #tpu.memory_space<vmem>>, vector<1x16xf32>,
        %parallel_loop3A_176 = vector.shape_cast %parallel_loop3A_175 : vector<1x16xf32> to vector<16xf32>
        %parallel_loop3A_177 = arith.addf %parallel_loop3A_172, %parallel_loop3A_176 : vector<16xf32>
        %parallel_loop3A_178 = arith.constant 0.00999999977 : f32
        %parallel_loop3A_179 = vector.broadcast %parallel_loop3A_178 : f32 to vector<16xf32>
        %parallel_loop3A_180 = arith.mulf %parallel_loop3A_179, %parallel_loop3A_177 : vector<16xf32>
        %parallel_loop3A_181 = arith.maximumf %parallel_loop3A_177, %parallel_loop3A_180 : vector<16xf32>
        %parallel_loop3A_182 = arith.index_cast %parallel_loop3A_114 : i32 to index
        %parallel_loop3A_183 = arith.constant 48 : index
        %parallel_loop3A_184 = tpu.vector_load %arg11[%parallel_loop3A_182, %parallel_loop3A_183] {strides = array<i32>} : memref<80x128xf32, #tpu.memory_space<vmem>>, vector<1x16xf32>,
        %parallel_loop3A_185 = vector.shape_cast %parallel_loop3A_184 : vector<1x16xf32> to vector<16xf32>
        %parallel_loop3A_186 = vector.shape_cast %parallel_loop3A_181 : vector<16xf32> to vector<1x16xf32>
        tpu.vector_store %arg11[%parallel_loop3A_182, %parallel_loop3A_183], %parallel_loop3A_186 {strides = array<i32>} : memref<80x128xf32, #tpu.memory_space<vmem>>, vector<1x16xf32>,
        %parallel_loop3A_187 = arith.index_cast %parallel_loop3A_114 : i32 to index
        %parallel_loop3A_188 = arith.constant 64 : index
        %parallel_loop3A_189 = tpu.vector_load %arg11[%parallel_loop3A_187, %parallel_loop3A_188] {strides = array<i32>} : memref<80x128xf32, #tpu.memory_space<vmem>>, vector<1x16xf32>,
        %parallel_loop3A_190 = vector.shape_cast %parallel_loop3A_189 : vector<1x16xf32> to vector<16xf32>
        %parallel_loop3A_191 = arith.index_cast %parallel_loop3A_114 : i32 to index
        %parallel_loop3A_192 = arith.constant 64 : index
        %parallel_loop3A_193 = tpu.vector_load %arg12[%parallel_loop3A_191, %parallel_loop3A_192] {strides = array<i32>} : memref<80x128xf32, #tpu.memory_space<vmem>>, vector<1x16xf32>,
        %parallel_loop3A_194 = vector.shape_cast %parallel_loop3A_193 : vector<1x16xf32> to vector<16xf32>
        %parallel_loop3A_195 = arith.addf %parallel_loop3A_190, %parallel_loop3A_194 : vector<16xf32>
        %parallel_loop3A_196 = arith.constant 0.00999999977 : f32
        %parallel_loop3A_197 = vector.broadcast %parallel_loop3A_196 : f32 to vector<16xf32>
        %parallel_loop3A_198 = arith.mulf %parallel_loop3A_197, %parallel_loop3A_195 : vector<16xf32>
        %parallel_loop3A_199 = arith.maximumf %parallel_loop3A_195, %parallel_loop3A_198 : vector<16xf32>
        %parallel_loop3A_200 = arith.index_cast %parallel_loop3A_114 : i32 to index
        %parallel_loop3A_201 = arith.constant 64 : index
        %parallel_loop3A_202 = tpu.vector_load %arg11[%parallel_loop3A_200, %parallel_loop3A_201] {strides = array<i32>} : memref<80x128xf32, #tpu.memory_space<vmem>>, vector<1x16xf32>,
        %parallel_loop3A_203 = vector.shape_cast %parallel_loop3A_202 : vector<1x16xf32> to vector<16xf32>
        %parallel_loop3A_204 = vector.shape_cast %parallel_loop3A_199 : vector<16xf32> to vector<1x16xf32>
        tpu.vector_store %arg11[%parallel_loop3A_200, %parallel_loop3A_201], %parallel_loop3A_204 {strides = array<i32>} : memref<80x128xf32, #tpu.memory_space<vmem>>, vector<1x16xf32>,
        %parallel_loop3A_205 = arith.index_cast %parallel_loop3A_114 : i32 to index
        %parallel_loop3A_206 = arith.constant 80 : index
        %parallel_loop3A_207 = tpu.vector_load %arg11[%parallel_loop3A_205, %parallel_loop3A_206] {strides = array<i32>} : memref<80x128xf32, #tpu.memory_space<vmem>>, vector<1x16xf32>,
        %parallel_loop3A_208 = vector.shape_cast %parallel_loop3A_207 : vector<1x16xf32> to vector<16xf32>
        %parallel_loop3A_209 = arith.index_cast %parallel_loop3A_114 : i32 to index
        %parallel_loop3A_210 = arith.constant 80 : index
        %parallel_loop3A_211 = tpu.vector_load %arg12[%parallel_loop3A_209, %parallel_loop3A_210] {strides = array<i32>} : memref<80x128xf32, #tpu.memory_space<vmem>>, vector<1x16xf32>,
        %parallel_loop3A_212 = vector.shape_cast %parallel_loop3A_211 : vector<1x16xf32> to vector<16xf32>
        %parallel_loop3A_213 = arith.addf %parallel_loop3A_208, %parallel_loop3A_212 : vector<16xf32>
        %parallel_loop3A_214 = arith.constant 0.00999999977 : f32
        %parallel_loop3A_215 = vector.broadcast %parallel_loop3A_214 : f32 to vector<16xf32>
        %parallel_loop3A_216 = arith.mulf %parallel_loop3A_215, %parallel_loop3A_213 : vector<16xf32>
        %parallel_loop3A_217 = arith.maximumf %parallel_loop3A_213, %parallel_loop3A_216 : vector<16xf32>
        %parallel_loop3A_218 = arith.index_cast %parallel_loop3A_114 : i32 to index
        %parallel_loop3A_219 = arith.constant 80 : index
        %parallel_loop3A_220 = tpu.vector_load %arg11[%parallel_loop3A_218, %parallel_loop3A_219] {strides = array<i32>} : memref<80x128xf32, #tpu.memory_space<vmem>>, vector<1x16xf32>,
        %parallel_loop3A_221 = vector.shape_cast %parallel_loop3A_220 : vector<1x16xf32> to vector<16xf32>
        %parallel_loop3A_222 = vector.shape_cast %parallel_loop3A_217 : vector<16xf32> to vector<1x16xf32>
        tpu.vector_store %arg11[%parallel_loop3A_218, %parallel_loop3A_219], %parallel_loop3A_222 {strides = array<i32>} : memref<80x128xf32, #tpu.memory_space<vmem>>, vector<1x16xf32>,
        %parallel_loop3A_223 = arith.index_cast %parallel_loop3A_114 : i32 to index
        %parallel_loop3A_224 = arith.constant 96 : index
        %parallel_loop3A_225 = tpu.vector_load %arg11[%parallel_loop3A_223, %parallel_loop3A_224] {strides = array<i32>} : memref<80x128xf32, #tpu.memory_space<vmem>>, vector<1x16xf32>,
        %parallel_loop3A_226 = vector.shape_cast %parallel_loop3A_225 : vector<1x16xf32> to vector<16xf32>
        %parallel_loop3A_227 = arith.index_cast %parallel_loop3A_114 : i32 to index
        %parallel_loop3A_228 = arith.constant 96 : index
        %parallel_loop3A_229 = tpu.vector_load %arg12[%parallel_loop3A_227, %parallel_loop3A_228] {strides = array<i32>} : memref<80x128xf32, #tpu.memory_space<vmem>>, vector<1x16xf32>,
        %parallel_loop3A_230 = vector.shape_cast %parallel_loop3A_229 : vector<1x16xf32> to vector<16xf32>
        %parallel_loop3A_231 = arith.addf %parallel_loop3A_226, %parallel_loop3A_230 : vector<16xf32>
        %parallel_loop3A_232 = arith.constant 0.00999999977 : f32
        %parallel_loop3A_233 = vector.broadcast %parallel_loop3A_232 : f32 to vector<16xf32>
        %parallel_loop3A_234 = arith.mulf %parallel_loop3A_233, %parallel_loop3A_231 : vector<16xf32>
        %parallel_loop3A_235 = arith.maximumf %parallel_loop3A_231, %parallel_loop3A_234 : vector<16xf32>
        %parallel_loop3A_236 = arith.index_cast %parallel_loop3A_114 : i32 to index
        %parallel_loop3A_237 = arith.constant 96 : index
        %parallel_loop3A_238 = tpu.vector_load %arg11[%parallel_loop3A_236, %parallel_loop3A_237] {strides = array<i32>} : memref<80x128xf32, #tpu.memory_space<vmem>>, vector<1x16xf32>,
        %parallel_loop3A_239 = vector.shape_cast %parallel_loop3A_238 : vector<1x16xf32> to vector<16xf32>
        %parallel_loop3A_240 = vector.shape_cast %parallel_loop3A_235 : vector<16xf32> to vector<1x16xf32>
        tpu.vector_store %arg11[%parallel_loop3A_236, %parallel_loop3A_237], %parallel_loop3A_240 {strides = array<i32>} : memref<80x128xf32, #tpu.memory_space<vmem>>, vector<1x16xf32>,
        %parallel_loop3A_241 = arith.index_cast %parallel_loop3A_114 : i32 to index
        %parallel_loop3A_242 = arith.constant 112 : index
        %parallel_loop3A_243 = tpu.vector_load %arg11[%parallel_loop3A_241, %parallel_loop3A_242] {strides = array<i32>} : memref<80x128xf32, #tpu.memory_space<vmem>>, vector<1x16xf32>,
        %parallel_loop3A_244 = vector.shape_cast %parallel_loop3A_243 : vector<1x16xf32> to vector<16xf32>
        %parallel_loop3A_245 = arith.index_cast %parallel_loop3A_114 : i32 to index
        %parallel_loop3A_246 = arith.constant 112 : index
        %parallel_loop3A_247 = tpu.vector_load %arg12[%parallel_loop3A_245, %parallel_loop3A_246] {strides = array<i32>} : memref<80x128xf32, #tpu.memory_space<vmem>>, vector<1x16xf32>,
        %parallel_loop3A_248 = vector.shape_cast %parallel_loop3A_247 : vector<1x16xf32> to vector<16xf32>
        %parallel_loop3A_249 = arith.addf %parallel_loop3A_244, %parallel_loop3A_248 : vector<16xf32>
        %parallel_loop3A_250 = arith.constant 0.00999999977 : f32
        %parallel_loop3A_251 = vector.broadcast %parallel_loop3A_250 : f32 to vector<16xf32>
        %parallel_loop3A_252 = arith.mulf %parallel_loop3A_251, %parallel_loop3A_249 : vector<16xf32>
        %parallel_loop3A_253 = arith.maximumf %parallel_loop3A_249, %parallel_loop3A_252 : vector<16xf32>
        %parallel_loop3A_254 = arith.index_cast %parallel_loop3A_114 : i32 to index
        %parallel_loop3A_255 = arith.constant 112 : index
        %parallel_loop3A_256 = tpu.vector_load %arg11[%parallel_loop3A_254, %parallel_loop3A_255] {strides = array<i32>} : memref<80x128xf32, #tpu.memory_space<vmem>>, vector<1x16xf32>,
        %parallel_loop3A_257 = vector.shape_cast %parallel_loop3A_256 : vector<1x16xf32> to vector<16xf32>
        %parallel_loop3A_258 = vector.shape_cast %parallel_loop3A_253 : vector<16xf32> to vector<1x16xf32>
        tpu.vector_store %arg11[%parallel_loop3A_254, %parallel_loop3A_255], %parallel_loop3A_258 {strides = array<i32>} : memref<80x128xf32, #tpu.memory_space<vmem>>, vector<1x16xf32>,
      } {sc.loop_unroll_factor = 4 : i64, sc.parallel_access}
      %mul3A_110 = arith.constant 80 : i32
      %mul3A_111 = arith.muli %add3A_94, %mul3A_110 : i32
      %add3A_112 = arith.addi %mul3A_2, %mul3A_111 : i32
      "tpu.region"() ({
        %run_scoped3A = tpu.sem_alloc : memref<!tpu.dma_semaphore, #tpu.memory_space<semaphore_mem>>
        %dma_start3A_114 = arith.constant 0 : i32
        %dma_start3A_115 = tpu.memref_slice %arg6[%add3A_112, %dma_start3A_114] : memref<320000x128xf32, #tpu.memory_space<hbm>> -> memref<80x128xf32, #tpu.memory_space<hbm>>
        %dma_start3A_116 = arith.constant 0 : i32
        %dma_start3A_117 = tpu.memref_slice %arg6[%add3A_112, %dma_start3A_116] : memref<320000x128xf32, #tpu.memory_space<hbm>> -> memref<80x128xf32, #tpu.memory_space<hbm>>
        tpu.enqueue_dma source(%arg11 : memref<80x128xf32, #tpu.memory_space<vmem>>) target(%dma_start3A_117 : memref<80x128xf32, #tpu.memory_space<hbm>>) target_semaphore(%run_scoped3A : memref<!tpu.dma_semaphore, #tpu.memory_space<semaphore_mem>>)
        %dma_wait3A_118 = arith.constant 0 : i32
        %dma_wait3A_119 = tpu.memref_slice %arg6[%add3A_112, %dma_wait3A_118] : memref<320000x128xf32, #tpu.memory_space<hbm>> -> memref<80x128xf32, #tpu.memory_space<hbm>>
        %dma_wait3A_120 = arith.constant 0 : i32
        %dma_wait3A_121 = tpu.memref_slice %arg6[%add3A_112, %dma_wait3A_120] : memref<320000x128xf32, #tpu.memory_space<hbm>> -> memref<80x128xf32, #tpu.memory_space<hbm>>
        tpu.wait_dma2 semaphore(%run_scoped3A : memref<!tpu.dma_semaphore, #tpu.memory_space<semaphore_mem>>) src(%arg11 : memref<80x128xf32, #tpu.memory_space<vmem>>) dst(%dma_wait3A_121 : memref<80x128xf32, #tpu.memory_space<hbm>>)
        tpu.yield
      }) : () -> ()
      %scan3A_113 = arith.constant 0 : i32
      scf.yield %scan3A_113 : i32
    }
    %scan3A_19 = arith.constant 62 : i32
    %dma_wait3A = arith.constant 0 : i32
    %dma_wait3A_20 = arith.constant 0 : i32
    %dma_wait3A_21 = tpu.memref_slice %arg2[%dma_wait3A, %dma_wait3A_20] : memref<10000x128xf32, #tpu.memory_space<hbm>> -> memref<80x128xf32, #tpu.memory_space<hbm>>
    %dma_wait3A_22 = arith.constant 0 : i32
    %dma_wait3A_23 = arith.constant 0 : i32
    %dma_wait3A_24 = tpu.memref_slice %arg2[%dma_wait3A_22, %dma_wait3A_23] : memref<10000x128xf32, #tpu.memory_space<hbm>> -> memref<80x128xf32, #tpu.memory_space<hbm>>
    tpu.wait_dma2 semaphore(%arg13 : memref<!tpu.dma_semaphore, #tpu.memory_space<semaphore_mem>>) src(%dma_wait3A_24 : memref<80x128xf32, #tpu.memory_space<hbm>>) dst(%arg8 : memref<80x128xf32, #tpu.memory_space<vmem>>)
    %dma_wait3A_25 = arith.constant 0 : i32
    %dma_wait3A_26 = arith.constant 0 : i32
    %dma_wait3A_27 = tpu.memref_slice %arg3[%dma_wait3A_25, %dma_wait3A_26] : memref<10000x128xf32, #tpu.memory_space<hbm>> -> memref<80x128xf32, #tpu.memory_space<hbm>>
    %dma_wait3A_28 = arith.constant 0 : i32
    %dma_wait3A_29 = arith.constant 0 : i32
    %dma_wait3A_30 = tpu.memref_slice %arg3[%dma_wait3A_28, %dma_wait3A_29] : memref<10000x128xf32, #tpu.memory_space<hbm>> -> memref<80x128xf32, #tpu.memory_space<hbm>>
    tpu.wait_dma2 semaphore(%arg13 : memref<!tpu.dma_semaphore, #tpu.memory_space<semaphore_mem>>) src(%dma_wait3A_30 : memref<80x128xf32, #tpu.memory_space<hbm>>) dst(%arg9 : memref<80x128xf32, #tpu.memory_space<vmem>>)
    %parallel_loop3A = arith.constant 0 : i32
    %parallel_loop3A_31 = arith.constant 80 : i32
    %parallel_loop3A_32 = arith.constant 1 : i32
    scf.for %parallel_loop3A_35 = %parallel_loop3A to %parallel_loop3A_31 step %parallel_loop3A_32  : i32 {
      %parallel_loop3A_36 = arith.index_cast %parallel_loop3A_35 : i32 to index
      %parallel_loop3A_37 = arith.constant 0 : index
      %parallel_loop3A_38 = tpu.vector_load %arg8[%parallel_loop3A_36, %parallel_loop3A_37] {strides = array<i32>} : memref<80x128xf32, #tpu.memory_space<vmem>>, vector<1x16xf32>,
      %parallel_loop3A_39 = vector.shape_cast %parallel_loop3A_38 : vector<1x16xf32> to vector<16xf32>
      %parallel_loop3A_40 = arith.index_cast %parallel_loop3A_35 : i32 to index
      %parallel_loop3A_41 = arith.constant 0 : index
      %parallel_loop3A_42 = tpu.vector_load %arg9[%parallel_loop3A_40, %parallel_loop3A_41] {strides = array<i32>} : memref<80x128xf32, #tpu.memory_space<vmem>>, vector<1x16xf32>,
      %parallel_loop3A_43 = vector.shape_cast %parallel_loop3A_42 : vector<1x16xf32> to vector<16xf32>
      %parallel_loop3A_44 = arith.addf %parallel_loop3A_39, %parallel_loop3A_43 : vector<16xf32>
      %parallel_loop3A_45 = arith.constant 0.00999999977 : f32
      %parallel_loop3A_46 = vector.broadcast %parallel_loop3A_45 : f32 to vector<16xf32>
      %parallel_loop3A_47 = arith.mulf %parallel_loop3A_46, %parallel_loop3A_44 : vector<16xf32>
      %parallel_loop3A_48 = arith.maximumf %parallel_loop3A_44, %parallel_loop3A_47 : vector<16xf32>
      %parallel_loop3A_49 = arith.index_cast %parallel_loop3A_35 : i32 to index
      %parallel_loop3A_50 = arith.constant 0 : index
      %parallel_loop3A_51 = tpu.vector_load %arg8[%parallel_loop3A_49, %parallel_loop3A_50] {strides = array<i32>} : memref<80x128xf32, #tpu.memory_space<vmem>>, vector<1x16xf32>,
      %parallel_loop3A_52 = vector.shape_cast %parallel_loop3A_51 : vector<1x16xf32> to vector<16xf32>
      %parallel_loop3A_53 = vector.shape_cast %parallel_loop3A_48 : vector<16xf32> to vector<1x16xf32>
      tpu.vector_store %arg8[%parallel_loop3A_49, %parallel_loop3A_50], %parallel_loop3A_53 {strides = array<i32>} : memref<80x128xf32, #tpu.memory_space<vmem>>, vector<1x16xf32>,
      %parallel_loop3A_54 = arith.index_cast %parallel_loop3A_35 : i32 to index
      %parallel_loop3A_55 = arith.constant 16 : index
      %parallel_loop3A_56 = tpu.vector_load %arg8[%parallel_loop3A_54, %parallel_loop3A_55] {strides = array<i32>} : memref<80x128xf32, #tpu.memory_space<vmem>>, vector<1x16xf32>,
      %parallel_loop3A_57 = vector.shape_cast %parallel_loop3A_56 : vector<1x16xf32> to vector<16xf32>
      %parallel_loop3A_58 = arith.index_cast %parallel_loop3A_35 : i32 to index
      %parallel_loop3A_59 = arith.constant 16 : index
      %parallel_loop3A_60 = tpu.vector_load %arg9[%parallel_loop3A_58, %parallel_loop3A_59] {strides = array<i32>} : memref<80x128xf32, #tpu.memory_space<vmem>>, vector<1x16xf32>,
      %parallel_loop3A_61 = vector.shape_cast %parallel_loop3A_60 : vector<1x16xf32> to vector<16xf32>
      %parallel_loop3A_62 = arith.addf %parallel_loop3A_57, %parallel_loop3A_61 : vector<16xf32>
      %parallel_loop3A_63 = arith.constant 0.00999999977 : f32
      %parallel_loop3A_64 = vector.broadcast %parallel_loop3A_63 : f32 to vector<16xf32>
      %parallel_loop3A_65 = arith.mulf %parallel_loop3A_64, %parallel_loop3A_62 : vector<16xf32>
      %parallel_loop3A_66 = arith.maximumf %parallel_loop3A_62, %parallel_loop3A_65 : vector<16xf32>
      %parallel_loop3A_67 = arith.index_cast %parallel_loop3A_35 : i32 to index
      %parallel_loop3A_68 = arith.constant 16 : index
      %parallel_loop3A_69 = tpu.vector_load %arg8[%parallel_loop3A_67, %parallel_loop3A_68] {strides = array<i32>} : memref<80x128xf32, #tpu.memory_space<vmem>>, vector<1x16xf32>,
      %parallel_loop3A_70 = vector.shape_cast %parallel_loop3A_69 : vector<1x16xf32> to vector<16xf32>
      %parallel_loop3A_71 = vector.shape_cast %parallel_loop3A_66 : vector<16xf32> to vector<1x16xf32>
      tpu.vector_store %arg8[%parallel_loop3A_67, %parallel_loop3A_68], %parallel_loop3A_71 {strides = array<i32>} : memref<80x128xf32, #tpu.memory_space<vmem>>, vector<1x16xf32>,
      %parallel_loop3A_72 = arith.index_cast %parallel_loop3A_35 : i32 to index
      %parallel_loop3A_73 = arith.constant 32 : index
      %parallel_loop3A_74 = tpu.vector_load %arg8[%parallel_loop3A_72, %parallel_loop3A_73] {strides = array<i32>} : memref<80x128xf32, #tpu.memory_space<vmem>>, vector<1x16xf32>,
      %parallel_loop3A_75 = vector.shape_cast %parallel_loop3A_74 : vector<1x16xf32> to vector<16xf32>
      %parallel_loop3A_76 = arith.index_cast %parallel_loop3A_35 : i32 to index
      %parallel_loop3A_77 = arith.constant 32 : index
      %parallel_loop3A_78 = tpu.vector_load %arg9[%parallel_loop3A_76, %parallel_loop3A_77] {strides = array<i32>} : memref<80x128xf32, #tpu.memory_space<vmem>>, vector<1x16xf32>,
      %parallel_loop3A_79 = vector.shape_cast %parallel_loop3A_78 : vector<1x16xf32> to vector<16xf32>
      %parallel_loop3A_80 = arith.addf %parallel_loop3A_75, %parallel_loop3A_79 : vector<16xf32>
      %parallel_loop3A_81 = arith.constant 0.00999999977 : f32
      %parallel_loop3A_82 = vector.broadcast %parallel_loop3A_81 : f32 to vector<16xf32>
      %parallel_loop3A_83 = arith.mulf %parallel_loop3A_82, %parallel_loop3A_80 : vector<16xf32>
      %parallel_loop3A_84 = arith.maximumf %parallel_loop3A_80, %parallel_loop3A_83 : vector<16xf32>
      %parallel_loop3A_85 = arith.index_cast %parallel_loop3A_35 : i32 to index
      %parallel_loop3A_86 = arith.constant 32 : index
      %parallel_loop3A_87 = tpu.vector_load %arg8[%parallel_loop3A_85, %parallel_loop3A_86] {strides = array<i32>} : memref<80x128xf32, #tpu.memory_space<vmem>>, vector<1x16xf32>,
      %parallel_loop3A_88 = vector.shape_cast %parallel_loop3A_87 : vector<1x16xf32> to vector<16xf32>
      %parallel_loop3A_89 = vector.shape_cast %parallel_loop3A_84 : vector<16xf32> to vector<1x16xf32>
      tpu.vector_store %arg8[%parallel_loop3A_85, %parallel_loop3A_86], %parallel_loop3A_89 {strides = array<i32>} : memref<80x128xf32, #tpu.memory_space<vmem>>, vector<1x16xf32>,
      %parallel_loop3A_90 = arith.index_cast %parallel_loop3A_35 : i32 to index
      %parallel_loop3A_91 = arith.constant 48 : index
      %parallel_loop3A_92 = tpu.vector_load %arg8[%parallel_loop3A_90, %parallel_loop3A_91] {strides = array<i32>} : memref<80x128xf32, #tpu.memory_space<vmem>>, vector<1x16xf32>,
      %parallel_loop3A_93 = vector.shape_cast %parallel_loop3A_92 : vector<1x16xf32> to vector<16xf32>
      %parallel_loop3A_94 = arith.index_cast %parallel_loop3A_35 : i32 to index
      %parallel_loop3A_95 = arith.constant 48 : index
      %parallel_loop3A_96 = tpu.vector_load %arg9[%parallel_loop3A_94, %parallel_loop3A_95] {strides = array<i32>} : memref<80x128xf32, #tpu.memory_space<vmem>>, vector<1x16xf32>,
      %parallel_loop3A_97 = vector.shape_cast %parallel_loop3A_96 : vector<1x16xf32> to vector<16xf32>
      %parallel_loop3A_98 = arith.addf %parallel_loop3A_93, %parallel_loop3A_97 : vector<16xf32>
      %parallel_loop3A_99 = arith.constant 0.00999999977 : f32
      %parallel_loop3A_100 = vector.broadcast %parallel_loop3A_99 : f32 to vector<16xf32>
      %parallel_loop3A_101 = arith.mulf %parallel_loop3A_100, %parallel_loop3A_98 : vector<16xf32>
      %parallel_loop3A_102 = arith.maximumf %parallel_loop3A_98, %parallel_loop3A_101 : vector<16xf32>
      %parallel_loop3A_103 = arith.index_cast %parallel_loop3A_35 : i32 to index
      %parallel_loop3A_104 = arith.constant 48 : index
      %parallel_loop3A_105 = tpu.vector_load %arg8[%parallel_loop3A_103, %parallel_loop3A_104] {strides = array<i32>} : memref<80x128xf32, #tpu.memory_space<vmem>>, vector<1x16xf32>,
      %parallel_loop3A_106 = vector.shape_cast %parallel_loop3A_105 : vector<1x16xf32> to vector<16xf32>
      %parallel_loop3A_107 = vector.shape_cast %parallel_loop3A_102 : vector<16xf32> to vector<1x16xf32>
      tpu.vector_store %arg8[%parallel_loop3A_103, %parallel_loop3A_104], %parallel_loop3A_107 {strides = array<i32>} : memref<80x128xf32, #tpu.memory_space<vmem>>, vector<1x16xf32>,
      %parallel_loop3A_108 = arith.index_cast %parallel_loop3A_35 : i32 to index
      %parallel_loop3A_109 = arith.constant 64 : index
      %parallel_loop3A_110 = tpu.vector_load %arg8[%parallel_loop3A_108, %parallel_loop3A_109] {strides = array<i32>} : memref<80x128xf32, #tpu.memory_space<vmem>>, vector<1x16xf32>,
      %parallel_loop3A_111 = vector.shape_cast %parallel_loop3A_110 : vector<1x16xf32> to vector<16xf32>
      %parallel_loop3A_112 = arith.index_cast %parallel_loop3A_35 : i32 to index
      %parallel_loop3A_113 = arith.constant 64 : index
      %parallel_loop3A_114 = tpu.vector_load %arg9[%parallel_loop3A_112, %parallel_loop3A_113] {strides = array<i32>} : memref<80x128xf32, #tpu.memory_space<vmem>>, vector<1x16xf32>,
      %parallel_loop3A_115 = vector.shape_cast %parallel_loop3A_114 : vector<1x16xf32> to vector<16xf32>
      %parallel_loop3A_116 = arith.addf %parallel_loop3A_111, %parallel_loop3A_115 : vector<16xf32>
      %parallel_loop3A_117 = arith.constant 0.00999999977 : f32
      %parallel_loop3A_118 = vector.broadcast %parallel_loop3A_117 : f32 to vector<16xf32>
      %parallel_loop3A_119 = arith.mulf %parallel_loop3A_118, %parallel_loop3A_116 : vector<16xf32>
      %parallel_loop3A_120 = arith.maximumf %parallel_loop3A_116, %parallel_loop3A_119 : vector<16xf32>
      %parallel_loop3A_121 = arith.index_cast %parallel_loop3A_35 : i32 to index
      %parallel_loop3A_122 = arith.constant 64 : index
      %parallel_loop3A_123 = tpu.vector_load %arg8[%parallel_loop3A_121, %parallel_loop3A_122] {strides = array<i32>} : memref<80x128xf32, #tpu.memory_space<vmem>>, vector<1x16xf32>,
      %parallel_loop3A_124 = vector.shape_cast %parallel_loop3A_123 : vector<1x16xf32> to vector<16xf32>
      %parallel_loop3A_125 = vector.shape_cast %parallel_loop3A_120 : vector<16xf32> to vector<1x16xf32>
      tpu.vector_store %arg8[%parallel_loop3A_121, %parallel_loop3A_122], %parallel_loop3A_125 {strides = array<i32>} : memref<80x128xf32, #tpu.memory_space<vmem>>, vector<1x16xf32>,
      %parallel_loop3A_126 = arith.index_cast %parallel_loop3A_35 : i32 to index
      %parallel_loop3A_127 = arith.constant 80 : index
      %parallel_loop3A_128 = tpu.vector_load %arg8[%parallel_loop3A_126, %parallel_loop3A_127] {strides = array<i32>} : memref<80x128xf32, #tpu.memory_space<vmem>>, vector<1x16xf32>,
      %parallel_loop3A_129 = vector.shape_cast %parallel_loop3A_128 : vector<1x16xf32> to vector<16xf32>
      %parallel_loop3A_130 = arith.index_cast %parallel_loop3A_35 : i32 to index
      %parallel_loop3A_131 = arith.constant 80 : index
      %parallel_loop3A_132 = tpu.vector_load %arg9[%parallel_loop3A_130, %parallel_loop3A_131] {strides = array<i32>} : memref<80x128xf32, #tpu.memory_space<vmem>>, vector<1x16xf32>,
      %parallel_loop3A_133 = vector.shape_cast %parallel_loop3A_132 : vector<1x16xf32> to vector<16xf32>
      %parallel_loop3A_134 = arith.addf %parallel_loop3A_129, %parallel_loop3A_133 : vector<16xf32>
      %parallel_loop3A_135 = arith.constant 0.00999999977 : f32
      %parallel_loop3A_136 = vector.broadcast %parallel_loop3A_135 : f32 to vector<16xf32>
      %parallel_loop3A_137 = arith.mulf %parallel_loop3A_136, %parallel_loop3A_134 : vector<16xf32>
      %parallel_loop3A_138 = arith.maximumf %parallel_loop3A_134, %parallel_loop3A_137 : vector<16xf32>
      %parallel_loop3A_139 = arith.index_cast %parallel_loop3A_35 : i32 to index
      %parallel_loop3A_140 = arith.constant 80 : index
      %parallel_loop3A_141 = tpu.vector_load %arg8[%parallel_loop3A_139, %parallel_loop3A_140] {strides = array<i32>} : memref<80x128xf32, #tpu.memory_space<vmem>>, vector<1x16xf32>,
      %parallel_loop3A_142 = vector.shape_cast %parallel_loop3A_141 : vector<1x16xf32> to vector<16xf32>
      %parallel_loop3A_143 = vector.shape_cast %parallel_loop3A_138 : vector<16xf32> to vector<1x16xf32>
      tpu.vector_store %arg8[%parallel_loop3A_139, %parallel_loop3A_140], %parallel_loop3A_143 {strides = array<i32>} : memref<80x128xf32, #tpu.memory_space<vmem>>, vector<1x16xf32>,
      %parallel_loop3A_144 = arith.index_cast %parallel_loop3A_35 : i32 to index
      %parallel_loop3A_145 = arith.constant 96 : index
      %parallel_loop3A_146 = tpu.vector_load %arg8[%parallel_loop3A_144, %parallel_loop3A_145] {strides = array<i32>} : memref<80x128xf32, #tpu.memory_space<vmem>>, vector<1x16xf32>,
      %parallel_loop3A_147 = vector.shape_cast %parallel_loop3A_146 : vector<1x16xf32> to vector<16xf32>
      %parallel_loop3A_148 = arith.index_cast %parallel_loop3A_35 : i32 to index
      %parallel_loop3A_149 = arith.constant 96 : index
      %parallel_loop3A_150 = tpu.vector_load %arg9[%parallel_loop3A_148, %parallel_loop3A_149] {strides = array<i32>} : memref<80x128xf32, #tpu.memory_space<vmem>>, vector<1x16xf32>,
      %parallel_loop3A_151 = vector.shape_cast %parallel_loop3A_150 : vector<1x16xf32> to vector<16xf32>
      %parallel_loop3A_152 = arith.addf %parallel_loop3A_147, %parallel_loop3A_151 : vector<16xf32>
      %parallel_loop3A_153 = arith.constant 0.00999999977 : f32
      %parallel_loop3A_154 = vector.broadcast %parallel_loop3A_153 : f32 to vector<16xf32>
      %parallel_loop3A_155 = arith.mulf %parallel_loop3A_154, %parallel_loop3A_152 : vector<16xf32>
      %parallel_loop3A_156 = arith.maximumf %parallel_loop3A_152, %parallel_loop3A_155 : vector<16xf32>
      %parallel_loop3A_157 = arith.index_cast %parallel_loop3A_35 : i32 to index
      %parallel_loop3A_158 = arith.constant 96 : index
      %parallel_loop3A_159 = tpu.vector_load %arg8[%parallel_loop3A_157, %parallel_loop3A_158] {strides = array<i32>} : memref<80x128xf32, #tpu.memory_space<vmem>>, vector<1x16xf32>,
      %parallel_loop3A_160 = vector.shape_cast %parallel_loop3A_159 : vector<1x16xf32> to vector<16xf32>
      %parallel_loop3A_161 = vector.shape_cast %parallel_loop3A_156 : vector<16xf32> to vector<1x16xf32>
      tpu.vector_store %arg8[%parallel_loop3A_157, %parallel_loop3A_158], %parallel_loop3A_161 {strides = array<i32>} : memref<80x128xf32, #tpu.memory_space<vmem>>, vector<1x16xf32>,
      %parallel_loop3A_162 = arith.index_cast %parallel_loop3A_35 : i32 to index
      %parallel_loop3A_163 = arith.constant 112 : index
      %parallel_loop3A_164 = tpu.vector_load %arg8[%parallel_loop3A_162, %parallel_loop3A_163] {strides = array<i32>} : memref<80x128xf32, #tpu.memory_space<vmem>>, vector<1x16xf32>,
      %parallel_loop3A_165 = vector.shape_cast %parallel_loop3A_164 : vector<1x16xf32> to vector<16xf32>
      %parallel_loop3A_166 = arith.index_cast %parallel_loop3A_35 : i32 to index
      %parallel_loop3A_167 = arith.constant 112 : index
      %parallel_loop3A_168 = tpu.vector_load %arg9[%parallel_loop3A_166, %parallel_loop3A_167] {strides = array<i32>} : memref<80x128xf32, #tpu.memory_space<vmem>>, vector<1x16xf32>,
      %parallel_loop3A_169 = vector.shape_cast %parallel_loop3A_168 : vector<1x16xf32> to vector<16xf32>
      %parallel_loop3A_170 = arith.addf %parallel_loop3A_165, %parallel_loop3A_169 : vector<16xf32>
      %parallel_loop3A_171 = arith.constant 0.00999999977 : f32
      %parallel_loop3A_172 = vector.broadcast %parallel_loop3A_171 : f32 to vector<16xf32>
      %parallel_loop3A_173 = arith.mulf %parallel_loop3A_172, %parallel_loop3A_170 : vector<16xf32>
      %parallel_loop3A_174 = arith.maximumf %parallel_loop3A_170, %parallel_loop3A_173 : vector<16xf32>
      %parallel_loop3A_175 = arith.index_cast %parallel_loop3A_35 : i32 to index
      %parallel_loop3A_176 = arith.constant 112 : index
      %parallel_loop3A_177 = tpu.vector_load %arg8[%parallel_loop3A_175, %parallel_loop3A_176] {strides = array<i32>} : memref<80x128xf32, #tpu.memory_space<vmem>>, vector<1x16xf32>,
      %parallel_loop3A_178 = vector.shape_cast %parallel_loop3A_177 : vector<1x16xf32> to vector<16xf32>
      %parallel_loop3A_179 = vector.shape_cast %parallel_loop3A_174 : vector<16xf32> to vector<1x16xf32>
      tpu.vector_store %arg8[%parallel_loop3A_175, %parallel_loop3A_176], %parallel_loop3A_179 {strides = array<i32>} : memref<80x128xf32, #tpu.memory_space<vmem>>, vector<1x16xf32>,
    } {sc.loop_unroll_factor = 4 : i64, sc.parallel_access}
    %add3A_33 = arith.constant 9920 : i32
    %add3A_34 = arith.addi %mul3A_2, %add3A_33 : i32
    "tpu.region"() ({
      %run_scoped3A = tpu.sem_alloc : memref<!tpu.dma_semaphore, #tpu.memory_space<semaphore_mem>>
      %dma_start3A_35 = arith.constant 0 : i32
      %dma_start3A_36 = tpu.memref_slice %arg6[%add3A_34, %dma_start3A_35] : memref<320000x128xf32, #tpu.memory_space<hbm>> -> memref<80x128xf32, #tpu.memory_space<hbm>>
      %dma_start3A_37 = arith.constant 0 : i32
      %dma_start3A_38 = tpu.memref_slice %arg6[%add3A_34, %dma_start3A_37] : memref<320000x128xf32, #tpu.memory_space<hbm>> -> memref<80x128xf32, #tpu.memory_space<hbm>>
      tpu.enqueue_dma source(%arg8 : memref<80x128xf32, #tpu.memory_space<vmem>>) target(%dma_start3A_38 : memref<80x128xf32, #tpu.memory_space<hbm>>) target_semaphore(%run_scoped3A : memref<!tpu.dma_semaphore, #tpu.memory_space<semaphore_mem>>)
      %dma_wait3A_39 = arith.constant 0 : i32
      %dma_wait3A_40 = tpu.memref_slice %arg6[%add3A_34, %dma_wait3A_39] : memref<320000x128xf32, #tpu.memory_space<hbm>> -> memref<80x128xf32, #tpu.memory_space<hbm>>
      %dma_wait3A_41 = arith.constant 0 : i32
      %dma_wait3A_42 = tpu.memref_slice %arg6[%add3A_34, %dma_wait3A_41] : memref<320000x128xf32, #tpu.memory_space<hbm>> -> memref<80x128xf32, #tpu.memory_space<hbm>>
      tpu.wait_dma2 semaphore(%run_scoped3A : memref<!tpu.dma_semaphore, #tpu.memory_space<semaphore_mem>>) src(%arg8 : memref<80x128xf32, #tpu.memory_space<vmem>>) dst(%dma_wait3A_42 : memref<80x128xf32, #tpu.memory_space<hbm>>)
      tpu.yield
    }) : () -> ()
    return
  }
}

module attributes {stable_mosaic.version = 14 : i64} {
  func.func @_pre_body(%arg0: i32, %arg1: memref<1000x128xf32, #tpu.memory_space<vmem>>, %arg2: memref<128x256xf32, #tpu.memory_space<vmem>>, %arg3: memref<1x128xf32, #tpu.memory_space<vmem>>, %arg4: memref<1000x128xf32, #tpu.memory_space<vmem>>, %arg5: memref<1000x128xf32, #tpu.memory_space<vmem>>) attributes {dimension_semantics = [#tpu.dimension_semantics<arbitrary>], iteration_bounds = array<i64: 10>, scalar_prefetch = 0 : i64, scratch_operands = 0 : i64, tpu.core_type = #tpu.core_type<tc>, window_params = [{transform_indices = @transform_0, window_bounds = array<i64: 1000, 128>}, {pipeline_mode = #tpu.pipeline_mode<synchronous>, transform_indices = @transform_1, window_bounds = array<i64: 128, 256>}, {pipeline_mode = #tpu.pipeline_mode<synchronous>, transform_indices = @transform_2, window_bounds = array<i64: 1, 128>}, {transform_indices = @transform_3, window_bounds = array<i64: 1000, 128>}, {transform_indices = @transform_4, window_bounds = array<i64: 1000, 128>}]} {
    %get3A = arith.constant 0 : index
    %get3A_0 = arith.constant 0 : index
    %get3A_1 = vector.load %arg1[%get3A, %get3A_0] : memref<1000x128xf32, #tpu.memory_space<vmem>>, vector<1000x128xf32>
    %get3A_2 = arith.constant 0 : index
    %get3A_3 = arith.constant 0 : index
    %get3A_4 = vector.load %arg2[%get3A_2, %get3A_3] : memref<128x256xf32, #tpu.memory_space<vmem>>, vector<128x256xf32>
    %slice3A = vector.extract_strided_slice %get3A_4 {offsets = [0, 0], sizes = [128, 128], strides = [1, 1]} : vector<128x256xf32> to vector<128x128xf32>
    %slice3A_5 = vector.extract_strided_slice %get3A_4 {offsets = [0, 128], sizes = [128, 128], strides = [1, 1]} : vector<128x256xf32> to vector<128x128xf32>
    %dot_general3A = arith.constant dense<0.000000e+00> : vector<1000x128xf32>
    %dot_general3A_6 = tpu.matmul %get3A_1, %slice3A_5, %dot_general3A {dimension_numbers = #tpu.dot_dimension_numbers<[1], [1], [0], [0], [0, 0, 1, 0], [], []>, transpose_lhs_hint = false} : vector<1000x128xf32>, vector<128x128xf32>, vector<1000x128xf32> -> vector<1000x128xf32>
    %swap3A = arith.constant 0 : index
    %swap3A_7 = arith.constant 0 : index
    %swap3A_8 = vector.load %arg5[%swap3A, %swap3A_7] : memref<1000x128xf32, #tpu.memory_space<vmem>>, vector<1000x128xf32>
    tpu.vector_store %arg5[%swap3A, %swap3A_7], %dot_general3A_6 {strides = array<i32>} : memref<1000x128xf32, #tpu.memory_space<vmem>>, vector<1000x128xf32>,
    %sub3A = arith.subf %slice3A, %slice3A_5 : vector<128x128xf32>
    %dot_general3A_9 = arith.constant dense<0.000000e+00> : vector<1000x128xf32>
    %dot_general3A_10 = tpu.matmul %get3A_1, %sub3A, %dot_general3A_9 {dimension_numbers = #tpu.dot_dimension_numbers<[1], [1], [0], [0], [0, 0, 1, 0], [], []>, transpose_lhs_hint = false} : vector<1000x128xf32>, vector<128x128xf32>, vector<1000x128xf32> -> vector<1000x128xf32>
    %get3A_11 = arith.constant 0 : index
    %get3A_12 = arith.constant 0 : index
    %get3A_13 = vector.load %arg3[%get3A_11, %get3A_12] : memref<1x128xf32, #tpu.memory_space<vmem>>, vector<1x128xf32>
    %add3A = vector.broadcast %get3A_13 : vector<1x128xf32> to vector<1000x128xf32>
    %add3A_14 = arith.addf %dot_general3A_10, %add3A : vector<1000x128xf32>
    %swap3A_15 = arith.constant 0 : index
    %swap3A_16 = arith.constant 0 : index
    %swap3A_17 = vector.load %arg4[%swap3A_15, %swap3A_16] : memref<1000x128xf32, #tpu.memory_space<vmem>>, vector<1000x128xf32>
    tpu.vector_store %arg4[%swap3A_15, %swap3A_16], %add3A_14 {strides = array<i32>} : memref<1000x128xf32, #tpu.memory_space<vmem>>, vector<1000x128xf32>,
    return
  }
  func.func @transform_0(%arg0: i32) -> (i32, i32) {
    %c0_i32 = arith.constant 0 : i32
    %c0_i32_0 = arith.constant 0 : i32
    return %arg0, %c0_i32 : i32, i32
  }
  func.func @transform_1(%arg0: i32) -> (i32, i32) {
    %c0_i32 = arith.constant 0 : i32
    %c0_i32_0 = arith.constant 0 : i32
    %c0_i32_1 = arith.constant 0 : i32
    return %c0_i32, %c0_i32_0 : i32, i32
  }
  func.func @transform_2(%arg0: i32) -> (i32, i32) {
    %c0_i32 = arith.constant 0 : i32
    %c0_i32_0 = arith.constant 0 : i32
    %c0_i32_1 = arith.constant 0 : i32
    return %c0_i32, %c0_i32_0 : i32, i32
  }
  func.func @transform_3(%arg0: i32) -> (i32, i32) {
    %c0_i32 = arith.constant 0 : i32
    %c0_i32_0 = arith.constant 0 : i32
    return %arg0, %c0_i32 : i32, i32
  }
  func.func @transform_4(%arg0: i32) -> (i32, i32) {
    %c0_i32 = arith.constant 0 : i32
    %c0_i32_0 = arith.constant 0 : i32
    return %arg0, %c0_i32 : i32, i32
  }
}

module attributes {stable_mosaic.version = 14 : i64} {
  func.func @_post_body(%arg0: i32, %arg1: memref<400x128xf32, #tpu.memory_space<vmem>>, %arg2: memref<400x1xf32, #tpu.memory_space<vmem>>, %arg3: memref<400x128xf32, #tpu.memory_space<vmem>>, %arg4: memref<128x128xf32, #tpu.memory_space<vmem>>, %arg5: memref<1x128xf32, #tpu.memory_space<vmem>>, %arg6: memref<1x128xf32, #tpu.memory_space<vmem>>, %arg7: memref<1x128xf32, #tpu.memory_space<vmem>>, %arg8: memref<400x128xf32, #tpu.memory_space<vmem>>) attributes {dimension_semantics = [#tpu.dimension_semantics<arbitrary>], iteration_bounds = array<i64: 25>, scalar_prefetch = 0 : i64, scratch_operands = 0 : i64, tpu.core_type = #tpu.core_type<tc>, window_params = [{transform_indices = @transform_0, window_bounds = array<i64: 400, 128>}, {transform_indices = @transform_1, window_bounds = array<i64: 400, 1>}, {transform_indices = @transform_2, window_bounds = array<i64: 400, 128>}, {pipeline_mode = #tpu.pipeline_mode<synchronous>, transform_indices = @transform_3, window_bounds = array<i64: 128, 128>}, {pipeline_mode = #tpu.pipeline_mode<synchronous>, transform_indices = @transform_4, window_bounds = array<i64: 1, 128>}, {pipeline_mode = #tpu.pipeline_mode<synchronous>, transform_indices = @transform_5, window_bounds = array<i64: 1, 128>}, {pipeline_mode = #tpu.pipeline_mode<synchronous>, transform_indices = @transform_6, window_bounds = array<i64: 1, 128>}, {transform_indices = @transform_7, window_bounds = array<i64: 400, 128>}]} {
    %get3A = arith.constant 0 : index
    %get3A_0 = arith.constant 0 : index
    %get3A_1 = vector.load %arg1[%get3A, %get3A_0] : memref<400x128xf32, #tpu.memory_space<vmem>>, vector<400x128xf32>
    %get3A_2 = arith.constant 0 : index
    %get3A_3 = arith.constant 0 : index
    %get3A_4 = vector.load %arg2[%get3A_2, %get3A_3] : memref<400x1xf32, #tpu.memory_space<vmem>>, vector<400x1xf32>
    %max3A = arith.constant 1.000000e+00 : f32
    %max3A_5 = vector.broadcast %max3A : f32 to vector<400x1xf32>
    %max3A_6 = arith.maximumf %get3A_4, %max3A_5 : vector<400x1xf32>
    %div3A = vector.broadcast %max3A_6 : vector<400x1xf32> to vector<400x128xf32>
    %div3A_7 = arith.divf %get3A_1, %div3A : vector<400x128xf32>
    %get3A_8 = arith.constant 0 : index
    %get3A_9 = arith.constant 0 : index
    %get3A_10 = vector.load %arg4[%get3A_8, %get3A_9] : memref<128x128xf32, #tpu.memory_space<vmem>>, vector<128x128xf32>
    %dot_general3A = arith.constant dense<0.000000e+00> : vector<400x128xf32>
    %dot_general3A_11 = tpu.matmul %div3A_7, %get3A_10, %dot_general3A {dimension_numbers = #tpu.dot_dimension_numbers<[1], [1], [0], [0], [0, 0, 1, 0], [], []>, transpose_lhs_hint = false} : vector<400x128xf32>, vector<128x128xf32>, vector<400x128xf32> -> vector<400x128xf32>
    %get3A_12 = arith.constant 0 : index
    %get3A_13 = arith.constant 0 : index
    %get3A_14 = vector.load %arg5[%get3A_12, %get3A_13] : memref<1x128xf32, #tpu.memory_space<vmem>>, vector<1x128xf32>
    %gt3A = arith.constant 0.000000e+00 : f32
    %gt3A_15 = vector.broadcast %gt3A : f32 to vector<400x1xf32>
    %gt3A_16 = arith.cmpf ogt, %get3A_4, %gt3A_15 : vector<400x1xf32>
    %convert_element_type3A = arith.extui %gt3A_16 : vector<400x1xi1> to vector<400x1xi32>
    %convert_element_type3A_17 = arith.sitofp %convert_element_type3A : vector<400x1xi32> to vector<400x1xf32>
    %mul3A = vector.broadcast %get3A_14 : vector<1x128xf32> to vector<400x128xf32>
    %mul3A_18 = vector.broadcast %convert_element_type3A_17 : vector<400x1xf32> to vector<400x128xf32>
    %mul3A_19 = arith.mulf %mul3A, %mul3A_18 : vector<400x128xf32>
    %add3A = arith.addf %dot_general3A_11, %mul3A_19 : vector<400x128xf32>
    %reduce_sum3A = arith.constant dense<0.000000e+00> : vector<400xf32>
    %reduce_sum3A_20 = vector.multi_reduction <add>, %add3A, %reduce_sum3A [1] : vector<400x128xf32> to vector<400xf32>
    %broadcast_in_dim3A = vector.shape_cast %reduce_sum3A_20 : vector<400xf32> to vector<400x1xf32>
    %div3A_21 = arith.constant 1.280000e+02 : f32
    %div3A_22 = vector.broadcast %div3A_21 : f32 to vector<400x1xf32>
    %div3A_23 = arith.divf %broadcast_in_dim3A, %div3A_22 : vector<400x1xf32>
    %sub3A = vector.broadcast %div3A_23 : vector<400x1xf32> to vector<400x128xf32>
    %sub3A_24 = arith.subf %add3A, %sub3A : vector<400x128xf32>
    %integer_pow3A = arith.mulf %sub3A_24, %sub3A_24 : vector<400x128xf32>
    %reduce_sum3A_25 = arith.constant dense<0.000000e+00> : vector<400xf32>
    %reduce_sum3A_26 = vector.multi_reduction <add>, %integer_pow3A, %reduce_sum3A_25 [1] : vector<400x128xf32> to vector<400xf32>
    %broadcast_in_dim3A_27 = vector.shape_cast %reduce_sum3A_26 : vector<400xf32> to vector<400x1xf32>
    %div3A_28 = arith.constant 1.280000e+02 : f32
    %div3A_29 = vector.broadcast %div3A_28 : f32 to vector<400x1xf32>
    %div3A_30 = arith.divf %broadcast_in_dim3A_27, %div3A_29 : vector<400x1xf32>
    %sub3A_31 = vector.broadcast %div3A_23 : vector<400x1xf32> to vector<400x128xf32>
    %sub3A_32 = arith.subf %add3A, %sub3A_31 : vector<400x128xf32>
    %add3A_33 = arith.constant 9.99999974E-6 : f32
    %add3A_34 = vector.broadcast %add3A_33 : f32 to vector<400x1xf32>
    %add3A_35 = arith.addf %div3A_30, %add3A_34 : vector<400x1xf32>
    %sqrt3A = math.sqrt %add3A_35 : vector<400x1xf32>
    %div3A_36 = vector.broadcast %sqrt3A : vector<400x1xf32> to vector<400x128xf32>
    %div3A_37 = arith.divf %sub3A_32, %div3A_36 : vector<400x128xf32>
    %get3A_38 = arith.constant 0 : index
    %get3A_39 = arith.constant 0 : index
    %get3A_40 = vector.load %arg6[%get3A_38, %get3A_39] : memref<1x128xf32, #tpu.memory_space<vmem>>, vector<1x128xf32>
    %mul3A_41 = vector.broadcast %get3A_40 : vector<1x128xf32> to vector<400x128xf32>
    %mul3A_42 = arith.mulf %div3A_37, %mul3A_41 : vector<400x128xf32>
    %get3A_43 = arith.constant 0 : index
    %get3A_44 = arith.constant 0 : index
    %get3A_45 = vector.load %arg7[%get3A_43, %get3A_44] : memref<1x128xf32, #tpu.memory_space<vmem>>, vector<1x128xf32>
    %add3A_46 = vector.broadcast %get3A_45 : vector<1x128xf32> to vector<400x128xf32>
    %add3A_47 = arith.addf %mul3A_42, %add3A_46 : vector<400x128xf32>
    %get3A_48 = arith.constant 0 : index
    %get3A_49 = arith.constant 0 : index
    %get3A_50 = vector.load %arg3[%get3A_48, %get3A_49] : memref<400x128xf32, #tpu.memory_space<vmem>>, vector<400x128xf32>
    %add3A_51 = arith.addf %add3A_47, %get3A_50 : vector<400x128xf32>
    %mul3A_52 = arith.constant 0.00999999977 : f32
    %mul3A_53 = vector.broadcast %mul3A_52 : f32 to vector<400x128xf32>
    %mul3A_54 = arith.mulf %mul3A_53, %add3A_51 : vector<400x128xf32>
    %max3A_55 = arith.maximumf %add3A_51, %mul3A_54 : vector<400x128xf32>
    %swap3A = arith.constant 0 : index
    %swap3A_56 = arith.constant 0 : index
    %swap3A_57 = vector.load %arg8[%swap3A, %swap3A_56] : memref<400x128xf32, #tpu.memory_space<vmem>>, vector<400x128xf32>
    tpu.vector_store %arg8[%swap3A, %swap3A_56], %max3A_55 {strides = array<i32>} : memref<400x128xf32, #tpu.memory_space<vmem>>, vector<400x128xf32>,
    return
  }
  func.func @transform_0(%arg0: i32) -> (i32, i32) {
    %c0_i32 = arith.constant 0 : i32
    %c0_i32_0 = arith.constant 0 : i32
    return %arg0, %c0_i32 : i32, i32
  }
  func.func @transform_1(%arg0: i32) -> (i32, i32) {
    %c0_i32 = arith.constant 0 : i32
    %c0_i32_0 = arith.constant 0 : i32
    return %arg0, %c0_i32 : i32, i32
  }
  func.func @transform_2(%arg0: i32) -> (i32, i32) {
    %c0_i32 = arith.constant 0 : i32
    %c0_i32_0 = arith.constant 0 : i32
    return %arg0, %c0_i32 : i32, i32
  }
  func.func @transform_3(%arg0: i32) -> (i32, i32) {
    %c0_i32 = arith.constant 0 : i32
    %c0_i32_0 = arith.constant 0 : i32
    %c0_i32_1 = arith.constant 0 : i32
    return %c0_i32, %c0_i32_0 : i32, i32
  }
  func.func @transform_4(%arg0: i32) -> (i32, i32) {
    %c0_i32 = arith.constant 0 : i32
    %c0_i32_0 = arith.constant 0 : i32
    %c0_i32_1 = arith.constant 0 : i32
    return %c0_i32, %c0_i32_0 : i32, i32
  }
  func.func @transform_5(%arg0: i32) -> (i32, i32) {
    %c0_i32 = arith.constant 0 : i32
    %c0_i32_0 = arith.constant 0 : i32
    %c0_i32_1 = arith.constant 0 : i32
    return %c0_i32, %c0_i32_0 : i32, i32
  }
  func.func @transform_6(%arg0: i32) -> (i32, i32) {
    %c0_i32 = arith.constant 0 : i32
    %c0_i32_0 = arith.constant 0 : i32
    %c0_i32_1 = arith.constant 0 : i32
    return %c0_i32, %c0_i32_0 : i32, i32
  }
  func.func @transform_7(%arg0: i32) -> (i32, i32) {
    %c0_i32 = arith.constant 0 : i32
    %c0_i32_0 = arith.constant 0 : i32
    return %arg0, %c0_i32 : i32, i32
  }
}

</mosaic_0001>

<sc_bundles>
// kernel: kernel.5.cloned.1.call-start
scs
__scs_entry_jumppad:
0x0: {  	(pc) =	sbr.rel $0x88, $3  }
0x1: {  	(tag) =	ssettag $0x0;
	lr =	simm.s32 $0x1  }
0x2: {  	[smem:$0x3F99] =	sst lr;
	_ =	strace $0xD0000000  }
0x3: {  	_ = 	snop  }
0x4: {  	_ = 	snop  }
0x5: {  	_ = 	snop  }
0x6: {  	_ = 	snop  }
0x7: {  	_ = 	snop  }
__scs_overlays_trampoline_lowered:
0x8: {  	[smem:$0x3FA8] =	sst s0  }
0x9: {  	[smem:$0x3FA9] =	sst s1  }
0xa: {  	[smem:$0x3FAA] =	sst s2  }
0xb: {  	[smem:$0x3FAB] =	sst s3  }
0xc: {  	[smem:$0x3FAC] =	sst s4  }
0xd: {  	[smem:$0x3FAD] =	sst s5  }
0xe: {  	[smem:$0x3FAE] =	sst s6  }
0xf: {  	[smem:$0x3FAF] =	sst s7  }
0x10: {  	[smem:$0x3FB0] =	sst s8  }
0x11: {  	[smem:$0x3FB1] =	sst s9;
	s0 =	simm.s32 @!p0 $0x0  }
0x12: {  	s1 =	sld [smem:$0x3F97];
	s0 =	simm.s32 @p0 $0x1  }
0x13: {  	[smem:$0x3FB2] =	sst s0;
	s0 =	simm.s32 @!p1 $0x0  }
0x14: {  	s2 =	sld [smem:$0x3F96];
	s0 =	simm.s32 @p1 $0x1  }
0x15: {  	[smem:$0x3FB3] =	sst s0;
	s0 =	simm.s32 @!p2 $0x0  }
0x16: {  	s3 =	sld [smem:$0x3FDB];
	s0 =	simm.s32 @p2 $0x1  }
0x17: {  	s4 =	simm.s32 $0x1BF5;
	[smem:$0x3FB5] =	sst s0  }
0x18: {  	s0 =	sld [smem:$0x3F98];
	_ =	swait.ge [sflag:s4], $0x0  }
0x19: {  	s7 =	sld [smem:$0x3F99]  }
0x1a: {  	s8 =	sadd.s32 $0xFFFFE003, lr  }
0x1b: {  	s9 =	sadd.s32 $0xFFFFFEF7, lr;
	s5 =	simm.s32 $0xFFFFFFFF;
	p2 =	slt.u32 s8, $0xFFFFF086  }
0x1c: {  	p1 =	slt.u32 s9, $0xF7A;
	s5 =	simm.s32 @!p2 $0x0  }
0x1d: {  	s5 =	simm.s32 @p1 $0x1;
	p0 =	seq.s32 s7, s2  }
0x1e: {  	s7 =	smul.u32 @!p0 $0xF7A, s2;
	p2 =	seq.s32 @!p0 s5, $0x0  }
0x1f: {  	s9 =	smul.u32 $0xF7A, s1;
	s8 =	simm.s32 @!p0 $0x1BF5;
	p2 =	por !p2, p0  }
0x20: {  	[sflag:s8] =	ssyncset.s32 @!p0 $0xFFFFF086;
	s6 =	sadd.s32 @!p0 s3, s7;
	s7 =	simm.s32 @!p0 $0x108  }
0x21: {  	s3 =	sadd.s32 s3, s9;
	s6 =	sadd.s32 @!p0 $0x88, s6;
	s7 =	simm.s32 @p2 $0x1082  }
0x22: {  	[simem:s7], [sflag:s8] =	dma.local @!p0 [hbm:s6], $0xF7A  }
0x23: {  	s9 =	sor.u32 $0xD0000000, s2;
	s6 =	simm.s32 $0x108;
	_ =	swait.ge @!p0 [sflag:s8], $0x0  }
0x24: {  	s3 =	sadd.s32 $0x88, s3;
	s6 =	simm.s32 @!p1 $0x1082;
	[sflag:s4] =	ssyncset.s32 $0xFFFFF086  }
0x25: {  	[simem:s6], [sflag:s4] =	dma.local [hbm:s3], $0xF7A  }
0x26: {  	[smem:$0x3F99] =	sst s1;
	(tag) =	ssettag s2;
	_ =	strace s9  }
0x27: {  	s1 =	sld [smem:$0x3FA9]  }
0x28: {  	s2 =	sld [smem:$0x3FAA]  }
0x29: {  	s4 =	sld [smem:$0x3FAC]  }
0x2a: {  	p0 =	seq.s32 s5, $0x0;
	s5 =	sld [smem:$0x3FAD]  }
0x2b: {  	s6 =	sld [smem:$0x3FAE]  }
0x2c: {  	s7 =	sld [smem:$0x3FAF]  }
0x2d: {  	s3 =	simm.s32 $0x108;
	s8 =	sld [smem:$0x3FB0]  }
0x2e: {  	s3 =	simm.s32 @!p0 $0x1082;
	s9 =	sld [smem:$0x3FB1]  }
0x2f: {  	lr =	sadd.s32 s0, s3;
	s0 =	sld [smem:$0x3FA8]  }
0x30: {  	s3 =	sld [smem:$0x3FAB]  }
0x31: {  	[smem:$0x3FB4] =	sst s10  }
0x32: {  	s10 =	sld [smem:$0x3FB2];
	_ =	sdelay $0x3  }
0x33: {  	p0 =	seq.s32 s10, $0x1;
	s10 =	sld [smem:$0x3FB4];
	_ =	sdelay $0x3  }
0x34: {  	[smem:$0x3FB4] =	sst s10  }
0x35: {  	s10 =	sld [smem:$0x3FB3];
	_ =	sdelay $0x3  }
0x36: {  	p1 =	seq.s32 s10, $0x1;
	s10 =	sld [smem:$0x3FB4];
	_ =	sdelay $0x3  }
0x37: {  	[smem:$0x3FB4] =	sst s10  }
0x38: {  	s10 =	sld [smem:$0x3FB5]  }
0x39: {  	_ = 	snop;
	(pc) =	sbr.ind lr, $3  }
0x3a: {  	_ = 	snop  }
0x3b: {  	_ = 	snop  }
0x3c: {  	p2 =	seq.s32 s10, $0x1;
	s10 =	sld [smem:$0x3FB4]  }
0x3d: {  	_ =	shalt  }
0x3e: {  	_ =	shalt  }
0x3f: {  	_ =	shalt  }
0x40: {  	_ =	shalt  }
0x41: {  	_ =	shalt  }
0x42: {  	_ =	shalt  }
0x43: {  	_ =	shalt  }
0x44: {  	_ =	shalt  }
0x45: {  	_ =	shalt  }
0x46: {  	_ =	shalt  }
0x47: {  	_ =	shalt  }
0x48: {  	_ =	shalt  }
0x49: {  	_ =	shalt  }
0x4a: {  	_ =	shalt  }
0x4b: {  	_ =	shalt  }
0x4c: {  	_ =	shalt  }
0x4d: {  	_ =	shalt  }
0x4e: {  	_ =	shalt  }
0x4f: {  	_ =	shalt  }
0x50: {  	_ =	shalt  }
0x51: {  	_ =	shalt  }
0x52: {  	_ =	shalt  }
0x53: {  	_ =	shalt  }
0x54: {  	_ =	shalt  }
0x55: {  	_ =	shalt  }
0x56: {  	_ =	shalt  }
0x57: {  	_ =	shalt  }
0x58: {  	_ =	shalt  }
0x59: {  	_ =	shalt  }
0x5a: {  	_ =	shalt  }
0x5b: {  	_ =	shalt  }
0x5c: {  	_ =	shalt  }
0x5d: {  	_ =	shalt  }
0x5e: {  	_ =	shalt  }
0x5f: {  	_ =	shalt  }
0x60: {  	_ =	shalt  }
0x61: {  	_ =	shalt  }
0x62: {  	_ =	shalt  }
0x63: {  	_ =	shalt  }
0x64: {  	_ =	shalt  }
0x65: {  	_ =	shalt  }
0x66: {  	_ =	shalt  }
0x67: {  	_ =	shalt  }
0x68: {  	_ =	shalt  }
0x69: {  	_ =	shalt  }
0x6a: {  	_ =	shalt  }
0x6b: {  	_ =	shalt  }
0x6c: {  	_ =	shalt  }
0x6d: {  	_ =	shalt  }
0x6e: {  	_ =	shalt  }
0x6f: {  	_ =	shalt  }
0x70: {  	_ =	shalt  }
0x71: {  	_ =	shalt  }
0x72: {  	_ =	shalt  }
0x73: {  	_ =	shalt  }
0x74: {  	_ =	shalt  }
0x75: {  	_ =	shalt  }
0x76: {  	_ =	shalt  }
0x77: {  	_ =	shalt  }
0x78: {  	_ =	shalt  }
0x79: {  	_ =	shalt  }
0x7a: {  	_ =	shalt  }
0x7b: {  	_ =	shalt  }
0x7c: {  	_ =	shalt  }
0x7d: {  	_ =	shalt  }
0x7e: {  	_ =	shalt  }
0x7f: {  	_ =	shalt  }
0x80: {  	_ =	shalt  }
0x81: {  	_ =	shalt  }
0x82: {  	_ =	shalt  }
0x83: {  	_ =	shalt  }
0x84: {  	_ =	shalt  }
0x85: {  	_ =	shalt  }
0x86: {  	_ =	shalt  }
0x87: {  	_ =	shalt  }
.Lfunc_end0:
.L_simem_size_0:
called_computation.2_lowered:
.L_overlay_start_0:
0x88: {  	s2 =	sld [smem:$0x3FD9]  }
0x89: {  	s3 =	sld [smem:$0x3FFE];
	_ =	sdelay $0x1  }
0x8a: {  	s1 =	srdreg.scid  }
0x8b: {  	s0 =	sand.u32 $0x1, s1  }
0x8c: {  	s17 =	sshll.u32 s0, $0xA;
	s2 =	sadd.s32 s3, s2  }
0x8d: {  	s2 =	sadd.s32 s2, s17  }
0x8e: {  	[smem:$0x3FC0] =	sst s2  }
0x8f: {  	_ = 	snop  }
0x90: {  	s2 =	sld [smem:$0x3FD0];
	(tm) =	ssettm $0x1  }
0x91: {  	s18 =	sld [smem:$0x3FFB];
	_ =	sdelay $0x3  }
0x92: {  	_ =	strace s18  }
0x93: {  	s3 =	sld [smem:$0x3FFC];
	_ =	sdelay $0x3  }
0x94: {  	_ =	strace s3  }
0x95: {  	s3 =	sld [smem:$0x3FFD];
	_ =	sdelay $0x3  }
0x96: {  	_ =	strace s3  }
0x97: {  	_ =	strace $0x8FFFFFFF  }
0x98: {  	s19 =	sld [smem:$0x3FDB];
	_ =	sdelay $0x1  }
0x99: {  	s4 =	simm.s32 $_scs_section_size  }
0x9a: {  	s5 =	simm.s32 $_size__tile_overlayer_lowered;
	s6 =	simm.s32 $_tile_overlayer_lowered  }
0x9b: {  	s22 =	simm.s32 $0x1BFF;
	s21 =	sshll.u32 s6, $0x1;
	s3 =	sadd.s32 s4, s19  }
0x9c: {  	s7 =	simm.s32 $0x0;
	s20 =	sshll.u32 s5, $0x1;
	s5 =	sadd.s32 s21, s3  }
0x9d: {  	[timem:s7], [sflag:s22] =	dma.local [hbm:s5], s20  }
0x9e: {  	_ =	swait.ge [sflag:s22], s20  }
0x9f: {  	s4 =	ssub.s32 $0x0, s20;
	[sflag:s22] =	ssyncset.done $0x0  }
0xa0: {  	[sflag:s22] =	ssyncadd.s32 s4;
	_ =	sdelay $0x1  }
0xa1: {  	s23 =	simm.s32 $0x1B8B  }
0xa2: {  	_ =	swait.ge [sflag:s23], $0x1  }
0xa3: {  	[sflag:s23] =	ssyncset.done $0x0  }
0xa4: {  	s25 =	simm.s32 $0x1B8E;
	s24 =	sld [smem:$0x3FFE];
	[sflag:s23] =	ssyncadd.s32 $0xFFFFFFFF  }
0xa5: {  	s26 =	simm.s32 $execute0_lowered;
	[smem:$0x3FD2] =	sst s25  }
0xa6: {  	s5 =	sshll.u32 s26, $0x1;
	_ =	strace $0x80000046;
	[dreg:$0x1] =	wrdreg $0xFFFFFFFF  }
0xa7: {  	s28 =	simm.s32 $_size_execute0_lowered;
	s3 =	sadd.s32 s3, s5;
	[dreg:$0x0] =	wrdreg $0x0  }
0xa8: {  	s5 =	sshll.u32 s28, $0x1;
	[dreg:$0x2] =	wrdreg s3  }
0xa9: {  	[dreg:$0x3] =	wrdreg s5  }
0xaa: {  	[dreg:$0x4] =	wrdreg $0xC0  }
0xab: {  	_ =	task [dreg:s7], $0x5FFFF  }
0xac: {  	[dreg:$0x1] =	wrdreg $0xFFFFFFFF  }
0xad: {  	[dreg:$0x0] =	wrdreg $0x60  }
0xae: {  	[dreg:$0x2] =	wrdreg s2  }
0xaf: {  	[dreg:$0x3] =	wrdreg s24  }
0xb0: {  	[dreg:$0x4] =	wrdreg $0xA  }
0xb1: {  	_ =	task.clear_ibuf [dreg:s7], $0x5FFFF;
	_ =	strace $0x90000046  }
0xb2: {  	s29 =	simm.s32 $0xA;
	_ =	strace $0x80000048  }
0xb3: {  	_ =	swait.ge [sflag:s29], $0x1  }
0xb4: {  	[sflag:s29] =	ssyncadd.s32 $0xFFFFFFFF  }
0xb5: {  	_ =	strace $0x90000048  }
0xb6: {  	_ =	sfence  }
0xb7: {  	s30 =	sld [smem:$0x0];
	_ =	sdelay $0x2  }
0xb8: {  	s31 =	sshll.u32 s1, $0xD;
	s1 =	sshrl.u32 s1, $0x2  }
0xb9: {  	s3 =	sand.u32 $0x4000, s31;
	s1 =	sadd.s32 s1, s30  }
0xba: {  	s0 =	sor.u32 s3, s0;
	s1 =	sshll.u32 s1, $0x11  }
0xbb: {  	s0 =	sor.u32 s1, s0  }
0xbc: {  	s0 =	sadd.s32 $0x8F2B, s0  }
0xbd: {  	[sflag:s0] =	ssyncadd.remote.s32 $0x1  }
0xbe: {  	_ =	sfence.sel $0xFFFF  }
0xbf: {  	[dreg:$0x0] =	wrdreg $0xFFFFFFFF;
	(pc) =	sbr.abs _section_cstart, $3  }
0xc0: {  	[dreg:$0x1] =	wrdreg $0xFFFFFFFF  }
0xc1: {  	_ =	task.clear_ibuf [dreg:s7], $0x2FFFF;
	_ =	strace $0x9FFFFFFF  }
0xc2: {  	(tm) =	ssettm $0x7FFFFFFF  }
0xc3: {  	_ =	shalt  }
tec
execute0_lowered:
.L_overlay_start_1:
0x0: {  	(tag) =	ssettag $0x1  }
0x1: {  	s1 =	rddreg [dreg:$0x0]  }
0x2: {  	s2 =	rddreg [dreg:$0x1];
	s0 =	srdreg.scid;
	s4 =	simm.s32 $0x0  }
0x3: {  	s5 =	stileid.u32;
	s15 =	simm.s32 $0x3;
	s16 =	simm.s32 $0x50  }
0x4: {  	s17 =	simm.s32 $0x100;
	s18 =	simm.s32 $0x2900;
	s19 =	simm.s32 $0x5100  }
0x5: {  	s20 =	simm.s32 $0x5150;
	s21 =	simm.s32 $0x5200;
	s22 =	simm.s32 $0x7A00  }
0x6: {  	s23 =	simm.s32 $0x1;
	s24 =	simm.s32 $0x2;
	s0 =	sand.u32 $0x1, s0  }
0x7: {  	s25 =	simm.s32 $0x0;
	[smem:$0x7FF] =	sst s4;
	s3 =	sshll.u32 s0, $0x4  }
0x8: {  	s6 =	sadd.s32 $0x13C00, s2;
	s0 =	ssub.s32 $0x2, s0;
	s3 =	sor.u32 s5, s3  }
0x9: {  	s7 =	sadd.s32 $0x9E00, s2;
	s9 =	sshrl.u32 s0, $0x1;
	s5 =	smul.u32 $0x2710, s3  }
0xa: {  	s8 =	sadd.s32 $0x3AE00, s2;
	s3 =	smul.u32 $0x138800, s3;
	s0 =	ssub.s32 s0, s9  }
0xb: {  	_ =	strace $0x80000047;
	s14 =	smax.u32 s0, $0x1;
	s31 =	sshrl.u32 s5, $0x3  }
0xc: {  	s3 =	sshrl.u32 s3, $0x3;
	s11 =	sadd.s32 $0x50, s5;
	s10 =	sadd.s32 s7, s31  }
0xd: {  	s9 =	sadd.s32 s2, s31;
	s3 =	sadd.s32 s8, s3;
	[dreg:$0x3] =	wrdreg s10  }
0xe: {  	s12 =	sadd.s32 $0xA0, s5;
	[dreg:$0x4] =	wrdreg s9;
	s13 =	sadd.s32 $0x26C00, s3  }
.LBB2_1:
0xf: {  	s0 =	rddreg [dreg:$0x3]  }
0x10: {  	[tilespmem:s4], [sflag:$0x3] =	stream.linear.gather [hbm4b:s0+s4], $0x50, $0x38;
	[tilespmem:$0xA200] =	vst v63  }
0x11: {  	_ =	swait.ge [sflag:s15], $0x50  }
0x12: {  	[sflag:s15] =	ssyncset.done $0x0  }
0x13: {  	s31 =	rddreg [dreg:$0x4];
	[sflag:s15] =	ssyncadd.s32 $0xFFFFFFB0  }
0x14: {  	[tilespmem:s16], [sflag:$0x3] =	stream.linear.gather [hbm4b:s31+s4], $0x50, $0x38;
	[tilespmem:$0xA200] =	vst v63  }
0x15: {  	_ =	swait.ge [sflag:s15], $0x50  }
0x16: {  	[sflag:s15] =	ssyncset.done $0x0  }
0x17: {  	[sflag:s15] =	ssyncadd.s32 $0xFFFFFFB0  }
0x18: {  	[tilespmem:s17], [sflag:$0x1] =	stream.indirect.gather [hbm4b:s1+s16], $0x80, s4, s16, $0xb8;
	[tilespmem:$0xA200] =	vst v63  }
0x19: {  	s26 =	simm.s32 $0x0  }
0x1a: {  	[tilespmem:s18], [sflag:$0x1] =	stream.indirect.gather [hbm4b:s6+s16], $0x80, s16, s16, $0xb8;
	[tilespmem:$0xA200] =	vst v63  }
.LBB2_2:
0x1b: {  	s29 =	smul.u32 $0xA0, s26;
	_ =	sdelay $0x1  }
0x1c: {  	s28 =	sadd.s32 s29, s11  }
0x1d: {  	s0 =	sshrl.u32 s28, $0x3  }
0x1e: {  	s3 =	sadd.s32 s7, s0  }
0x1f: {  	[tilespmem:s19], [sflag:$0x3] =	stream.linear.gather [hbm4b:s3+s4], $0x50, $0x38;
	[tilespmem:$0xA200] =	vst v63  }
0x20: {  	_ =	swait.ge [sflag:s15], $0x50  }
0x21: {  	[sflag:s15] =	ssyncset.done $0x0  }
0x22: {  	s0 =	sadd.s32 s2, s0;
	[sflag:s15] =	ssyncadd.s32 $0xFFFFFFB0  }
0x23: {  	[tilespmem:s20], [sflag:$0x3] =	stream.linear.gather [hbm4b:s0+s4], $0x50, $0x38;
	[tilespmem:$0xA200] =	vst v63  }
0x24: {  	_ =	swait.ge [sflag:s15], $0x50  }
0x25: {  	[sflag:s15] =	ssyncset.done $0x0  }
0x26: {  	[sflag:s15] =	ssyncadd.s32 $0xFFFFFFB0  }
0x27: {  	[tilespmem:s21], [sflag:$0x2] =	stream.indirect.gather [hbm4b:s1+s16], $0x80, s19, s16, $0xb8;
	[tilespmem:$0xA200] =	vst v63  }
0x28: {  	_ = 	snop  }
0x29: {  	[tilespmem:s22], [sflag:$0x2] =	stream.indirect.gather [hbm4b:s6+s16], $0x80, s20, s16, $0xb8;
	[tilespmem:$0xA200] =	vst v63  }
0x2a: {  	_ =	swait.ge [sflag:s23], $0x2800  }
0x2b: {  	[sflag:s23] =	ssyncset.done $0x0  }
0x2c: {  	[sflag:s23] =	ssyncadd.s32 $0xFFFFD800  }
0x2d: {  	_ =	swait.ge [sflag:s23], $0x2800  }
0x2e: {  	[sflag:s23] =	ssyncset.done $0x0  }
0x2f: {  	s30 =	simm.s32 $0x200;
	[sflag:s23] =	ssyncadd.s32 $0xFFFFD800  }
0x30: {  	s10 =	simm.s32 $0x2A00;
	v0 =	vld [tilespmem:s30+$0x80]  }
0x31: {  	v1 =	vld [tilespmem:s10+$0x80];
	_ =	sdelay $0x3  }
0x32: {  	v2 =	vld [tilespmem:s10+$0xFFFFFF00]  }
0x33: {  	v3 =	vld [tilespmem:s10+$0xFFFFFF80];
	v0 =	vadd.f32 v1, v0  }
0x34: {  	v1 =	vld [tilespmem:s30+$0xFFFFFF80]  }
0x35: {  	v5 =	vld [tilespmem:s30+$0x0];
	v4 =	vmul.f32 $9.999999770e-03, v0  }
0x36: {  	v6 =	vld [tilespmem:s10+$0x0]  }
0x37: {  	v0 =	vmax.f32 v0, v4;
	v4 =	vld [tilespmem:s30+$0xFFFFFF00]  }
0x38: {  	[tilespmem:s30+$0x80] =	vst v0;
	v0 =	vld [tilespmem:s30+$0x90]  }
0x39: {  	v1 =	vadd.f32 v3, v1;
	v7 =	vld [tilespmem:s10+$0x90];
	_ =	sdelay $0x1  }
0x3a: {  	v5 =	vadd.f32 v6, v5;
	v3 =	vmul.f32 $9.999999770e-03, v1  }
0x3b: {  	v2 =	vadd.f32 v2, v4  }
0x3c: {  	v12 =	vld [tilespmem:s30+$0xFFFFFFC0];
	v1 =	vmax.f32 v1, v3;
	v4 =	vmul.f32 $9.999999770e-03, v5  }
0x3d: {  	v3 =	vld [tilespmem:s30+$0xFFFFFF90];
	[tilespmem:s30+$0xFFFFFF80] =	vst v1;
	v0 =	vadd.f32 v7, v0;
	v7 =	vmul.f32 $9.999999770e-03, v2  }
0x3e: {  	v8 =	vld [tilespmem:s10+$0xFFFFFF90];
	v4 =	vmax.f32 v5, v4  }
0x3f: {  	v1 =	vld [tilespmem:s30+$0x10];
	[tilespmem:s30+$0x0] =	vst v4;
	v2 =	vmax.f32 v2, v7  }
0x40: {  	v5 =	vmul.f32 $9.999999770e-03, v0;
	[tilespmem:s30+$0xFFFFFF00] =	vst v2;
	v2 =	vld [tilespmem:s10+$0x10]  }
0x41: {  	v6 =	vld [tilespmem:s30+$0xFFFFFF10]  }
0x42: {  	v0 =	vmax.f32 v0, v5;
	v4 =	vld [tilespmem:s10+$0xFFFFFF10]  }
0x43: {  	[tilespmem:s30+$0x90] =	vst v0;
	v0 =	vld [tilespmem:s30+$0xA0];
	v3 =	vadd.f32 v8, v3  }
0x44: {  	s0 =	simm.s32 $0x2C00;
	v5 =	vld [tilespmem:s10+$0xA0]  }
0x45: {  	v15 =	vld [tilespmem:s0+$0x80];
	v9 =	vmul.f32 $9.999999770e-03, v3;
	v1 =	vadd.f32 v2, v1  }
0x46: {  	s31 =	simm.s32 $0x400;
	v16 =	vld [tilespmem:s0+$0xFFFFFF00]  }
0x47: {  	v18 =	vld [tilespmem:s31+$0x0];
	v4 =	vadd.f32 v4, v6;
	v3 =	vmax.f32 v3, v9;
	v10 =	vmul.f32 $9.999999770e-03, v1  }
0x48: {  	v8 =	vld [tilespmem:s30+$0xFFFFFFA0];
	[tilespmem:s30+$0xFFFFFF90] =	vst v3  }
0x49: {  	v5 =	vadd.f32 v5, v0;
	v0 =	vmul.f32 $9.999999770e-03, v4;
	v11 =	vld [tilespmem:s10+$0xFFFFFFA0];
	v1 =	vmax.f32 v1, v10  }
0x4a: {  	v2 =	vld [tilespmem:s30+$0x20];
	[tilespmem:s30+$0x10] =	vst v1  }
0x4b: {  	v10 =	vmul.f32 $9.999999770e-03, v5;
	v4 =	vmax.f32 v4, v0;
	v1 =	vld [tilespmem:s10+$0x20]  }
0x4c: {  	v7 =	vld [tilespmem:s30+$0xFFFFFF20];
	[tilespmem:s30+$0xFFFFFF10] =	vst v4  }
0x4d: {  	v4 =	vmax.f32 v5, v10;
	v5 =	vld [tilespmem:s10+$0xFFFFFF20]  }
0x4e: {  	[tilespmem:s30+$0xA0] =	vst v4;
	v4 =	vld [tilespmem:s30+$0xB0];
	v8 =	vadd.f32 v11, v8  }
0x4f: {  	v10 =	vld [tilespmem:s10+$0xB0]  }
0x50: {  	v20 =	vld [tilespmem:s0+$0x0];
	v11 =	vmul.f32 $9.999999770e-03, v8;
	v1 =	vadd.f32 v1, v2  }
0x51: {  	v43 =	vld [tilespmem:s30+$0xE0]  }
0x52: {  	v44 =	vld [tilespmem:s31+$0xFFFFFF10];
	v2 =	vadd.f32 v5, v7;
	v5 =	vmax.f32 v8, v11;
	v7 =	vmul.f32 $9.999999770e-03, v1  }
0x53: {  	v9 =	vld [tilespmem:s30+$0xFFFFFFB0];
	[tilespmem:s30+$0xFFFFFFA0] =	vst v5  }
0x54: {  	v4 =	vadd.f32 v10, v4;
	v5 =	vmul.f32 $9.999999770e-03, v2;
	v8 =	vld [tilespmem:s10+$0xFFFFFFB0];
	v7 =	vmax.f32 v1, v7  }
0x55: {  	v3 =	vld [tilespmem:s30+$0x30];
	[tilespmem:s30+$0x20] =	vst v7  }
0x56: {  	v7 =	vmul.f32 $9.999999770e-03, v4;
	v2 =	vmax.f32 v2, v5;
	v5 =	vld [tilespmem:s10+$0x30]  }
0x57: {  	v6 =	vld [tilespmem:s30+$0xFFFFFF30];
	[tilespmem:s30+$0xFFFFFF20] =	vst v2  }
0x58: {  	v2 =	vmax.f32 v4, v7;
	v4 =	vld [tilespmem:s10+$0xFFFFFF30]  }
0x59: {  	v7 =	vld [tilespmem:s30+$0xC0];
	[tilespmem:s30+$0xB0] =	vst v2;
	v2 =	vadd.f32 v8, v9  }
0x5a: {  	v9 =	vld [tilespmem:s10+$0xC0]  }
0x5b: {  	v50 =	vld [tilespmem:s30+$0xF0];
	v8 =	vmul.f32 $9.999999770e-03, v2;
	v3 =	vadd.f32 v5, v3  }
0x5c: {  	v51 =	vld [tilespmem:s31+$0xFFFFFFA0]  }
0x5d: {  	v52 =	vld [tilespmem:s31+$0xFFFFFF30];
	v2 =	vmax.f32 v2, v8;
	v5 =	vmul.f32 $9.999999770e-03, v3  }
0x5e: {  	v53 =	vld [tilespmem:s31+$0xFFFFFFB0];
	v4 =	vadd.f32 v4, v6;
	[tilespmem:s30+$0xFFFFFFB0] =	vst v2  }
0x5f: {  	v6 =	vld [tilespmem:s10+$0xFFFFFFC0];
	v7 =	vadd.f32 v9, v7;
	v2 =	vmax.f32 v3, v5  }
0x60: {  	v11 =	vld [tilespmem:s30+$0x40];
	v3 =	vmul.f32 $9.999999770e-03, v4;
	[tilespmem:s30+$0x30] =	vst v2  }
0x61: {  	v13 =	vmul.f32 $9.999999770e-03, v7;
	v9 =	vld [tilespmem:s10+$0x40]  }
0x62: {  	v55 =	vld [tilespmem:s31+$0xFFFFFF40];
	v4 =	vmax.f32 v4, v3  }
0x63: {  	v26 =	vld [tilespmem:s31+$0x40];
	[tilespmem:s30+$0xFFFFFF30] =	vst v4;
	v4 =	vmax.f32 v7, v13  }
0x64: {  	v6 =	vadd.f32 v6, v12;
	[tilespmem:s30+$0xC0] =	vst v4;
	v12 =	vld [tilespmem:s30+$0xD0]  }
0x65: {  	v13 =	vld [tilespmem:s10+$0xD0]  }
0x66: {  	v9 =	vadd.f32 v9, v11;
	v11 =	vld [tilespmem:s31+$0x80]  }
0x67: {  	v59 =	vld [tilespmem:s31+$0xC0]  }
0x68: {  	v0 =	vld [tilespmem:s30+$0xFFFFFF40]  }
0x69: {  	v10 =	vld [tilespmem:s30+$0xFFFFFFD0]  }
0x6a: {  	v1 =	vld [tilespmem:s30+$0xFFFFFF50]  }
0x6b: {  	v12 =	vadd.f32 v13, v12;
	v13 =	vld [tilespmem:s0+$0xFFFFFF80];
	v11 =	vadd.f32 v15, v11  }
0x6c: {  	v15 =	vld [tilespmem:s31+$0xFFFFFF80]  }
0x6d: {  	v8 =	vld [tilespmem:s30+$0x50];
	v17 =	vmul.f32 $9.999999770e-03, v11  }
0x6e: {  	v5 =	vld [tilespmem:s30+$0xFFFFFF60];
	v19 =	vmul.f32 $9.999999770e-03, v12  }
0x6f: {  	v11 =	vmax.f32 v11, v17;
	v17 =	vld [tilespmem:s31+$0xFFFFFF00]  }
0x70: {  	[tilespmem:s31+$0x80] =	vst v11;
	v11 =	vmax.f32 v12, v19;
	v12 =	vld [tilespmem:s31+$0x90]  }
0x71: {  	v13 =	vadd.f32 v13, v15;
	[tilespmem:s30+$0xD0] =	vst v11;
	v11 =	vld [tilespmem:s0+$0x90]  }
0x72: {  	v15 =	vld [tilespmem:s10+$0xE0]  }
0x73: {  	v18 =	vadd.f32 v20, v18;
	v2 =	vld [tilespmem:s30+$0xFFFFFFE0];
	v22 =	vmul.f32 $9.999999770e-03, v13  }
0x74: {  	v3 =	vld [tilespmem:s30+$0x60];
	v16 =	vadd.f32 v16, v17  }
0x75: {  	v45 =	vmul.f32 $9.999999770e-03, v18;
	v7 =	vld [tilespmem:s10+$0xFFFFFF40];
	v13 =	vmax.f32 v13, v22  }
0x76: {  	v17 =	vld [tilespmem:s31+$0xFFFFFF90];
	[tilespmem:s31+$0xFFFFFF80] =	vst v13;
	v11 =	vadd.f32 v11, v12;
	v12 =	vmul.f32 $9.999999770e-03, v16  }
0x77: {  	v18 =	vmax.f32 v18, v45;
	v46 =	vld [tilespmem:s0+$0xFFFFFF90];
	v15 =	vadd.f32 v15, v43  }
0x78: {  	[tilespmem:s31+$0x0] =	vst v18;
	v13 =	vld [tilespmem:s31+$0x10];
	v47 =	vmul.f32 $9.999999770e-03, v11;
	v12 =	vmax.f32 v16, v12  }
0x79: {  	v48 =	vmul.f32 $9.999999770e-03, v15;
	[tilespmem:s31+$0xFFFFFF00] =	vst v12;
	v12 =	vld [tilespmem:s0+$0x10]  }
0x7a: {  	v11 =	vmax.f32 v11, v47;
	v49 =	vld [tilespmem:s0+$0xFFFFFF10]  }
0x7b: {  	v4 =	vmul.f32 $9.999999770e-03, v6;
	[tilespmem:s31+$0x90] =	vst v11;
	v11 =	vmax.f32 v15, v48;
	v15 =	vld [tilespmem:s31+$0xA0]  }
0x7c: {  	v17 =	vadd.f32 v46, v17;
	[tilespmem:s30+$0xE0] =	vst v11;
	v11 =	vld [tilespmem:s0+$0xA0]  }
0x7d: {  	v4 =	vmax.f32 v6, v4;
	v6 =	vld [tilespmem:s30+$0xFFFFFF70];
	v14 =	vmul.f32 $9.999999770e-03, v9  }
0x7e: {  	[tilespmem:s30+$0xFFFFFFC0] =	vst v4;
	v4 =	vld [tilespmem:s30+$0xFFFFFFF0];
	v23 =	vmul.f32 $9.999999770e-03, v17;
	v12 =	vadd.f32 v12, v13  }
0x7f: {  	v9 =	vmax.f32 v9, v14;
	v14 =	vld [tilespmem:s10+$0xFFFFFFD0];
	v20 =	vadd.f32 v49, v44  }
0x80: {  	[tilespmem:s30+$0x40] =	vst v9;
	v9 =	vld [tilespmem:s30+$0x70];
	v17 =	vmax.f32 v17, v23;
	v24 =	vmul.f32 $9.999999770e-03, v12  }
0x81: {  	v16 =	vld [tilespmem:s31+$0xFFFFFF20];
	[tilespmem:s31+$0xFFFFFF90] =	vst v17;
	v11 =	vadd.f32 v11, v15;
	v15 =	vmul.f32 $9.999999770e-03, v20  }
0x82: {  	v25 =	vld [tilespmem:s0+$0xFFFFFFA0];
	v12 =	vmax.f32 v12, v24  }
0x83: {  	v0 =	vadd.f32 v7, v0;
	v13 =	vld [tilespmem:s31+$0x20];
	v15 =	vmax.f32 v20, v15;
	[tilespmem:s31+$0x10] =	vst v12  }
0x84: {  	v54 =	vmul.f32 $9.999999770e-03, v11;
	[tilespmem:s31+$0xFFFFFF10] =	vst v15;
	v12 =	vld [tilespmem:s0+$0x20]  }
0x85: {  	v15 =	vmul.f32 $9.999999770e-03, v0;
	v7 =	vld [tilespmem:s0+$0xFFFFFF20]  }
0x86: {  	v21 =	vld [tilespmem:s10+$0x50];
	v11 =	vmax.f32 v11, v54  }
0x87: {  	[tilespmem:s31+$0xA0] =	vst v11;
	v11 =	vld [tilespmem:s31+$0xB0];
	v19 =	vadd.f32 v25, v51;
	v0 =	vmax.f32 v0, v15  }
0x88: {  	v10 =	vadd.f32 v14, v10;
	v56 =	vld [tilespmem:s0+$0xB0];
	[tilespmem:s30+$0xFFFFFF40] =	vst v0  }
0x89: {  	v14 =	vld [tilespmem:s10+$0xFFFFFF50];
	v12 =	vadd.f32 v12, v13;
	v13 =	vmul.f32 $9.999999770e-03, v19  }
0x8a: {  	v58 =	vmul.f32 $9.999999770e-03, v10;
	v57 =	vld [tilespmem:s10+$0xF0];
	v7 =	vadd.f32 v7, v16  }
0x8b: {  	v17 =	vld [tilespmem:s31+$0x30];
	v13 =	vmax.f32 v19, v13;
	v16 =	vmul.f32 $9.999999770e-03, v12  }
0x8c: {  	v10 =	vmax.f32 v10, v58;
	v15 =	vld [tilespmem:s31+$0xFFFFFFC0];
	[tilespmem:s31+$0xFFFFFFA0] =	vst v13;
	v13 =	vmul.f32 $9.999999770e-03, v7  }
0x8d: {  	[tilespmem:s30+$0xFFFFFFD0] =	vst v10;
	v11 =	vadd.f32 v56, v11;
	v12 =	vmax.f32 v12, v16;
	v16 =	vld [tilespmem:s0+$0xFFFFFFB0]  }
0x8e: {  	v1 =	vadd.f32 v14, v1;
	v14 =	vld [tilespmem:s10+$0xFFFFFFE0];
	v13 =	vmax.f32 v7, v13;
	[tilespmem:s31+$0x20] =	vst v12  }
0x8f: {  	v8 =	vadd.f32 v21, v8;
	v12 =	vmul.f32 $9.999999770e-03, v11;
	[tilespmem:s31+$0xFFFFFF20] =	vst v13;
	v13 =	vld [tilespmem:s0+$0x30]  }
0x90: {  	v0 =	vld [tilespmem:s31+$0xFFFFFF50]  }
0x91: {  	v10 =	vld [tilespmem:s0+$0xFFFFFF30];
	v11 =	vmax.f32 v11, v12;
	v12 =	vmul.f32 $9.999999770e-03, v8  }
0x92: {  	v7 =	vld [tilespmem:s31+$0xFFFFFFD0];
	[tilespmem:s31+$0xB0] =	vst v11;
	v11 =	vmul.f32 $9.999999770e-03, v1;
	v16 =	vadd.f32 v16, v53  }
0x93: {  	v8 =	vmax.f32 v8, v12;
	v12 =	vld [tilespmem:s0+$0xC0];
	v14 =	vadd.f32 v14, v2  }
0x94: {  	v2 =	vld [tilespmem:s31+$0xFFFFFFE0];
	[tilespmem:s30+$0x50] =	vst v8;
	v1 =	vmax.f32 v1, v11;
	v11 =	vadd.f32 v13, v17;
	v13 =	vmul.f32 $9.999999770e-03, v16  }
0x95: {  	[tilespmem:s30+$0xFFFFFF50] =	vst v1;
	v17 =	vld [tilespmem:s10+$0x60]  }
0x96: {  	v10 =	vadd.f32 v10, v52;
	v60 =	vld [tilespmem:s10+$0xFFFFFF60];
	v13 =	vmax.f32 v16, v13;
	v16 =	vmul.f32 $9.999999770e-03, v11  }
0x97: {  	v8 =	vld [tilespmem:s31+$0x50]  }
0x98: {  	v1 =	vld [tilespmem:s31+$0xFFFFFF60];
	[tilespmem:s31+$0xFFFFFFB0] =	vst v13;
	v13 =	vmul.f32 $9.999999770e-03, v10;
	v11 =	vmax.f32 v11, v16  }
0x99: {  	v12 =	vadd.f32 v12, v59;
	v16 =	vld [tilespmem:s0+$0xFFFFFFC0];
	[tilespmem:s31+$0x30] =	vst v11;
	v11 =	vmul.f32 $9.999999770e-03, v14  }
0x9a: {  	v10 =	vmax.f32 v10, v13;
	v13 =	vadd.f32 v17, v3;
	v3 =	vld [tilespmem:s31+$0x60]  }
0x9b: {  	v19 =	vmul.f32 $9.999999770e-03, v12;
	v17 =	vld [tilespmem:s0+$0x40];
	[tilespmem:s31+$0xFFFFFF30] =	vst v10;
	v5 =	vadd.f32 v60, v5;
	v10 =	vmax.f32 v14, v11  }
0x9c: {  	v11 =	vld [tilespmem:s0+$0xFFFFFF40];
	[tilespmem:s30+$0xFFFFFFE0] =	vst v10;
	v10 =	vmul.f32 $9.999999770e-03, v13  }
0x9d: {  	v12 =	vmax.f32 v12, v19;
	v14 =	vmul.f32 $9.999999770e-03, v5;
	v61 =	vld [tilespmem:s10+$0xFFFFFFF0]  }
0x9e: {  	[tilespmem:s31+$0xC0] =	vst v12;
	v15 =	vadd.f32 v16, v15;
	v16 =	vld [tilespmem:s31+$0xD0];
	v10 =	vmax.f32 v13, v10  }
0x9f: {  	v13 =	vld [tilespmem:s0+$0xD0];
	v5 =	vmax.f32 v5, v14;
	v14 =	vadd.f32 v57, v50;
	[tilespmem:s30+$0x60] =	vst v10  }
0xa0: {  	v10 =	vmul.f32 $9.999999770e-03, v15;
	v12 =	vadd.f32 v17, v26;
	[tilespmem:s30+$0xFFFFFF60] =	vst v5;
	v17 =	vld [tilespmem:s10+$0x70]  }
0xa1: {  	v5 =	vadd.f32 v11, v55;
	v11 =	vld [tilespmem:s10+$0xFFFFFF70];
	v63 =	vmul.f32 $9.999999770e-03, v14  }
0xa2: {  	v15 =	vmax.f32 v15, v10;
	v62 =	vmul.f32 $9.999999770e-03, v12;
	v10 =	vld [tilespmem:s31+$0xFFFFFF70];
	v19 =	vadd.f32 v61, v4  }
0xa3: {  	[tilespmem:s31+$0xFFFFFFC0] =	vst v15;
	v15 =	vmul.f32 $9.999999770e-03, v5;
	v4 =	vld [tilespmem:s31+$0xFFFFFFF0];
	v14 =	vmax.f32 v14, v63  }
0xa4: {  	v18 =	vmax.f32 v12, v62;
	v12 =	vld [tilespmem:s0+$0xFFFFFFD0];
	v13 =	vadd.f32 v13, v16;
	[tilespmem:s30+$0xF0] =	vst v14;
	v16 =	vmul.f32 $9.999999770e-03, v19  }
0xa5: {  	[tilespmem:s31+$0x40] =	vst v18;
	v14 =	vmax.f32 v5, v15;
	v5 =	vld [tilespmem:s31+$0x70];
	v9 =	vadd.f32 v17, v9  }
0xa6: {  	s9 =	simm.s32 $0x4;
	s3 =	simm.s32 $0x2C00;
	s10 =	simm.s32 $0x600;
	[tilespmem:s31+$0xFFFFFF40] =	vst v14;
	v14 =	vld [tilespmem:s0+$0x50];
	v15 =	vmul.f32 $9.999999770e-03, v13;
	v11 =	vadd.f32 v11, v6;
	v6 =	vmax.f32 v19, v16  }
.LBB2_3:
0xa7: {  	v16 =	vld [tilespmem:s10+$0x80];
	s0 =	sadd.s32 $0x200, s0;
	[tilespmem:s30+$0xFFFFFFF0] =	vst v6;
	v17 =	vmul.f32 $9.999999770e-03, v9;
	v6 =	vmov v10  }
0xa8: {  	s9 =	sadd.s32 $0x4, s9;
	v10 =	vld [tilespmem:s0+$0x80];
	v13 =	vmax.f32 v13, v15;
	v15 =	vmul.f32 $9.999999770e-03, v11  }
0xa9: {  	p0 =	slt.u32 s9, $0x4C;
	v7 =	vadd.f32 v12, v7;
	[tilespmem:s31+$0xD0] =	vst v13;
	v12 =	vld [tilespmem:s31+$0xE0];
	v9 =	vmax.f32 v9, v17  }
0xaa: {  	v13 =	vld [tilespmem:s3+$0xE0];
	v11 =	vmax.f32 v11, v15;
	[tilespmem:s30+$0x70] =	vst v9  }
0xab: {  	v9 =	vld [tilespmem:s0+$0xFFFFFF00];
	v15 =	vmul.f32 $9.999999770e-03, v7;
	v8 =	vadd.f32 v14, v8;
	[tilespmem:s30+$0xFFFFFF70] =	vst v11;
	s30 =	smov.u32 s31;
	s31 =	smov.u32 s10  }
0xac: {  	v11 =	vld [tilespmem:s10+$0xFFFFFF80]  }
0xad: {  	v14 =	vld [tilespmem:s0+$0xFFFFFF80];
	v10 =	vadd.f32 v10, v16;
	v7 =	vmax.f32 v7, v15;
	v15 =	vmul.f32 $9.999999770e-03, v8  }
0xae: {  	v16 =	vld [tilespmem:s10+$0x0];
	[tilespmem:s30+$0xFFFFFFD0] =	vst v7  }
0xaf: {  	v7 =	vld [tilespmem:s0+$0x0];
	v17 =	vmul.f32 $9.999999770e-03, v10;
	v8 =	vmax.f32 v8, v15;
	v12 =	vadd.f32 v13, v12  }
0xb0: {  	v13 =	vld [tilespmem:s10+$0xFFFFFF00];
	[tilespmem:s30+$0x50] =	vst v8  }
0xb1: {  	v8 =	vld [tilespmem:s10+$0xFFFFFF10];
	v10 =	vmax.f32 v10, v17;
	v15 =	vmul.f32 $9.999999770e-03, v12  }
0xb2: {  	v11 =	vadd.f32 v14, v11;
	[tilespmem:s10+$0x80] =	vst v10;
	v10 =	vld [tilespmem:s10+$0x90]  }
0xb3: {  	v14 =	vld [tilespmem:s0+$0x90];
	v12 =	vmax.f32 v12, v15  }
0xb4: {  	v15 =	vmul.f32 $9.999999770e-03, v11;
	v7 =	vadd.f32 v7, v16;
	[tilespmem:s30+$0xE0] =	vst v12;
	v12 =	vld [tilespmem:s30+$0xF0]  }
0xb5: {  	v9 =	vadd.f32 v9, v13;
	v13 =	vld [tilespmem:s3+$0xF0]  }
0xb6: {  	v11 =	vmax.f32 v11, v15;
	v15 =	vld [tilespmem:s10+$0xFFFFFF90];
	v16 =	vmul.f32 $9.999999770e-03, v7  }
0xb7: {  	v17 =	vmul.f32 $9.999999770e-03, v9;
	[tilespmem:s10+$0xFFFFFF80] =	vst v11;
	v11 =	vld [tilespmem:s10+$0x10]  }
0xb8: {  	v18 =	vld [tilespmem:s0+$0xFFFFFF90];
	v7 =	vmax.f32 v7, v16;
	v10 =	vadd.f32 v14, v10  }
0xb9: {  	v9 =	vmax.f32 v9, v17;
	v14 =	vld [tilespmem:s10+$0xFFFFFF20];
	[tilespmem:s10+$0x0] =	vst v7  }
0xba: {  	[tilespmem:s10+$0xFFFFFF00] =	vst v9;
	v7 =	vld [tilespmem:s0+$0x10];
	v9 =	vmul.f32 $9.999999770e-03, v10;
	v12 =	vadd.f32 v13, v12  }
0xbb: {  	v13 =	vld [tilespmem:s0+$0xFFFFFF10]  }
0xbc: {  	v16 =	vld [tilespmem:s10+$0xFFFFFFA0];
	v9 =	vmax.f32 v10, v9;
	v10 =	vmul.f32 $9.999999770e-03, v12  }
0xbd: {  	v15 =	vadd.f32 v18, v15;
	[tilespmem:s10+$0x90] =	vst v9;
	v9 =	vld [tilespmem:s10+$0xA0]  }
0xbe: {  	v17 =	vld [tilespmem:s0+$0xA0];
	v10 =	vmax.f32 v12, v10  }
0xbf: {  	v12 =	vmul.f32 $9.999999770e-03, v15;
	v7 =	vadd.f32 v7, v11;
	v11 =	vld [tilespmem:s10+$0x20];
	[tilespmem:s30+$0xF0] =	vst v10  }
0xc0: {  	v8 =	vadd.f32 v13, v8;
	v10 =	vld [tilespmem:s10+$0xFFFFFF30]  }
0xc1: {  	v12 =	vmax.f32 v15, v12;
	v13 =	vld [tilespmem:s10+$0xFFFFFFB0];
	v15 =	vmul.f32 $9.999999770e-03, v7  }
0xc2: {  	v18 =	vmul.f32 $9.999999770e-03, v8;
	[tilespmem:s10+$0xFFFFFF90] =	vst v12;
	v12 =	vld [tilespmem:s10+$0x30]  }
0xc3: {  	v19 =	vld [tilespmem:s0+$0xFFFFFFA0];
	v7 =	vmax.f32 v7, v15;
	v9 =	vadd.f32 v17, v9  }
0xc4: {  	v8 =	vmax.f32 v8, v18;
	v15 =	vld [tilespmem:s10+$0xFFFFFF40];
	[tilespmem:s10+$0x10] =	vst v7  }
0xc5: {  	[tilespmem:s10+$0xFFFFFF10] =	vst v8;
	v7 =	vld [tilespmem:s0+$0x20];
	v8 =	vmul.f32 $9.999999770e-03, v9  }
0xc6: {  	v17 =	vld [tilespmem:s0+$0xFFFFFF20]  }
0xc7: {  	v18 =	vld [tilespmem:s10+$0xFFFFFFC0];
	v8 =	vmax.f32 v9, v8  }
0xc8: {  	v9 =	vadd.f32 v19, v16;
	[tilespmem:s10+$0xA0] =	vst v8;
	v8 =	vld [tilespmem:s10+$0xB0]  }
0xc9: {  	v16 =	vld [tilespmem:s0+$0xB0]  }
0xca: {  	v19 =	vmul.f32 $9.999999770e-03, v9;
	v11 =	vadd.f32 v7, v11;
	v20 =	vld [tilespmem:s10+$0x40]  }
0xcb: {  	v14 =	vadd.f32 v17, v14;
	v17 =	vld [tilespmem:s3+$0xFFFFFF50]  }
0xcc: {  	v21 =	vld [tilespmem:s10+$0xFFFFFF50];
	v7 =	vmax.f32 v9, v19;
	v9 =	vmul.f32 $9.999999770e-03, v11  }
0xcd: {  	v19 =	vmul.f32 $9.999999770e-03, v14;
	[tilespmem:s10+$0xFFFFFFA0] =	vst v7;
	v7 =	vld [tilespmem:s10+$0xFFFFFFD0]  }
0xce: {  	v22 =	vld [tilespmem:s0+$0xFFFFFFB0];
	v9 =	vmax.f32 v11, v9;
	v11 =	vadd.f32 v16, v8  }
0xcf: {  	v14 =	vmax.f32 v14, v19;
	[tilespmem:s10+$0x20] =	vst v9;
	v8 =	vld [tilespmem:s10+$0x50]  }
0xd0: {  	[tilespmem:s10+$0xFFFFFF20] =	vst v14;
	v9 =	vld [tilespmem:s0+$0x30];
	v14 =	vmul.f32 $9.999999770e-03, v11;
	v16 =	vadd.f32 v17, v0  }
0xd1: {  	v17 =	vld [tilespmem:s0+$0xFFFFFF30];
	v0 =	vmov v21  }
0xd2: {  	v11 =	vmax.f32 v11, v14;
	v14 =	vmul.f32 $9.999999770e-03, v16;
	v19 =	vld [tilespmem:s3+$0xFFFFFFE0]  }
0xd3: {  	v13 =	vadd.f32 v22, v13;
	[tilespmem:s10+$0xB0] =	vst v11;
	v11 =	vld [tilespmem:s10+$0xC0]  }
0xd4: {  	v21 =	vld [tilespmem:s0+$0xC0];
	v14 =	vmax.f32 v16, v14  }
0xd5: {  	v16 =	vmul.f32 $9.999999770e-03, v13;
	v9 =	vadd.f32 v9, v12;
	[tilespmem:s30+$0xFFFFFF50] =	vst v14;
	v12 =	vld [tilespmem:s3+$0x60]  }
0xd6: {  	v10 =	vadd.f32 v17, v10;
	v14 =	vld [tilespmem:s3+$0xFFFFFF60]  }
0xd7: {  	v17 =	vld [tilespmem:s10+$0xFFFFFF60];
	v13 =	vmax.f32 v13, v16;
	v16 =	vmul.f32 $9.999999770e-03, v9;
	v19 =	vadd.f32 v19, v2  }
0xd8: {  	v22 =	vmul.f32 $9.999999770e-03, v10;
	[tilespmem:s10+$0xFFFFFFB0] =	vst v13;
	v2 =	vld [tilespmem:s10+$0xFFFFFFE0]  }
0xd9: {  	v13 =	vld [tilespmem:s0+$0xFFFFFFC0];
	v9 =	vmax.f32 v9, v16;
	v11 =	vadd.f32 v21, v11;
	v16 =	vmul.f32 $9.999999770e-03, v19  }
0xda: {  	v10 =	vmax.f32 v10, v22;
	[tilespmem:s10+$0x30] =	vst v9;
	v9 =	vadd.f32 v12, v3;
	v3 =	vld [tilespmem:s10+$0x60]  }
0xdb: {  	[tilespmem:s10+$0xFFFFFF30] =	vst v10;
	v10 =	vld [tilespmem:s0+$0x40];
	v12 =	vmul.f32 $9.999999770e-03, v11;
	v14 =	vadd.f32 v14, v1;
	v21 =	vmax.f32 v19, v16  }
0xdc: {  	v16 =	vld [tilespmem:s0+$0xFFFFFF40];
	[tilespmem:s30+$0xFFFFFFE0] =	vst v21;
	v19 =	vmul.f32 $9.999999770e-03, v9;
	v1 =	vmov v17  }
0xdd: {  	v11 =	vmax.f32 v11, v12;
	v12 =	vmul.f32 $9.999999770e-03, v14;
	v17 =	vld [tilespmem:s3+$0xFFFFFFF0]  }
0xde: {  	v13 =	vadd.f32 v13, v18;
	[tilespmem:s10+$0xC0] =	vst v11;
	v11 =	vld [tilespmem:s10+$0xD0];
	v9 =	vmax.f32 v9, v19  }
0xdf: {  	v18 =	vld [tilespmem:s0+$0xD0];
	v12 =	vmax.f32 v14, v12;
	[tilespmem:s30+$0x60] =	vst v9  }
0xe0: {  	v9 =	vmul.f32 $9.999999770e-03, v13;
	v14 =	vadd.f32 v10, v20;
	[tilespmem:s30+$0xFFFFFF60] =	vst v12;
	v19 =	vld [tilespmem:s3+$0x70]  }
0xe1: {  	v15 =	vadd.f32 v16, v15;
	v16 =	vld [tilespmem:s3+$0xFFFFFF70];
	s3 =	smov.u32 s0  }
.Ltmp0:
0xe2: {  	v10 =	vld [tilespmem:s10+$0xFFFFFF70];
	v9 =	vmax.f32 v13, v9;
	v13 =	vmul.f32 $9.999999770e-03, v14;
	v17 =	vadd.f32 v17, v4;
	(pc) =	sbr.rel @p0 .LBB2_3-.Ltmp0, $4  }
0xe3: {  	v20 =	vmul.f32 $9.999999770e-03, v15;
	[tilespmem:s10+$0xFFFFFFC0] =	vst v9;
	v4 =	vld [tilespmem:s10+$0xFFFFFFF0]  }
0xe4: {  	v12 =	vld [tilespmem:s0+$0xFFFFFFD0];
	v9 =	vmax.f32 v14, v13;
	v13 =	vadd.f32 v18, v11;
	v18 =	vmul.f32 $9.999999770e-03, v17  }
0xe5: {  	v11 =	vmax.f32 v15, v20;
	[tilespmem:s10+$0x40] =	vst v9;
	v9 =	vadd.f32 v19, v5;
	v5 =	vld [tilespmem:s10+$0x70]  }
0xe6: {  	s10 =	sadd.s32 $0x200, s10;
	[tilespmem:s31+$0xFFFFFF40] =	vst v11;
	v14 =	vld [tilespmem:s0+$0x50];
	v15 =	vmul.f32 $9.999999770e-03, v13;
	v11 =	vadd.f32 v16, v6;
	v6 =	vmax.f32 v17, v18  }
0xe7: {  	v16 =	vld [tilespmem:s3+$0xFFFFFF50];
	_ =	sdelay $0x2  }
0xe8: {  	v7 =	vadd.f32 v12, v7  }
0xe9: {  	v12 =	vmax.f32 v13, v15;
	v8 =	vadd.f32 v14, v8  }
0xea: {  	[tilespmem:s31+$0xD0] =	vst v12;
	v12 =	vmul.f32 $9.999999770e-03, v7;
	v0 =	vadd.f32 v16, v0  }
0xeb: {  	v13 =	vld [tilespmem:s31+$0xE0];
	v14 =	vmul.f32 $9.999999770e-03, v8  }
0xec: {  	v15 =	vld [tilespmem:s3+$0xE0];
	v7 =	vmax.f32 v7, v12;
	v12 =	vmul.f32 $9.999999770e-03, v0  }
0xed: {  	[tilespmem:s31+$0xFFFFFFD0] =	vst v7;
	v7 =	vmax.f32 v8, v14  }
0xee: {  	[tilespmem:s31+$0x50] =	vst v7;
	v7 =	vld [tilespmem:s3+$0xFFFFFFE0];
	v0 =	vmax.f32 v0, v12  }
0xef: {  	[tilespmem:s31+$0xFFFFFF50] =	vst v0;
	v0 =	vld [tilespmem:s3+$0x60]  }
0xf0: {  	v8 =	vld [tilespmem:s3+$0xFFFFFF60]  }
0xf1: {  	v12 =	vadd.f32 v15, v13;
	_ =	sdelay $0x1  }
0xf2: {  	v13 =	vmul.f32 $9.999999770e-03, v12;
	v2 =	vadd.f32 v7, v2  }
0xf3: {  	v0 =	vadd.f32 v0, v3  }
0xf4: {  	v3 =	vmax.f32 v12, v13;
	v7 =	vmul.f32 $9.999999770e-03, v2;
	v1 =	vadd.f32 v8, v1  }
0xf5: {  	[tilespmem:s31+$0xE0] =	vst v3;
	v3 =	vmul.f32 $9.999999770e-03, v0  }
0xf6: {  	v8 =	vld [tilespmem:s31+$0xF0];
	v2 =	vmax.f32 v2, v7;
	v7 =	vmul.f32 $9.999999770e-03, v1  }
0xf7: {  	v12 =	vld [tilespmem:s3+$0xF0];
	[tilespmem:s31+$0xFFFFFFE0] =	vst v2;
	v0 =	vmax.f32 v0, v3  }
0xf8: {  	v2 =	vld [tilespmem:s3+$0xFFFFFFF0];
	v1 =	vmax.f32 v1, v7;
	[tilespmem:s31+$0x60] =	vst v0  }
0xf9: {  	[tilespmem:s31+$0xFFFFFF60] =	vst v1;
	v0 =	vld [tilespmem:s3+$0x70]  }
0xfa: {  	v1 =	vld [tilespmem:s3+$0xFFFFFF70];
	_ =	sdelay $0x1  }
0xfb: {  	v3 =	vmul.f32 $9.999999770e-03, v9;
	v7 =	vadd.f32 v12, v8  }
0xfc: {  	v8 =	vmul.f32 $9.999999770e-03, v11;
	v2 =	vadd.f32 v2, v4  }
0xfd: {  	[tilespmem:s30+$0xFFFFFFF0] =	vst v6;
	v3 =	vmax.f32 v9, v3;
	v4 =	vmul.f32 $9.999999770e-03, v7;
	v0 =	vadd.f32 v0, v5  }
0xfe: {  	[tilespmem:s30+$0x70] =	vst v3;
	v5 =	vmax.f32 v11, v8;
	v3 =	vmul.f32 $9.999999770e-03, v2;
	v1 =	vadd.f32 v1, v10  }
0xff: {  	[tilespmem:s30+$0xFFFFFF70] =	vst v5;
	v4 =	vmax.f32 v7, v4;
	v5 =	vmul.f32 $9.999999770e-03, v0  }
0x100: {  	[tilespmem:s31+$0xF0] =	vst v4;
	v2 =	vmax.f32 v2, v3;
	v3 =	vmul.f32 $9.999999770e-03, v1  }
0x101: {  	s0 =	sadd.s32 s5, s29;
	[tilespmem:s31+$0xFFFFFFF0] =	vst v2;
	v0 =	vmax.f32 v0, v5  }
0x102: {  	s0 =	sshll.u32 s0, $0x4;
	v1 =	vmax.f32 v1, v3;
	[tilespmem:s31+$0x70] =	vst v0  }
0x103: {  	s0 =	sadd.s32 s8, s0;
	[tilespmem:s31+$0xFFFFFF70] =	vst v1  }
0x104: {  	[hbm4b:s0+s4] =	stream.linear.scatter [tilespmem:s17], [sflag:$0x3], $0x2800, $0x38;
	[tilespmem:$0xA200] =	vst v63  }
0x105: {  	s9 =	sadd.s32 s29, s12;
	_ =	swait.ge [sflag:s15], $0x2800  }
0x106: {  	s0 =	sshrl.u32 s9, $0x3;
	[sflag:s15] =	ssyncset.done $0x0  }
0x107: {  	s10 =	sadd.s32 s7, s0;
	[sflag:s15] =	ssyncadd.s32 $0xFFFFD800  }
0x108: {  	[tilespmem:s4], [sflag:$0x3] =	stream.linear.gather [hbm4b:s10+s4], $0x50, $0x38;
	[tilespmem:$0xA200] =	vst v63  }
0x109: {  	_ =	swait.ge [sflag:s15], $0x50  }
0x10a: {  	[sflag:s15] =	ssyncset.done $0x0  }
0x10b: {  	s0 =	sadd.s32 s2, s0;
	[sflag:s15] =	ssyncadd.s32 $0xFFFFFFB0  }
0x10c: {  	[tilespmem:s16], [sflag:$0x3] =	stream.linear.gather [hbm4b:s0+s4], $0x50, $0x38;
	[tilespmem:$0xA200] =	vst v63  }
0x10d: {  	_ =	swait.ge [sflag:s15], $0x50  }
0x10e: {  	[sflag:s15] =	ssyncset.done $0x0  }
0x10f: {  	[sflag:s15] =	ssyncadd.s32 $0xFFFFFFB0  }
0x110: {  	[tilespmem:s17], [sflag:$0x1] =	stream.indirect.gather [hbm4b:s1+s16], $0x80, s4, s16, $0xb8;
	[tilespmem:$0xA200] =	vst v63  }
0x111: {  	_ = 	snop  }
0x112: {  	[tilespmem:s18], [sflag:$0x1] =	stream.indirect.gather [hbm4b:s6+s16], $0x80, s16, s16, $0xb8;
	[tilespmem:$0xA200] =	vst v63  }
0x113: {  	_ =	swait.ge [sflag:s24], $0x2800  }
0x114: {  	[sflag:s24] =	ssyncset.done $0x0  }
0x115: {  	[sflag:s24] =	ssyncadd.s32 $0xFFFFD800  }
0x116: {  	_ =	swait.ge [sflag:s24], $0x2800  }
0x117: {  	[sflag:s24] =	ssyncset.done $0x0  }
0x118: {  	s29 =	simm.s32 $0x5300;
	[sflag:s24] =	ssyncadd.s32 $0xFFFFD800  }
0x119: {  	s31 =	simm.s32 $0x7B00;
	v0 =	vld [tilespmem:s29+$0x80]  }
0x11a: {  	v1 =	vld [tilespmem:s31+$0x80];
	_ =	sdelay $0x3  }
0x11b: {  	v2 =	vld [tilespmem:s31+$0xFFFFFF00]  }
0x11c: {  	v3 =	vld [tilespmem:s31+$0xFFFFFF80];
	v0 =	vadd.f32 v1, v0  }
0x11d: {  	v1 =	vld [tilespmem:s29+$0xFFFFFF80]  }
0x11e: {  	v5 =	vld [tilespmem:s29+$0x0];
	v4 =	vmul.f32 $9.999999770e-03, v0  }
0x11f: {  	v6 =	vld [tilespmem:s31+$0x0]  }
0x120: {  	v0 =	vmax.f32 v0, v4;
	v4 =	vld [tilespmem:s29+$0xFFFFFF00]  }
0x121: {  	[tilespmem:s29+$0x80] =	vst v0;
	v0 =	vld [tilespmem:s29+$0x90]  }
0x122: {  	v1 =	vadd.f32 v3, v1;
	v7 =	vld [tilespmem:s31+$0x90];
	_ =	sdelay $0x1  }
0x123: {  	v5 =	vadd.f32 v6, v5;
	v3 =	vmul.f32 $9.999999770e-03, v1  }
0x124: {  	v2 =	vadd.f32 v2, v4  }
0x125: {  	v12 =	vld [tilespmem:s29+$0xFFFFFFC0];
	v1 =	vmax.f32 v1, v3;
	v4 =	vmul.f32 $9.999999770e-03, v5  }
0x126: {  	v3 =	vld [tilespmem:s29+$0xFFFFFF90];
	[tilespmem:s29+$0xFFFFFF80] =	vst v1;
	v0 =	vadd.f32 v7, v0;
	v7 =	vmul.f32 $9.999999770e-03, v2  }
0x127: {  	v8 =	vld [tilespmem:s31+$0xFFFFFF90];
	v4 =	vmax.f32 v5, v4  }
0x128: {  	v1 =	vld [tilespmem:s29+$0x10];
	[tilespmem:s29+$0x0] =	vst v4;
	v2 =	vmax.f32 v2, v7  }
0x129: {  	v5 =	vmul.f32 $9.999999770e-03, v0;
	[tilespmem:s29+$0xFFFFFF00] =	vst v2;
	v2 =	vld [tilespmem:s31+$0x10]  }
0x12a: {  	v6 =	vld [tilespmem:s29+$0xFFFFFF10]  }
0x12b: {  	v0 =	vmax.f32 v0, v5;
	v4 =	vld [tilespmem:s31+$0xFFFFFF10]  }
0x12c: {  	[tilespmem:s29+$0x90] =	vst v0;
	v0 =	vld [tilespmem:s29+$0xA0];
	v3 =	vadd.f32 v8, v3  }
0x12d: {  	s0 =	simm.s32 $0x7D00;
	v5 =	vld [tilespmem:s31+$0xA0]  }
0x12e: {  	v15 =	vld [tilespmem:s0+$0x80];
	v9 =	vmul.f32 $9.999999770e-03, v3;
	v1 =	vadd.f32 v2, v1  }
0x12f: {  	s30 =	simm.s32 $0x5500;
	v16 =	vld [tilespmem:s0+$0xFFFFFF00]  }
0x130: {  	v18 =	vld [tilespmem:s30+$0x0];
	v4 =	vadd.f32 v4, v6;
	v3 =	vmax.f32 v3, v9;
	v10 =	vmul.f32 $9.999999770e-03, v1  }
0x131: {  	v8 =	vld [tilespmem:s29+$0xFFFFFFA0];
	[tilespmem:s29+$0xFFFFFF90] =	vst v3  }
0x132: {  	v5 =	vadd.f32 v5, v0;
	v0 =	vmul.f32 $9.999999770e-03, v4;
	v11 =	vld [tilespmem:s31+$0xFFFFFFA0];
	v1 =	vmax.f32 v1, v10  }
0x133: {  	v2 =	vld [tilespmem:s29+$0x20];
	[tilespmem:s29+$0x10] =	vst v1  }
0x134: {  	v10 =	vmul.f32 $9.999999770e-03, v5;
	v4 =	vmax.f32 v4, v0;
	v1 =	vld [tilespmem:s31+$0x20]  }
0x135: {  	v7 =	vld [tilespmem:s29+$0xFFFFFF20];
	[tilespmem:s29+$0xFFFFFF10] =	vst v4  }
0x136: {  	v4 =	vmax.f32 v5, v10;
	v5 =	vld [tilespmem:s31+$0xFFFFFF20]  }
0x137: {  	[tilespmem:s29+$0xA0] =	vst v4;
	v4 =	vld [tilespmem:s29+$0xB0];
	v8 =	vadd.f32 v11, v8  }
0x138: {  	v10 =	vld [tilespmem:s31+$0xB0]  }
0x139: {  	v20 =	vld [tilespmem:s0+$0x0];
	v11 =	vmul.f32 $9.999999770e-03, v8;
	v1 =	vadd.f32 v1, v2  }
0x13a: {  	v43 =	vld [tilespmem:s29+$0xE0]  }
0x13b: {  	v44 =	vld [tilespmem:s30+$0xFFFFFF10];
	v2 =	vadd.f32 v5, v7;
	v5 =	vmax.f32 v8, v11;
	v7 =	vmul.f32 $9.999999770e-03, v1  }
0x13c: {  	v9 =	vld [tilespmem:s29+$0xFFFFFFB0];
	[tilespmem:s29+$0xFFFFFFA0] =	vst v5  }
0x13d: {  	v4 =	vadd.f32 v10, v4;
	v5 =	vmul.f32 $9.999999770e-03, v2;
	v8 =	vld [tilespmem:s31+$0xFFFFFFB0];
	v7 =	vmax.f32 v1, v7  }
0x13e: {  	v3 =	vld [tilespmem:s29+$0x30];
	[tilespmem:s29+$0x20] =	vst v7  }
0x13f: {  	v7 =	vmul.f32 $9.999999770e-03, v4;
	v2 =	vmax.f32 v2, v5;
	v5 =	vld [tilespmem:s31+$0x30]  }
0x140: {  	v6 =	vld [tilespmem:s29+$0xFFFFFF30];
	[tilespmem:s29+$0xFFFFFF20] =	vst v2  }
0x141: {  	v2 =	vmax.f32 v4, v7;
	v4 =	vld [tilespmem:s31+$0xFFFFFF30]  }
0x142: {  	v7 =	vld [tilespmem:s29+$0xC0];
	[tilespmem:s29+$0xB0] =	vst v2;
	v2 =	vadd.f32 v8, v9  }
0x143: {  	v9 =	vld [tilespmem:s31+$0xC0]  }
0x144: {  	v50 =	vld [tilespmem:s29+$0xF0];
	v8 =	vmul.f32 $9.999999770e-03, v2;
	v3 =	vadd.f32 v5, v3  }
0x145: {  	v51 =	vld [tilespmem:s30+$0xFFFFFFA0]  }
0x146: {  	v52 =	vld [tilespmem:s30+$0xFFFFFF30];
	v2 =	vmax.f32 v2, v8;
	v5 =	vmul.f32 $9.999999770e-03, v3  }
0x147: {  	v53 =	vld [tilespmem:s30+$0xFFFFFFB0];
	v4 =	vadd.f32 v4, v6;
	[tilespmem:s29+$0xFFFFFFB0] =	vst v2  }
0x148: {  	v6 =	vld [tilespmem:s31+$0xFFFFFFC0];
	v7 =	vadd.f32 v9, v7;
	v2 =	vmax.f32 v3, v5  }
0x149: {  	v11 =	vld [tilespmem:s29+$0x40];
	v3 =	vmul.f32 $9.999999770e-03, v4;
	[tilespmem:s29+$0x30] =	vst v2  }
0x14a: {  	v13 =	vmul.f32 $9.999999770e-03, v7;
	v9 =	vld [tilespmem:s31+$0x40]  }
0x14b: {  	v55 =	vld [tilespmem:s30+$0xFFFFFF40];
	v4 =	vmax.f32 v4, v3  }
0x14c: {  	v26 =	vld [tilespmem:s30+$0x40];
	[tilespmem:s29+$0xFFFFFF30] =	vst v4;
	v4 =	vmax.f32 v7, v13  }
0x14d: {  	v6 =	vadd.f32 v6, v12;
	[tilespmem:s29+$0xC0] =	vst v4;
	v12 =	vld [tilespmem:s29+$0xD0]  }
0x14e: {  	v13 =	vld [tilespmem:s31+$0xD0]  }
0x14f: {  	v9 =	vadd.f32 v9, v11;
	v11 =	vld [tilespmem:s30+$0x80]  }
0x150: {  	v59 =	vld [tilespmem:s30+$0xC0]  }
0x151: {  	v0 =	vld [tilespmem:s29+$0xFFFFFF40]  }
0x152: {  	v10 =	vld [tilespmem:s29+$0xFFFFFFD0]  }
0x153: {  	v1 =	vld [tilespmem:s29+$0xFFFFFF50]  }
0x154: {  	v12 =	vadd.f32 v13, v12;
	v13 =	vld [tilespmem:s0+$0xFFFFFF80];
	v11 =	vadd.f32 v15, v11  }
0x155: {  	v15 =	vld [tilespmem:s30+$0xFFFFFF80]  }
0x156: {  	v8 =	vld [tilespmem:s29+$0x50];
	v17 =	vmul.f32 $9.999999770e-03, v11  }
0x157: {  	v5 =	vld [tilespmem:s29+$0xFFFFFF60];
	v19 =	vmul.f32 $9.999999770e-03, v12  }
0x158: {  	v11 =	vmax.f32 v11, v17;
	v17 =	vld [tilespmem:s30+$0xFFFFFF00]  }
0x159: {  	[tilespmem:s30+$0x80] =	vst v11;
	v11 =	vmax.f32 v12, v19;
	v12 =	vld [tilespmem:s30+$0x90]  }
0x15a: {  	v13 =	vadd.f32 v13, v15;
	[tilespmem:s29+$0xD0] =	vst v11;
	v11 =	vld [tilespmem:s0+$0x90]  }
0x15b: {  	v15 =	vld [tilespmem:s31+$0xE0]  }
0x15c: {  	v18 =	vadd.f32 v20, v18;
	v2 =	vld [tilespmem:s29+$0xFFFFFFE0];
	v22 =	vmul.f32 $9.999999770e-03, v13  }
0x15d: {  	v3 =	vld [tilespmem:s29+$0x60];
	v16 =	vadd.f32 v16, v17  }
0x15e: {  	v45 =	vmul.f32 $9.999999770e-03, v18;
	v7 =	vld [tilespmem:s31+$0xFFFFFF40];
	v13 =	vmax.f32 v13, v22  }
0x15f: {  	v17 =	vld [tilespmem:s30+$0xFFFFFF90];
	[tilespmem:s30+$0xFFFFFF80] =	vst v13;
	v11 =	vadd.f32 v11, v12;
	v12 =	vmul.f32 $9.999999770e-03, v16  }
0x160: {  	v18 =	vmax.f32 v18, v45;
	v46 =	vld [tilespmem:s0+$0xFFFFFF90];
	v15 =	vadd.f32 v15, v43  }
0x161: {  	[tilespmem:s30+$0x0] =	vst v18;
	v13 =	vld [tilespmem:s30+$0x10];
	v47 =	vmul.f32 $9.999999770e-03, v11;
	v12 =	vmax.f32 v16, v12  }
0x162: {  	v48 =	vmul.f32 $9.999999770e-03, v15;
	[tilespmem:s30+$0xFFFFFF00] =	vst v12;
	v12 =	vld [tilespmem:s0+$0x10]  }
0x163: {  	v11 =	vmax.f32 v11, v47;
	v49 =	vld [tilespmem:s0+$0xFFFFFF10]  }
0x164: {  	v4 =	vmul.f32 $9.999999770e-03, v6;
	[tilespmem:s30+$0x90] =	vst v11;
	v11 =	vmax.f32 v15, v48;
	v15 =	vld [tilespmem:s30+$0xA0]  }
0x165: {  	v17 =	vadd.f32 v46, v17;
	[tilespmem:s29+$0xE0] =	vst v11;
	v11 =	vld [tilespmem:s0+$0xA0]  }
0x166: {  	v4 =	vmax.f32 v6, v4;
	v6 =	vld [tilespmem:s29+$0xFFFFFF70];
	v14 =	vmul.f32 $9.999999770e-03, v9  }
0x167: {  	[tilespmem:s29+$0xFFFFFFC0] =	vst v4;
	v4 =	vld [tilespmem:s29+$0xFFFFFFF0];
	v23 =	vmul.f32 $9.999999770e-03, v17;
	v12 =	vadd.f32 v12, v13  }
0x168: {  	v9 =	vmax.f32 v9, v14;
	v14 =	vld [tilespmem:s31+$0xFFFFFFD0];
	v20 =	vadd.f32 v49, v44  }
0x169: {  	[tilespmem:s29+$0x40] =	vst v9;
	v9 =	vld [tilespmem:s29+$0x70];
	v17 =	vmax.f32 v17, v23;
	v24 =	vmul.f32 $9.999999770e-03, v12  }
0x16a: {  	v16 =	vld [tilespmem:s30+$0xFFFFFF20];
	[tilespmem:s30+$0xFFFFFF90] =	vst v17;
	v11 =	vadd.f32 v11, v15;
	v15 =	vmul.f32 $9.999999770e-03, v20  }
0x16b: {  	v25 =	vld [tilespmem:s0+$0xFFFFFFA0];
	v12 =	vmax.f32 v12, v24  }
0x16c: {  	v0 =	vadd.f32 v7, v0;
	v13 =	vld [tilespmem:s30+$0x20];
	v15 =	vmax.f32 v20, v15;
	[tilespmem:s30+$0x10] =	vst v12  }
0x16d: {  	v54 =	vmul.f32 $9.999999770e-03, v11;
	[tilespmem:s30+$0xFFFFFF10] =	vst v15;
	v12 =	vld [tilespmem:s0+$0x20]  }
0x16e: {  	v15 =	vmul.f32 $9.999999770e-03, v0;
	v7 =	vld [tilespmem:s0+$0xFFFFFF20]  }
0x16f: {  	v21 =	vld [tilespmem:s31+$0x50];
	v11 =	vmax.f32 v11, v54  }
0x170: {  	[tilespmem:s30+$0xA0] =	vst v11;
	v11 =	vld [tilespmem:s30+$0xB0];
	v19 =	vadd.f32 v25, v51;
	v0 =	vmax.f32 v0, v15  }
0x171: {  	v10 =	vadd.f32 v14, v10;
	v56 =	vld [tilespmem:s0+$0xB0];
	[tilespmem:s29+$0xFFFFFF40] =	vst v0  }
0x172: {  	v14 =	vld [tilespmem:s31+$0xFFFFFF50];
	v12 =	vadd.f32 v12, v13;
	v13 =	vmul.f32 $9.999999770e-03, v19  }
0x173: {  	v58 =	vmul.f32 $9.999999770e-03, v10;
	v57 =	vld [tilespmem:s31+$0xF0];
	v7 =	vadd.f32 v7, v16  }
0x174: {  	v17 =	vld [tilespmem:s30+$0x30];
	v13 =	vmax.f32 v19, v13;
	v16 =	vmul.f32 $9.999999770e-03, v12  }
0x175: {  	v10 =	vmax.f32 v10, v58;
	v15 =	vld [tilespmem:s30+$0xFFFFFFC0];
	[tilespmem:s30+$0xFFFFFFA0] =	vst v13;
	v13 =	vmul.f32 $9.999999770e-03, v7  }
0x176: {  	[tilespmem:s29+$0xFFFFFFD0] =	vst v10;
	v11 =	vadd.f32 v56, v11;
	v12 =	vmax.f32 v12, v16;
	v16 =	vld [tilespmem:s0+$0xFFFFFFB0]  }
0x177: {  	v1 =	vadd.f32 v14, v1;
	v14 =	vld [tilespmem:s31+$0xFFFFFFE0];
	v13 =	vmax.f32 v7, v13;
	[tilespmem:s30+$0x20] =	vst v12  }
0x178: {  	v8 =	vadd.f32 v21, v8;
	v12 =	vmul.f32 $9.999999770e-03, v11;
	[tilespmem:s30+$0xFFFFFF20] =	vst v13;
	v13 =	vld [tilespmem:s0+$0x30]  }
0x179: {  	v0 =	vld [tilespmem:s30+$0xFFFFFF50]  }
0x17a: {  	v10 =	vld [tilespmem:s0+$0xFFFFFF30];
	v11 =	vmax.f32 v11, v12;
	v12 =	vmul.f32 $9.999999770e-03, v8  }
0x17b: {  	v7 =	vld [tilespmem:s30+$0xFFFFFFD0];
	[tilespmem:s30+$0xB0] =	vst v11;
	v11 =	vmul.f32 $9.999999770e-03, v1;
	v16 =	vadd.f32 v16, v53  }
0x17c: {  	v8 =	vmax.f32 v8, v12;
	v12 =	vld [tilespmem:s0+$0xC0];
	v14 =	vadd.f32 v14, v2  }
0x17d: {  	v2 =	vld [tilespmem:s30+$0xFFFFFFE0];
	[tilespmem:s29+$0x50] =	vst v8;
	v1 =	vmax.f32 v1, v11;
	v11 =	vadd.f32 v13, v17;
	v13 =	vmul.f32 $9.999999770e-03, v16  }
0x17e: {  	[tilespmem:s29+$0xFFFFFF50] =	vst v1;
	v17 =	vld [tilespmem:s31+$0x60]  }
0x17f: {  	v10 =	vadd.f32 v10, v52;
	v60 =	vld [tilespmem:s31+$0xFFFFFF60];
	v13 =	vmax.f32 v16, v13;
	v16 =	vmul.f32 $9.999999770e-03, v11  }
0x180: {  	v8 =	vld [tilespmem:s30+$0x50]  }
0x181: {  	v1 =	vld [tilespmem:s30+$0xFFFFFF60];
	[tilespmem:s30+$0xFFFFFFB0] =	vst v13;
	v13 =	vmul.f32 $9.999999770e-03, v10;
	v11 =	vmax.f32 v11, v16  }
0x182: {  	v12 =	vadd.f32 v12, v59;
	v16 =	vld [tilespmem:s0+$0xFFFFFFC0];
	[tilespmem:s30+$0x30] =	vst v11;
	v11 =	vmul.f32 $9.999999770e-03, v14  }
0x183: {  	v10 =	vmax.f32 v10, v13;
	v13 =	vadd.f32 v17, v3;
	v3 =	vld [tilespmem:s30+$0x60]  }
0x184: {  	v19 =	vmul.f32 $9.999999770e-03, v12;
	v17 =	vld [tilespmem:s0+$0x40];
	[tilespmem:s30+$0xFFFFFF30] =	vst v10;
	v5 =	vadd.f32 v60, v5;
	v10 =	vmax.f32 v14, v11  }
0x185: {  	v11 =	vld [tilespmem:s0+$0xFFFFFF40];
	[tilespmem:s29+$0xFFFFFFE0] =	vst v10;
	v10 =	vmul.f32 $9.999999770e-03, v13  }
0x186: {  	v12 =	vmax.f32 v12, v19;
	v14 =	vmul.f32 $9.999999770e-03, v5;
	v61 =	vld [tilespmem:s31+$0xFFFFFFF0]  }
0x187: {  	[tilespmem:s30+$0xC0] =	vst v12;
	v15 =	vadd.f32 v16, v15;
	v16 =	vld [tilespmem:s30+$0xD0];
	v10 =	vmax.f32 v13, v10  }
0x188: {  	v13 =	vld [tilespmem:s0+$0xD0];
	v5 =	vmax.f32 v5, v14;
	v14 =	vadd.f32 v57, v50;
	[tilespmem:s29+$0x60] =	vst v10  }
0x189: {  	v10 =	vmul.f32 $9.999999770e-03, v15;
	v12 =	vadd.f32 v17, v26;
	[tilespmem:s29+$0xFFFFFF60] =	vst v5;
	v17 =	vld [tilespmem:s31+$0x70]  }
0x18a: {  	v5 =	vadd.f32 v11, v55;
	v11 =	vld [tilespmem:s31+$0xFFFFFF70];
	v63 =	vmul.f32 $9.999999770e-03, v14  }
0x18b: {  	v15 =	vmax.f32 v15, v10;
	v62 =	vmul.f32 $9.999999770e-03, v12;
	v10 =	vld [tilespmem:s30+$0xFFFFFF70];
	v19 =	vadd.f32 v61, v4  }
0x18c: {  	[tilespmem:s30+$0xFFFFFFC0] =	vst v15;
	v15 =	vmul.f32 $9.999999770e-03, v5;
	v4 =	vld [tilespmem:s30+$0xFFFFFFF0];
	v14 =	vmax.f32 v14, v63  }
0x18d: {  	v18 =	vmax.f32 v12, v62;
	v12 =	vld [tilespmem:s0+$0xFFFFFFD0];
	v13 =	vadd.f32 v13, v16;
	[tilespmem:s29+$0xF0] =	vst v14;
	v16 =	vmul.f32 $9.999999770e-03, v19  }
0x18e: {  	[tilespmem:s30+$0x40] =	vst v18;
	v14 =	vmax.f32 v5, v15;
	v5 =	vld [tilespmem:s30+$0x70];
	v9 =	vadd.f32 v17, v9  }
0x18f: {  	s3 =	simm.s32 $0x7D00;
	s9 =	simm.s32 $0x4;
	s10 =	simm.s32 $0x5700;
	[tilespmem:s30+$0xFFFFFF40] =	vst v14;
	v14 =	vld [tilespmem:s0+$0x50];
	v15 =	vmul.f32 $9.999999770e-03, v13;
	v11 =	vadd.f32 v11, v6;
	v6 =	vmax.f32 v19, v16  }
.LBB2_5:
0x190: {  	v16 =	vld [tilespmem:s10+$0x80];
	s0 =	sadd.s32 $0x200, s0;
	[tilespmem:s29+$0xFFFFFFF0] =	vst v6;
	v17 =	vmul.f32 $9.999999770e-03, v9;
	v6 =	vmov v10  }
0x191: {  	s9 =	sadd.s32 $0x4, s9;
	v10 =	vld [tilespmem:s0+$0x80];
	v13 =	vmax.f32 v13, v15;
	v15 =	vmul.f32 $9.999999770e-03, v11  }
0x192: {  	p0 =	slt.u32 s9, $0x4C;
	v7 =	vadd.f32 v12, v7;
	[tilespmem:s30+$0xD0] =	vst v13;
	v12 =	vld [tilespmem:s30+$0xE0];
	v9 =	vmax.f32 v9, v17  }
0x193: {  	v13 =	vld [tilespmem:s3+$0xE0];
	v11 =	vmax.f32 v11, v15;
	[tilespmem:s29+$0x70] =	vst v9  }
0x194: {  	v9 =	vld [tilespmem:s0+$0xFFFFFF00];
	v15 =	vmul.f32 $9.999999770e-03, v7;
	v8 =	vadd.f32 v14, v8;
	[tilespmem:s29+$0xFFFFFF70] =	vst v11;
	s29 =	smov.u32 s30;
	s30 =	smov.u32 s10  }
0x195: {  	v11 =	vld [tilespmem:s10+$0xFFFFFF80]  }
0x196: {  	v14 =	vld [tilespmem:s0+$0xFFFFFF80];
	v10 =	vadd.f32 v10, v16;
	v7 =	vmax.f32 v7, v15;
	v15 =	vmul.f32 $9.999999770e-03, v8  }
0x197: {  	v16 =	vld [tilespmem:s10+$0x0];
	[tilespmem:s29+$0xFFFFFFD0] =	vst v7  }
0x198: {  	v7 =	vld [tilespmem:s0+$0x0];
	v17 =	vmul.f32 $9.999999770e-03, v10;
	v8 =	vmax.f32 v8, v15;
	v12 =	vadd.f32 v13, v12  }
0x199: {  	v13 =	vld [tilespmem:s10+$0xFFFFFF00];
	[tilespmem:s29+$0x50] =	vst v8  }
0x19a: {  	v8 =	vld [tilespmem:s10+$0xFFFFFF10];
	v10 =	vmax.f32 v10, v17;
	v15 =	vmul.f32 $9.999999770e-03, v12  }
0x19b: {  	v11 =	vadd.f32 v14, v11;
	[tilespmem:s10+$0x80] =	vst v10;
	v10 =	vld [tilespmem:s10+$0x90]  }
0x19c: {  	v14 =	vld [tilespmem:s0+$0x90];
	v12 =	vmax.f32 v12, v15  }
0x19d: {  	v15 =	vmul.f32 $9.999999770e-03, v11;
	v7 =	vadd.f32 v7, v16;
	[tilespmem:s29+$0xE0] =	vst v12;
	v12 =	vld [tilespmem:s29+$0xF0]  }
0x19e: {  	v9 =	vadd.f32 v9, v13;
	v13 =	vld [tilespmem:s3+$0xF0]  }
0x19f: {  	v11 =	vmax.f32 v11, v15;
	v15 =	vld [tilespmem:s10+$0xFFFFFF90];
	v16 =	vmul.f32 $9.999999770e-03, v7  }
0x1a0: {  	v17 =	vmul.f32 $9.999999770e-03, v9;
	[tilespmem:s10+$0xFFFFFF80] =	vst v11;
	v11 =	vld [tilespmem:s10+$0x10]  }
0x1a1: {  	v18 =	vld [tilespmem:s0+$0xFFFFFF90];
	v7 =	vmax.f32 v7, v16;
	v10 =	vadd.f32 v14, v10  }
0x1a2: {  	v9 =	vmax.f32 v9, v17;
	v14 =	vld [tilespmem:s10+$0xFFFFFF20];
	[tilespmem:s10+$0x0] =	vst v7  }
0x1a3: {  	[tilespmem:s10+$0xFFFFFF00] =	vst v9;
	v7 =	vld [tilespmem:s0+$0x10];
	v9 =	vmul.f32 $9.999999770e-03, v10;
	v12 =	vadd.f32 v13, v12  }
0x1a4: {  	v13 =	vld [tilespmem:s0+$0xFFFFFF10]  }
0x1a5: {  	v16 =	vld [tilespmem:s10+$0xFFFFFFA0];
	v9 =	vmax.f32 v10, v9;
	v10 =	vmul.f32 $9.999999770e-03, v12  }
0x1a6: {  	v15 =	vadd.f32 v18, v15;
	[tilespmem:s10+$0x90] =	vst v9;
	v9 =	vld [tilespmem:s10+$0xA0]  }
0x1a7: {  	v17 =	vld [tilespmem:s0+$0xA0];
	v10 =	vmax.f32 v12, v10  }
0x1a8: {  	v12 =	vmul.f32 $9.999999770e-03, v15;
	v7 =	vadd.f32 v7, v11;
	v11 =	vld [tilespmem:s10+$0x20];
	[tilespmem:s29+$0xF0] =	vst v10  }
0x1a9: {  	v8 =	vadd.f32 v13, v8;
	v10 =	vld [tilespmem:s10+$0xFFFFFF30]  }
0x1aa: {  	v12 =	vmax.f32 v15, v12;
	v13 =	vld [tilespmem:s10+$0xFFFFFFB0];
	v15 =	vmul.f32 $9.999999770e-03, v7  }
0x1ab: {  	v18 =	vmul.f32 $9.999999770e-03, v8;
	[tilespmem:s10+$0xFFFFFF90] =	vst v12;
	v12 =	vld [tilespmem:s10+$0x30]  }
0x1ac: {  	v19 =	vld [tilespmem:s0+$0xFFFFFFA0];
	v7 =	vmax.f32 v7, v15;
	v9 =	vadd.f32 v17, v9  }
0x1ad: {  	v8 =	vmax.f32 v8, v18;
	v15 =	vld [tilespmem:s10+$0xFFFFFF40];
	[tilespmem:s10+$0x10] =	vst v7  }
0x1ae: {  	[tilespmem:s10+$0xFFFFFF10] =	vst v8;
	v7 =	vld [tilespmem:s0+$0x20];
	v8 =	vmul.f32 $9.999999770e-03, v9  }
0x1af: {  	v17 =	vld [tilespmem:s0+$0xFFFFFF20]  }
0x1b0: {  	v18 =	vld [tilespmem:s10+$0xFFFFFFC0];
	v8 =	vmax.f32 v9, v8  }
0x1b1: {  	v9 =	vadd.f32 v19, v16;
	[tilespmem:s10+$0xA0] =	vst v8;
	v8 =	vld [tilespmem:s10+$0xB0]  }
0x1b2: {  	v16 =	vld [tilespmem:s0+$0xB0]  }
0x1b3: {  	v19 =	vmul.f32 $9.999999770e-03, v9;
	v11 =	vadd.f32 v7, v11;
	v20 =	vld [tilespmem:s10+$0x40]  }
0x1b4: {  	v14 =	vadd.f32 v17, v14;
	v17 =	vld [tilespmem:s3+$0xFFFFFF50]  }
0x1b5: {  	v21 =	vld [tilespmem:s10+$0xFFFFFF50];
	v7 =	vmax.f32 v9, v19;
	v9 =	vmul.f32 $9.999999770e-03, v11  }
0x1b6: {  	v19 =	vmul.f32 $9.999999770e-03, v14;
	[tilespmem:s10+$0xFFFFFFA0] =	vst v7;
	v7 =	vld [tilespmem:s10+$0xFFFFFFD0]  }
0x1b7: {  	v22 =	vld [tilespmem:s0+$0xFFFFFFB0];
	v9 =	vmax.f32 v11, v9;
	v11 =	vadd.f32 v16, v8  }
0x1b8: {  	v14 =	vmax.f32 v14, v19;
	[tilespmem:s10+$0x20] =	vst v9;
	v8 =	vld [tilespmem:s10+$0x50]  }
0x1b9: {  	[tilespmem:s10+$0xFFFFFF20] =	vst v14;
	v9 =	vld [tilespmem:s0+$0x30];
	v14 =	vmul.f32 $9.999999770e-03, v11;
	v16 =	vadd.f32 v17, v0  }
0x1ba: {  	v17 =	vld [tilespmem:s0+$0xFFFFFF30];
	v0 =	vmov v21  }
0x1bb: {  	v11 =	vmax.f32 v11, v14;
	v14 =	vmul.f32 $9.999999770e-03, v16;
	v19 =	vld [tilespmem:s3+$0xFFFFFFE0]  }
0x1bc: {  	v13 =	vadd.f32 v22, v13;
	[tilespmem:s10+$0xB0] =	vst v11;
	v11 =	vld [tilespmem:s10+$0xC0]  }
0x1bd: {  	v21 =	vld [tilespmem:s0+$0xC0];
	v14 =	vmax.f32 v16, v14  }
0x1be: {  	v16 =	vmul.f32 $9.999999770e-03, v13;
	v9 =	vadd.f32 v9, v12;
	[tilespmem:s29+$0xFFFFFF50] =	vst v14;
	v12 =	vld [tilespmem:s3+$0x60]  }
0x1bf: {  	v10 =	vadd.f32 v17, v10;
	v14 =	vld [tilespmem:s3+$0xFFFFFF60]  }
0x1c0: {  	v17 =	vld [tilespmem:s10+$0xFFFFFF60];
	v13 =	vmax.f32 v13, v16;
	v16 =	vmul.f32 $9.999999770e-03, v9;
	v19 =	vadd.f32 v19, v2  }
0x1c1: {  	v22 =	vmul.f32 $9.999999770e-03, v10;
	[tilespmem:s10+$0xFFFFFFB0] =	vst v13;
	v2 =	vld [tilespmem:s10+$0xFFFFFFE0]  }
0x1c2: {  	v13 =	vld [tilespmem:s0+$0xFFFFFFC0];
	v9 =	vmax.f32 v9, v16;
	v11 =	vadd.f32 v21, v11;
	v16 =	vmul.f32 $9.999999770e-03, v19  }
0x1c3: {  	v10 =	vmax.f32 v10, v22;
	[tilespmem:s10+$0x30] =	vst v9;
	v9 =	vadd.f32 v12, v3;
	v3 =	vld [tilespmem:s10+$0x60]  }
0x1c4: {  	[tilespmem:s10+$0xFFFFFF30] =	vst v10;
	v10 =	vld [tilespmem:s0+$0x40];
	v12 =	vmul.f32 $9.999999770e-03, v11;
	v14 =	vadd.f32 v14, v1;
	v21 =	vmax.f32 v19, v16  }
0x1c5: {  	v16 =	vld [tilespmem:s0+$0xFFFFFF40];
	[tilespmem:s29+$0xFFFFFFE0] =	vst v21;
	v19 =	vmul.f32 $9.999999770e-03, v9;
	v1 =	vmov v17  }
0x1c6: {  	v11 =	vmax.f32 v11, v12;
	v12 =	vmul.f32 $9.999999770e-03, v14;
	v17 =	vld [tilespmem:s3+$0xFFFFFFF0]  }
0x1c7: {  	v13 =	vadd.f32 v13, v18;
	[tilespmem:s10+$0xC0] =	vst v11;
	v11 =	vld [tilespmem:s10+$0xD0];
	v9 =	vmax.f32 v9, v19  }
0x1c8: {  	v18 =	vld [tilespmem:s0+$0xD0];
	v12 =	vmax.f32 v14, v12;
	[tilespmem:s29+$0x60] =	vst v9  }
0x1c9: {  	v9 =	vmul.f32 $9.999999770e-03, v13;
	v14 =	vadd.f32 v10, v20;
	[tilespmem:s29+$0xFFFFFF60] =	vst v12;
	v19 =	vld [tilespmem:s3+$0x70]  }
0x1ca: {  	v15 =	vadd.f32 v16, v15;
	v16 =	vld [tilespmem:s3+$0xFFFFFF70];
	s3 =	smov.u32 s0  }
.Ltmp1:
0x1cb: {  	v10 =	vld [tilespmem:s10+$0xFFFFFF70];
	v9 =	vmax.f32 v13, v9;
	v13 =	vmul.f32 $9.999999770e-03, v14;
	v17 =	vadd.f32 v17, v4;
	(pc) =	sbr.rel @p0 .LBB2_5-.Ltmp1, $4  }
0x1cc: {  	v20 =	vmul.f32 $9.999999770e-03, v15;
	[tilespmem:s10+$0xFFFFFFC0] =	vst v9;
	v4 =	vld [tilespmem:s10+$0xFFFFFFF0]  }
0x1cd: {  	v12 =	vld [tilespmem:s0+$0xFFFFFFD0];
	v9 =	vmax.f32 v14, v13;
	v13 =	vadd.f32 v18, v11;
	v18 =	vmul.f32 $9.999999770e-03, v17  }
0x1ce: {  	v11 =	vmax.f32 v15, v20;
	[tilespmem:s10+$0x40] =	vst v9;
	v9 =	vadd.f32 v19, v5;
	v5 =	vld [tilespmem:s10+$0x70]  }
0x1cf: {  	s10 =	sadd.s32 $0x200, s10;
	[tilespmem:s30+$0xFFFFFF40] =	vst v11;
	v14 =	vld [tilespmem:s0+$0x50];
	v15 =	vmul.f32 $9.999999770e-03, v13;
	v11 =	vadd.f32 v16, v6;
	v6 =	vmax.f32 v17, v18  }
0x1d0: {  	v16 =	vld [tilespmem:s3+$0xFFFFFF50];
	_ =	sdelay $0x2  }
0x1d1: {  	v7 =	vadd.f32 v12, v7  }
0x1d2: {  	v8 =	vadd.f32 v14, v8  }
0x1d3: {  	v42 =	vmul.f32 $9.999999770e-03, v7;
	v0 =	vadd.f32 v16, v0  }
0x1d4: {  	v41 =	vmax.f32 v13, v15;
	v14 =	vmul.f32 $9.999999770e-03, v8  }
0x1d5: {  	v43 =	vld [tilespmem:s30+$0xE0];
	[tilespmem:s30+$0xD0] =	vst v41;
	v7 =	vmax.f32 v7, v42;
	v45 =	vmul.f32 $9.999999770e-03, v0  }
0x1d6: {  	v44 =	vld [tilespmem:s3+$0xE0];
	[tilespmem:s30+$0xFFFFFFD0] =	vst v7;
	v46 =	vmax.f32 v8, v14  }
0x1d7: {  	v47 =	vld [tilespmem:s3+$0xFFFFFFE0];
	[tilespmem:s30+$0x50] =	vst v46;
	v0 =	vmax.f32 v0, v45  }
0x1d8: {  	[tilespmem:s30+$0xFFFFFF50] =	vst v0;
	v48 =	vld [tilespmem:s3+$0x60]  }
0x1d9: {  	v49 =	vld [tilespmem:s3+$0xFFFFFF60];
	_ =	sdelay $0x1  }
0x1da: {  	v50 =	vadd.f32 v44, v43  }
0x1db: {  	v2 =	vadd.f32 v47, v2  }
0x1dc: {  	v13 =	vmul.f32 $9.999999770e-03, v50;
	v0 =	vadd.f32 v48, v3  }
0x1dd: {  	v7 =	vmul.f32 $9.999999770e-03, v2;
	v1 =	vadd.f32 v49, v1  }
0x1de: {  	v51 =	vmax.f32 v50, v13;
	v52 =	vmul.f32 $9.999999770e-03, v0  }
0x1df: {  	v53 =	vld [tilespmem:s30+$0xF0];
	[tilespmem:s30+$0xE0] =	vst v51;
	v2 =	vmax.f32 v2, v7;
	v54 =	vmul.f32 $9.999999770e-03, v1  }
0x1e0: {  	v55 =	vld [tilespmem:s3+$0xF0];
	[tilespmem:s30+$0xFFFFFFE0] =	vst v2;
	v0 =	vmax.f32 v0, v52  }
0x1e1: {  	v2 =	vld [tilespmem:s3+$0xFFFFFFF0];
	v1 =	vmax.f32 v1, v54;
	[tilespmem:s30+$0x60] =	vst v0  }
0x1e2: {  	[tilespmem:s30+$0xFFFFFF60] =	vst v1;
	v0 =	vld [tilespmem:s3+$0x70]  }
0x1e3: {  	v1 =	vld [tilespmem:s3+$0xFFFFFF70];
	_ =	sdelay $0x1  }
0x1e4: {  	v58 =	vmul.f32 $9.999999770e-03, v11;
	v57 =	vadd.f32 v55, v53  }
0x1e5: {  	v56 =	vmul.f32 $9.999999770e-03, v9;
	v2 =	vadd.f32 v2, v4  }
0x1e6: {  	[tilespmem:s29+$0xFFFFFFF0] =	vst v6;
	v60 =	vmax.f32 v11, v58;
	v59 =	vmul.f32 $9.999999770e-03, v57;
	v0 =	vadd.f32 v0, v5  }
0x1e7: {  	[tilespmem:s29+$0xFFFFFF70] =	vst v60;
	v3 =	vmax.f32 v9, v56;
	v61 =	vmul.f32 $9.999999770e-03, v2;
	v1 =	vadd.f32 v1, v10  }
0x1e8: {  	[tilespmem:s29+$0x70] =	vst v3;
	v4 =	vmax.f32 v57, v59;
	v62 =	vmul.f32 $9.999999770e-03, v0  }
0x1e9: {  	[tilespmem:s30+$0xF0] =	vst v4;
	v2 =	vmax.f32 v2, v61;
	v63 =	vmul.f32 $9.999999770e-03, v1  }
0x1ea: {  	s26 =	sadd.s32 $0x1, s26;
	[tilespmem:s30+$0xFFFFFFF0] =	vst v2;
	v0 =	vmax.f32 v0, v62  }
0x1eb: {  	s0 =	sshll.u32 s28, $0x4;
	p0 =	sne.s32 s26, $0x3E;
	v1 =	vmax.f32 v1, v63;
	[tilespmem:s30+$0x70] =	vst v0  }
.Ltmp2:
0x1ec: {  	s0 =	sadd.s32 s8, s0;
	[tilespmem:s30+$0xFFFFFF70] =	vst v1;
	(pc) =	sbr.rel @p0 .LBB2_2-.Ltmp2, $4  }
0x1ed: {  	[hbm4b:s0+s4] =	stream.linear.scatter [tilespmem:s21], [sflag:$0x3], $0x2800, $0x38;
	[tilespmem:$0xA200] =	vst v63  }
0x1ee: {  	_ =	swait.ge [sflag:s15], $0x2800  }
0x1ef: {  	[sflag:s15] =	ssyncset.done $0x0  }
0x1f0: {  	[sflag:s15] =	ssyncadd.s32 $0xFFFFD800  }
0x1f1: {  	_ =	swait.ge [sflag:s23], $0x2800  }
0x1f2: {  	[sflag:s23] =	ssyncset.done $0x0  }
0x1f3: {  	[sflag:s23] =	ssyncadd.s32 $0xFFFFD800  }
0x1f4: {  	_ =	swait.ge [sflag:s23], $0x2800  }
0x1f5: {  	[sflag:s23] =	ssyncset.done $0x0  }
0x1f6: {  	s26 =	simm.s32 $0x200;
	[sflag:s23] =	ssyncadd.s32 $0xFFFFD800  }
0x1f7: {  	s3 =	simm.s32 $0x2A00;
	v0 =	vld [tilespmem:s26+$0x80]  }
0x1f8: {  	v1 =	vld [tilespmem:s3+$0x80];
	_ =	sdelay $0x3  }
0x1f9: {  	v2 =	vld [tilespmem:s3+$0xFFFFFF00]  }
0x1fa: {  	v3 =	vld [tilespmem:s3+$0xFFFFFF80];
	v0 =	vadd.f32 v1, v0  }
0x1fb: {  	v1 =	vld [tilespmem:s26+$0xFFFFFF80]  }
0x1fc: {  	v5 =	vld [tilespmem:s26+$0x0];
	v4 =	vmul.f32 $9.999999770e-03, v0  }
0x1fd: {  	v6 =	vld [tilespmem:s3+$0x0]  }
0x1fe: {  	v0 =	vmax.f32 v0, v4;
	v4 =	vld [tilespmem:s26+$0xFFFFFF00]  }
0x1ff: {  	[tilespmem:s26+$0x80] =	vst v0;
	v0 =	vld [tilespmem:s26+$0x90]  }
0x200: {  	v1 =	vadd.f32 v3, v1;
	v7 =	vld [tilespmem:s3+$0x90];
	_ =	sdelay $0x1  }
0x201: {  	v5 =	vadd.f32 v6, v5;
	v3 =	vmul.f32 $9.999999770e-03, v1  }
0x202: {  	v2 =	vadd.f32 v2, v4  }
0x203: {  	v12 =	vld [tilespmem:s26+$0xFFFFFFC0];
	v1 =	vmax.f32 v1, v3;
	v4 =	vmul.f32 $9.999999770e-03, v5  }
0x204: {  	v3 =	vld [tilespmem:s26+$0xFFFFFF90];
	[tilespmem:s26+$0xFFFFFF80] =	vst v1;
	v0 =	vadd.f32 v7, v0;
	v7 =	vmul.f32 $9.999999770e-03, v2  }
0x205: {  	v8 =	vld [tilespmem:s3+$0xFFFFFF90];
	v4 =	vmax.f32 v5, v4  }
0x206: {  	v1 =	vld [tilespmem:s26+$0x10];
	[tilespmem:s26+$0x0] =	vst v4;
	v2 =	vmax.f32 v2, v7  }
0x207: {  	v5 =	vmul.f32 $9.999999770e-03, v0;
	[tilespmem:s26+$0xFFFFFF00] =	vst v2;
	v2 =	vld [tilespmem:s3+$0x10]  }
0x208: {  	v6 =	vld [tilespmem:s26+$0xFFFFFF10]  }
0x209: {  	v0 =	vmax.f32 v0, v5;
	v4 =	vld [tilespmem:s3+$0xFFFFFF10]  }
0x20a: {  	[tilespmem:s26+$0x90] =	vst v0;
	v0 =	vld [tilespmem:s26+$0xA0];
	v3 =	vadd.f32 v8, v3  }
0x20b: {  	s0 =	simm.s32 $0x2C00;
	v5 =	vld [tilespmem:s3+$0xA0]  }
0x20c: {  	v15 =	vld [tilespmem:s0+$0x80];
	v9 =	vmul.f32 $9.999999770e-03, v3;
	v1 =	vadd.f32 v2, v1  }
0x20d: {  	s28 =	simm.s32 $0x400;
	v16 =	vld [tilespmem:s0+$0xFFFFFF00]  }
0x20e: {  	v18 =	vld [tilespmem:s28+$0x0];
	v4 =	vadd.f32 v4, v6;
	v3 =	vmax.f32 v3, v9;
	v10 =	vmul.f32 $9.999999770e-03, v1  }
0x20f: {  	v8 =	vld [tilespmem:s26+$0xFFFFFFA0];
	[tilespmem:s26+$0xFFFFFF90] =	vst v3  }
0x210: {  	v5 =	vadd.f32 v5, v0;
	v0 =	vmul.f32 $9.999999770e-03, v4;
	v11 =	vld [tilespmem:s3+$0xFFFFFFA0];
	v1 =	vmax.f32 v1, v10  }
0x211: {  	v2 =	vld [tilespmem:s26+$0x20];
	[tilespmem:s26+$0x10] =	vst v1  }
0x212: {  	v10 =	vmul.f32 $9.999999770e-03, v5;
	v4 =	vmax.f32 v4, v0;
	v1 =	vld [tilespmem:s3+$0x20]  }
0x213: {  	v7 =	vld [tilespmem:s26+$0xFFFFFF20];
	[tilespmem:s26+$0xFFFFFF10] =	vst v4  }
0x214: {  	v4 =	vmax.f32 v5, v10;
	v5 =	vld [tilespmem:s3+$0xFFFFFF20]  }
0x215: {  	[tilespmem:s26+$0xA0] =	vst v4;
	v4 =	vld [tilespmem:s26+$0xB0];
	v8 =	vadd.f32 v11, v8  }
0x216: {  	v10 =	vld [tilespmem:s3+$0xB0]  }
0x217: {  	v20 =	vld [tilespmem:s0+$0x0];
	v11 =	vmul.f32 $9.999999770e-03, v8;
	v1 =	vadd.f32 v1, v2  }
0x218: {  	v43 =	vld [tilespmem:s26+$0xE0]  }
0x219: {  	v44 =	vld [tilespmem:s28+$0xFFFFFF10];
	v2 =	vadd.f32 v5, v7;
	v5 =	vmax.f32 v8, v11;
	v7 =	vmul.f32 $9.999999770e-03, v1  }
0x21a: {  	v9 =	vld [tilespmem:s26+$0xFFFFFFB0];
	[tilespmem:s26+$0xFFFFFFA0] =	vst v5  }
0x21b: {  	v4 =	vadd.f32 v10, v4;
	v5 =	vmul.f32 $9.999999770e-03, v2;
	v8 =	vld [tilespmem:s3+$0xFFFFFFB0];
	v7 =	vmax.f32 v1, v7  }
0x21c: {  	v3 =	vld [tilespmem:s26+$0x30];
	[tilespmem:s26+$0x20] =	vst v7  }
0x21d: {  	v7 =	vmul.f32 $9.999999770e-03, v4;
	v2 =	vmax.f32 v2, v5;
	v5 =	vld [tilespmem:s3+$0x30]  }
0x21e: {  	v6 =	vld [tilespmem:s26+$0xFFFFFF30];
	[tilespmem:s26+$0xFFFFFF20] =	vst v2  }
0x21f: {  	v2 =	vmax.f32 v4, v7;
	v4 =	vld [tilespmem:s3+$0xFFFFFF30]  }
0x220: {  	v7 =	vld [tilespmem:s26+$0xC0];
	[tilespmem:s26+$0xB0] =	vst v2;
	v2 =	vadd.f32 v8, v9  }
0x221: {  	v9 =	vld [tilespmem:s3+$0xC0]  }
0x222: {  	v50 =	vld [tilespmem:s26+$0xF0];
	v8 =	vmul.f32 $9.999999770e-03, v2;
	v3 =	vadd.f32 v5, v3  }
0x223: {  	v51 =	vld [tilespmem:s28+$0xFFFFFFA0]  }
0x224: {  	v52 =	vld [tilespmem:s28+$0xFFFFFF30];
	v2 =	vmax.f32 v2, v8;
	v5 =	vmul.f32 $9.999999770e-03, v3  }
0x225: {  	v53 =	vld [tilespmem:s28+$0xFFFFFFB0];
	v4 =	vadd.f32 v4, v6;
	[tilespmem:s26+$0xFFFFFFB0] =	vst v2  }
0x226: {  	v6 =	vld [tilespmem:s3+$0xFFFFFFC0];
	v7 =	vadd.f32 v9, v7;
	v2 =	vmax.f32 v3, v5  }
0x227: {  	v11 =	vld [tilespmem:s26+$0x40];
	v3 =	vmul.f32 $9.999999770e-03, v4;
	[tilespmem:s26+$0x30] =	vst v2  }
0x228: {  	v13 =	vmul.f32 $9.999999770e-03, v7;
	v9 =	vld [tilespmem:s3+$0x40]  }
0x229: {  	v55 =	vld [tilespmem:s28+$0xFFFFFF40];
	v4 =	vmax.f32 v4, v3  }
0x22a: {  	v26 =	vld [tilespmem:s28+$0x40];
	[tilespmem:s26+$0xFFFFFF30] =	vst v4;
	v4 =	vmax.f32 v7, v13  }
0x22b: {  	v6 =	vadd.f32 v6, v12;
	[tilespmem:s26+$0xC0] =	vst v4;
	v12 =	vld [tilespmem:s26+$0xD0]  }
0x22c: {  	v13 =	vld [tilespmem:s3+$0xD0]  }
0x22d: {  	v9 =	vadd.f32 v9, v11;
	v11 =	vld [tilespmem:s28+$0x80]  }
0x22e: {  	v59 =	vld [tilespmem:s28+$0xC0]  }
0x22f: {  	v0 =	vld [tilespmem:s26+$0xFFFFFF40]  }
0x230: {  	v10 =	vld [tilespmem:s26+$0xFFFFFFD0]  }
0x231: {  	v1 =	vld [tilespmem:s26+$0xFFFFFF50]  }
0x232: {  	v12 =	vadd.f32 v13, v12;
	v13 =	vld [tilespmem:s0+$0xFFFFFF80];
	v11 =	vadd.f32 v15, v11  }
0x233: {  	v15 =	vld [tilespmem:s28+$0xFFFFFF80]  }
0x234: {  	v8 =	vld [tilespmem:s26+$0x50];
	v17 =	vmul.f32 $9.999999770e-03, v11  }
0x235: {  	v5 =	vld [tilespmem:s26+$0xFFFFFF60];
	v19 =	vmul.f32 $9.999999770e-03, v12  }
0x236: {  	v11 =	vmax.f32 v11, v17;
	v17 =	vld [tilespmem:s28+$0xFFFFFF00]  }
0x237: {  	[tilespmem:s28+$0x80] =	vst v11;
	v11 =	vmax.f32 v12, v19;
	v12 =	vld [tilespmem:s28+$0x90]  }
0x238: {  	v13 =	vadd.f32 v13, v15;
	[tilespmem:s26+$0xD0] =	vst v11;
	v11 =	vld [tilespmem:s0+$0x90]  }
0x239: {  	v15 =	vld [tilespmem:s3+$0xE0]  }
0x23a: {  	v18 =	vadd.f32 v20, v18;
	v2 =	vld [tilespmem:s26+$0xFFFFFFE0];
	v22 =	vmul.f32 $9.999999770e-03, v13  }
0x23b: {  	v3 =	vld [tilespmem:s26+$0x60];
	v16 =	vadd.f32 v16, v17  }
0x23c: {  	v45 =	vmul.f32 $9.999999770e-03, v18;
	v7 =	vld [tilespmem:s3+$0xFFFFFF40];
	v13 =	vmax.f32 v13, v22  }
0x23d: {  	v17 =	vld [tilespmem:s28+$0xFFFFFF90];
	[tilespmem:s28+$0xFFFFFF80] =	vst v13;
	v11 =	vadd.f32 v11, v12;
	v12 =	vmul.f32 $9.999999770e-03, v16  }
0x23e: {  	v18 =	vmax.f32 v18, v45;
	v46 =	vld [tilespmem:s0+$0xFFFFFF90];
	v15 =	vadd.f32 v15, v43  }
0x23f: {  	[tilespmem:s28+$0x0] =	vst v18;
	v13 =	vld [tilespmem:s28+$0x10];
	v47 =	vmul.f32 $9.999999770e-03, v11;
	v12 =	vmax.f32 v16, v12  }
0x240: {  	v48 =	vmul.f32 $9.999999770e-03, v15;
	[tilespmem:s28+$0xFFFFFF00] =	vst v12;
	v12 =	vld [tilespmem:s0+$0x10]  }
0x241: {  	v11 =	vmax.f32 v11, v47;
	v49 =	vld [tilespmem:s0+$0xFFFFFF10]  }
0x242: {  	v4 =	vmul.f32 $9.999999770e-03, v6;
	[tilespmem:s28+$0x90] =	vst v11;
	v11 =	vmax.f32 v15, v48;
	v15 =	vld [tilespmem:s28+$0xA0]  }
0x243: {  	v17 =	vadd.f32 v46, v17;
	[tilespmem:s26+$0xE0] =	vst v11;
	v11 =	vld [tilespmem:s0+$0xA0]  }
0x244: {  	v4 =	vmax.f32 v6, v4;
	v6 =	vld [tilespmem:s26+$0xFFFFFF70];
	v14 =	vmul.f32 $9.999999770e-03, v9  }
0x245: {  	[tilespmem:s26+$0xFFFFFFC0] =	vst v4;
	v4 =	vld [tilespmem:s26+$0xFFFFFFF0];
	v23 =	vmul.f32 $9.999999770e-03, v17;
	v12 =	vadd.f32 v12, v13  }
0x246: {  	v9 =	vmax.f32 v9, v14;
	v14 =	vld [tilespmem:s3+$0xFFFFFFD0];
	v20 =	vadd.f32 v49, v44  }
0x247: {  	[tilespmem:s26+$0x40] =	vst v9;
	v9 =	vld [tilespmem:s26+$0x70];
	v17 =	vmax.f32 v17, v23;
	v24 =	vmul.f32 $9.999999770e-03, v12  }
0x248: {  	v16 =	vld [tilespmem:s28+$0xFFFFFF20];
	[tilespmem:s28+$0xFFFFFF90] =	vst v17;
	v11 =	vadd.f32 v11, v15;
	v15 =	vmul.f32 $9.999999770e-03, v20  }
0x249: {  	v25 =	vld [tilespmem:s0+$0xFFFFFFA0];
	v12 =	vmax.f32 v12, v24  }
0x24a: {  	v0 =	vadd.f32 v7, v0;
	v13 =	vld [tilespmem:s28+$0x20];
	v15 =	vmax.f32 v20, v15;
	[tilespmem:s28+$0x10] =	vst v12  }
0x24b: {  	v54 =	vmul.f32 $9.999999770e-03, v11;
	[tilespmem:s28+$0xFFFFFF10] =	vst v15;
	v12 =	vld [tilespmem:s0+$0x20]  }
0x24c: {  	v15 =	vmul.f32 $9.999999770e-03, v0;
	v7 =	vld [tilespmem:s0+$0xFFFFFF20]  }
0x24d: {  	v21 =	vld [tilespmem:s3+$0x50];
	v11 =	vmax.f32 v11, v54  }
0x24e: {  	[tilespmem:s28+$0xA0] =	vst v11;
	v11 =	vld [tilespmem:s28+$0xB0];
	v19 =	vadd.f32 v25, v51;
	v0 =	vmax.f32 v0, v15  }
0x24f: {  	v10 =	vadd.f32 v14, v10;
	v56 =	vld [tilespmem:s0+$0xB0];
	[tilespmem:s26+$0xFFFFFF40] =	vst v0  }
0x250: {  	v14 =	vld [tilespmem:s3+$0xFFFFFF50];
	v12 =	vadd.f32 v12, v13;
	v13 =	vmul.f32 $9.999999770e-03, v19  }
0x251: {  	v58 =	vmul.f32 $9.999999770e-03, v10;
	v57 =	vld [tilespmem:s3+$0xF0];
	v7 =	vadd.f32 v7, v16  }
0x252: {  	v17 =	vld [tilespmem:s28+$0x30];
	v13 =	vmax.f32 v19, v13;
	v16 =	vmul.f32 $9.999999770e-03, v12  }
0x253: {  	v10 =	vmax.f32 v10, v58;
	v15 =	vld [tilespmem:s28+$0xFFFFFFC0];
	[tilespmem:s28+$0xFFFFFFA0] =	vst v13;
	v13 =	vmul.f32 $9.999999770e-03, v7  }
0x254: {  	[tilespmem:s26+$0xFFFFFFD0] =	vst v10;
	v11 =	vadd.f32 v56, v11;
	v12 =	vmax.f32 v12, v16;
	v16 =	vld [tilespmem:s0+$0xFFFFFFB0]  }
0x255: {  	v1 =	vadd.f32 v14, v1;
	v14 =	vld [tilespmem:s3+$0xFFFFFFE0];
	v13 =	vmax.f32 v7, v13;
	[tilespmem:s28+$0x20] =	vst v12  }
0x256: {  	v8 =	vadd.f32 v21, v8;
	v12 =	vmul.f32 $9.999999770e-03, v11;
	[tilespmem:s28+$0xFFFFFF20] =	vst v13;
	v13 =	vld [tilespmem:s0+$0x30]  }
0x257: {  	v0 =	vld [tilespmem:s28+$0xFFFFFF50]  }
0x258: {  	v10 =	vld [tilespmem:s0+$0xFFFFFF30];
	v11 =	vmax.f32 v11, v12;
	v12 =	vmul.f32 $9.999999770e-03, v8  }
0x259: {  	v7 =	vld [tilespmem:s28+$0xFFFFFFD0];
	[tilespmem:s28+$0xB0] =	vst v11;
	v11 =	vmul.f32 $9.999999770e-03, v1;
	v16 =	vadd.f32 v16, v53  }
0x25a: {  	v8 =	vmax.f32 v8, v12;
	v12 =	vld [tilespmem:s0+$0xC0];
	v14 =	vadd.f32 v14, v2  }
0x25b: {  	v2 =	vld [tilespmem:s28+$0xFFFFFFE0];
	[tilespmem:s26+$0x50] =	vst v8;
	v1 =	vmax.f32 v1, v11;
	v11 =	vadd.f32 v13, v17;
	v13 =	vmul.f32 $9.999999770e-03, v16  }
0x25c: {  	[tilespmem:s26+$0xFFFFFF50] =	vst v1;
	v17 =	vld [tilespmem:s3+$0x60]  }
0x25d: {  	v10 =	vadd.f32 v10, v52;
	v60 =	vld [tilespmem:s3+$0xFFFFFF60];
	v13 =	vmax.f32 v16, v13;
	v16 =	vmul.f32 $9.999999770e-03, v11  }
0x25e: {  	v8 =	vld [tilespmem:s28+$0x50]  }
0x25f: {  	v1 =	vld [tilespmem:s28+$0xFFFFFF60];
	[tilespmem:s28+$0xFFFFFFB0] =	vst v13;
	v13 =	vmul.f32 $9.999999770e-03, v10;
	v11 =	vmax.f32 v11, v16  }
0x260: {  	v12 =	vadd.f32 v12, v59;
	v16 =	vld [tilespmem:s0+$0xFFFFFFC0];
	[tilespmem:s28+$0x30] =	vst v11;
	v11 =	vmul.f32 $9.999999770e-03, v14  }
0x261: {  	v10 =	vmax.f32 v10, v13;
	v13 =	vadd.f32 v17, v3;
	v3 =	vld [tilespmem:s28+$0x60]  }
0x262: {  	v19 =	vmul.f32 $9.999999770e-03, v12;
	v17 =	vld [tilespmem:s0+$0x40];
	[tilespmem:s28+$0xFFFFFF30] =	vst v10;
	v5 =	vadd.f32 v60, v5;
	v10 =	vmax.f32 v14, v11  }
0x263: {  	v11 =	vld [tilespmem:s0+$0xFFFFFF40];
	[tilespmem:s26+$0xFFFFFFE0] =	vst v10;
	v10 =	vmul.f32 $9.999999770e-03, v13  }
0x264: {  	v12 =	vmax.f32 v12, v19;
	v14 =	vmul.f32 $9.999999770e-03, v5;
	v61 =	vld [tilespmem:s3+$0xFFFFFFF0]  }
0x265: {  	[tilespmem:s28+$0xC0] =	vst v12;
	v15 =	vadd.f32 v16, v15;
	v16 =	vld [tilespmem:s28+$0xD0];
	v10 =	vmax.f32 v13, v10  }
0x266: {  	v13 =	vld [tilespmem:s0+$0xD0];
	v5 =	vmax.f32 v5, v14;
	v14 =	vadd.f32 v57, v50;
	[tilespmem:s26+$0x60] =	vst v10  }
0x267: {  	v10 =	vmul.f32 $9.999999770e-03, v15;
	v12 =	vadd.f32 v17, v26;
	[tilespmem:s26+$0xFFFFFF60] =	vst v5;
	v17 =	vld [tilespmem:s3+$0x70]  }
0x268: {  	v5 =	vadd.f32 v11, v55;
	v11 =	vld [tilespmem:s3+$0xFFFFFF70];
	v63 =	vmul.f32 $9.999999770e-03, v14  }
0x269: {  	v15 =	vmax.f32 v15, v10;
	v62 =	vmul.f32 $9.999999770e-03, v12;
	v10 =	vld [tilespmem:s28+$0xFFFFFF70];
	v19 =	vadd.f32 v61, v4  }
0x26a: {  	[tilespmem:s28+$0xFFFFFFC0] =	vst v15;
	v15 =	vmul.f32 $9.999999770e-03, v5;
	v4 =	vld [tilespmem:s28+$0xFFFFFFF0];
	v14 =	vmax.f32 v14, v63  }
0x26b: {  	v18 =	vmax.f32 v12, v62;
	v12 =	vld [tilespmem:s0+$0xFFFFFFD0];
	v13 =	vadd.f32 v13, v16;
	[tilespmem:s26+$0xF0] =	vst v14;
	v16 =	vmul.f32 $9.999999770e-03, v19  }
0x26c: {  	[tilespmem:s28+$0x40] =	vst v18;
	v14 =	vmax.f32 v5, v15;
	v5 =	vld [tilespmem:s28+$0x70];
	v9 =	vadd.f32 v17, v9  }
0x26d: {  	s9 =	simm.s32 $0x4;
	s10 =	simm.s32 $0x600;
	s3 =	simm.s32 $0x2C00;
	[tilespmem:s28+$0xFFFFFF40] =	vst v14;
	v14 =	vld [tilespmem:s0+$0x50];
	v15 =	vmul.f32 $9.999999770e-03, v13;
	v11 =	vadd.f32 v11, v6;
	v6 =	vmax.f32 v19, v16  }
.LBB2_8:
0x26e: {  	v16 =	vld [tilespmem:s10+$0x80];
	s0 =	sadd.s32 $0x200, s0;
	[tilespmem:s26+$0xFFFFFFF0] =	vst v6;
	v17 =	vmul.f32 $9.999999770e-03, v9;
	v6 =	vmov v10  }
0x26f: {  	s9 =	sadd.s32 $0x4, s9;
	v10 =	vld [tilespmem:s0+$0x80];
	v13 =	vmax.f32 v13, v15;
	v15 =	vmul.f32 $9.999999770e-03, v11  }
0x270: {  	p0 =	slt.u32 s9, $0x4C;
	v7 =	vadd.f32 v12, v7;
	[tilespmem:s28+$0xD0] =	vst v13;
	v12 =	vld [tilespmem:s28+$0xE0];
	v9 =	vmax.f32 v9, v17  }
0x271: {  	v13 =	vld [tilespmem:s3+$0xE0];
	v11 =	vmax.f32 v11, v15;
	[tilespmem:s26+$0x70] =	vst v9  }
0x272: {  	v9 =	vld [tilespmem:s0+$0xFFFFFF00];
	v15 =	vmul.f32 $9.999999770e-03, v7;
	v8 =	vadd.f32 v14, v8;
	[tilespmem:s26+$0xFFFFFF70] =	vst v11;
	s26 =	smov.u32 s28;
	s28 =	smov.u32 s10  }
0x273: {  	v11 =	vld [tilespmem:s10+$0xFFFFFF80]  }
0x274: {  	v14 =	vld [tilespmem:s0+$0xFFFFFF80];
	v10 =	vadd.f32 v10, v16;
	v7 =	vmax.f32 v7, v15;
	v15 =	vmul.f32 $9.999999770e-03, v8  }
0x275: {  	v16 =	vld [tilespmem:s10+$0x0];
	[tilespmem:s26+$0xFFFFFFD0] =	vst v7  }
0x276: {  	v7 =	vld [tilespmem:s0+$0x0];
	v17 =	vmul.f32 $9.999999770e-03, v10;
	v8 =	vmax.f32 v8, v15;
	v12 =	vadd.f32 v13, v12  }
0x277: {  	v13 =	vld [tilespmem:s10+$0xFFFFFF00];
	[tilespmem:s26+$0x50] =	vst v8  }
0x278: {  	v8 =	vld [tilespmem:s10+$0xFFFFFF10];
	v10 =	vmax.f32 v10, v17;
	v15 =	vmul.f32 $9.999999770e-03, v12  }
0x279: {  	v11 =	vadd.f32 v14, v11;
	[tilespmem:s10+$0x80] =	vst v10;
	v10 =	vld [tilespmem:s10+$0x90]  }
0x27a: {  	v14 =	vld [tilespmem:s0+$0x90];
	v12 =	vmax.f32 v12, v15  }
0x27b: {  	v15 =	vmul.f32 $9.999999770e-03, v11;
	v7 =	vadd.f32 v7, v16;
	[tilespmem:s26+$0xE0] =	vst v12;
	v12 =	vld [tilespmem:s26+$0xF0]  }
0x27c: {  	v9 =	vadd.f32 v9, v13;
	v13 =	vld [tilespmem:s3+$0xF0]  }
0x27d: {  	v11 =	vmax.f32 v11, v15;
	v15 =	vld [tilespmem:s10+$0xFFFFFF90];
	v16 =	vmul.f32 $9.999999770e-03, v7  }
0x27e: {  	v17 =	vmul.f32 $9.999999770e-03, v9;
	[tilespmem:s10+$0xFFFFFF80] =	vst v11;
	v11 =	vld [tilespmem:s10+$0x10]  }
0x27f: {  	v18 =	vld [tilespmem:s0+$0xFFFFFF90];
	v7 =	vmax.f32 v7, v16;
	v10 =	vadd.f32 v14, v10  }
0x280: {  	v9 =	vmax.f32 v9, v17;
	v14 =	vld [tilespmem:s10+$0xFFFFFF20];
	[tilespmem:s10+$0x0] =	vst v7  }
0x281: {  	[tilespmem:s10+$0xFFFFFF00] =	vst v9;
	v7 =	vld [tilespmem:s0+$0x10];
	v9 =	vmul.f32 $9.999999770e-03, v10;
	v12 =	vadd.f32 v13, v12  }
0x282: {  	v13 =	vld [tilespmem:s0+$0xFFFFFF10]  }
0x283: {  	v16 =	vld [tilespmem:s10+$0xFFFFFFA0];
	v9 =	vmax.f32 v10, v9;
	v10 =	vmul.f32 $9.999999770e-03, v12  }
0x284: {  	v15 =	vadd.f32 v18, v15;
	[tilespmem:s10+$0x90] =	vst v9;
	v9 =	vld [tilespmem:s10+$0xA0]  }
0x285: {  	v17 =	vld [tilespmem:s0+$0xA0];
	v10 =	vmax.f32 v12, v10  }
0x286: {  	v12 =	vmul.f32 $9.999999770e-03, v15;
	v7 =	vadd.f32 v7, v11;
	v11 =	vld [tilespmem:s10+$0x20];
	[tilespmem:s26+$0xF0] =	vst v10  }
0x287: {  	v8 =	vadd.f32 v13, v8;
	v10 =	vld [tilespmem:s10+$0xFFFFFF30]  }
0x288: {  	v12 =	vmax.f32 v15, v12;
	v13 =	vld [tilespmem:s10+$0xFFFFFFB0];
	v15 =	vmul.f32 $9.999999770e-03, v7  }
0x289: {  	v18 =	vmul.f32 $9.999999770e-03, v8;
	[tilespmem:s10+$0xFFFFFF90] =	vst v12;
	v12 =	vld [tilespmem:s10+$0x30]  }
0x28a: {  	v19 =	vld [tilespmem:s0+$0xFFFFFFA0];
	v7 =	vmax.f32 v7, v15;
	v9 =	vadd.f32 v17, v9  }
0x28b: {  	v8 =	vmax.f32 v8, v18;
	v15 =	vld [tilespmem:s10+$0xFFFFFF40];
	[tilespmem:s10+$0x10] =	vst v7  }
0x28c: {  	[tilespmem:s10+$0xFFFFFF10] =	vst v8;
	v7 =	vld [tilespmem:s0+$0x20];
	v8 =	vmul.f32 $9.999999770e-03, v9  }
0x28d: {  	v17 =	vld [tilespmem:s0+$0xFFFFFF20]  }
0x28e: {  	v18 =	vld [tilespmem:s10+$0xFFFFFFC0];
	v8 =	vmax.f32 v9, v8  }
0x28f: {  	v9 =	vadd.f32 v19, v16;
	[tilespmem:s10+$0xA0] =	vst v8;
	v8 =	vld [tilespmem:s10+$0xB0]  }
0x290: {  	v16 =	vld [tilespmem:s0+$0xB0]  }
0x291: {  	v19 =	vmul.f32 $9.999999770e-03, v9;
	v11 =	vadd.f32 v7, v11;
	v20 =	vld [tilespmem:s10+$0x40]  }
0x292: {  	v14 =	vadd.f32 v17, v14;
	v17 =	vld [tilespmem:s3+$0xFFFFFF50]  }
0x293: {  	v21 =	vld [tilespmem:s10+$0xFFFFFF50];
	v7 =	vmax.f32 v9, v19;
	v9 =	vmul.f32 $9.999999770e-03, v11  }
0x294: {  	v19 =	vmul.f32 $9.999999770e-03, v14;
	[tilespmem:s10+$0xFFFFFFA0] =	vst v7;
	v7 =	vld [tilespmem:s10+$0xFFFFFFD0]  }
0x295: {  	v22 =	vld [tilespmem:s0+$0xFFFFFFB0];
	v9 =	vmax.f32 v11, v9;
	v11 =	vadd.f32 v16, v8  }
0x296: {  	v14 =	vmax.f32 v14, v19;
	[tilespmem:s10+$0x20] =	vst v9;
	v8 =	vld [tilespmem:s10+$0x50]  }
0x297: {  	[tilespmem:s10+$0xFFFFFF20] =	vst v14;
	v9 =	vld [tilespmem:s0+$0x30];
	v14 =	vmul.f32 $9.999999770e-03, v11;
	v16 =	vadd.f32 v17, v0  }
0x298: {  	v17 =	vld [tilespmem:s0+$0xFFFFFF30];
	v0 =	vmov v21  }
0x299: {  	v11 =	vmax.f32 v11, v14;
	v14 =	vmul.f32 $9.999999770e-03, v16;
	v19 =	vld [tilespmem:s3+$0xFFFFFFE0]  }
0x29a: {  	v13 =	vadd.f32 v22, v13;
	[tilespmem:s10+$0xB0] =	vst v11;
	v11 =	vld [tilespmem:s10+$0xC0]  }
0x29b: {  	v21 =	vld [tilespmem:s0+$0xC0];
	v14 =	vmax.f32 v16, v14  }
0x29c: {  	v16 =	vmul.f32 $9.999999770e-03, v13;
	v9 =	vadd.f32 v9, v12;
	[tilespmem:s26+$0xFFFFFF50] =	vst v14;
	v12 =	vld [tilespmem:s3+$0x60]  }
0x29d: {  	v10 =	vadd.f32 v17, v10;
	v14 =	vld [tilespmem:s3+$0xFFFFFF60]  }
0x29e: {  	v17 =	vld [tilespmem:s10+$0xFFFFFF60];
	v13 =	vmax.f32 v13, v16;
	v16 =	vmul.f32 $9.999999770e-03, v9;
	v19 =	vadd.f32 v19, v2  }
0x29f: {  	v22 =	vmul.f32 $9.999999770e-03, v10;
	[tilespmem:s10+$0xFFFFFFB0] =	vst v13;
	v2 =	vld [tilespmem:s10+$0xFFFFFFE0]  }
0x2a0: {  	v13 =	vld [tilespmem:s0+$0xFFFFFFC0];
	v9 =	vmax.f32 v9, v16;
	v11 =	vadd.f32 v21, v11;
	v16 =	vmul.f32 $9.999999770e-03, v19  }
0x2a1: {  	v10 =	vmax.f32 v10, v22;
	[tilespmem:s10+$0x30] =	vst v9;
	v9 =	vadd.f32 v12, v3;
	v3 =	vld [tilespmem:s10+$0x60]  }
0x2a2: {  	[tilespmem:s10+$0xFFFFFF30] =	vst v10;
	v10 =	vld [tilespmem:s0+$0x40];
	v12 =	vmul.f32 $9.999999770e-03, v11;
	v14 =	vadd.f32 v14, v1;
	v21 =	vmax.f32 v19, v16  }
0x2a3: {  	v16 =	vld [tilespmem:s0+$0xFFFFFF40];
	[tilespmem:s26+$0xFFFFFFE0] =	vst v21;
	v19 =	vmul.f32 $9.999999770e-03, v9;
	v1 =	vmov v17  }
0x2a4: {  	v11 =	vmax.f32 v11, v12;
	v12 =	vmul.f32 $9.999999770e-03, v14;
	v17 =	vld [tilespmem:s3+$0xFFFFFFF0]  }
0x2a5: {  	v13 =	vadd.f32 v13, v18;
	[tilespmem:s10+$0xC0] =	vst v11;
	v11 =	vld [tilespmem:s10+$0xD0];
	v9 =	vmax.f32 v9, v19  }
0x2a6: {  	v18 =	vld [tilespmem:s0+$0xD0];
	v12 =	vmax.f32 v14, v12;
	[tilespmem:s26+$0x60] =	vst v9  }
0x2a7: {  	v9 =	vmul.f32 $9.999999770e-03, v13;
	v14 =	vadd.f32 v10, v20;
	[tilespmem:s26+$0xFFFFFF60] =	vst v12;
	v19 =	vld [tilespmem:s3+$0x70]  }
0x2a8: {  	v15 =	vadd.f32 v16, v15;
	v16 =	vld [tilespmem:s3+$0xFFFFFF70];
	s3 =	smov.u32 s0  }
.Ltmp3:
0x2a9: {  	v10 =	vld [tilespmem:s10+$0xFFFFFF70];
	v9 =	vmax.f32 v13, v9;
	v13 =	vmul.f32 $9.999999770e-03, v14;
	v17 =	vadd.f32 v17, v4;
	(pc) =	sbr.rel @p0 .LBB2_8-.Ltmp3, $4  }
0x2aa: {  	v20 =	vmul.f32 $9.999999770e-03, v15;
	[tilespmem:s10+$0xFFFFFFC0] =	vst v9;
	v4 =	vld [tilespmem:s10+$0xFFFFFFF0]  }
0x2ab: {  	v12 =	vld [tilespmem:s0+$0xFFFFFFD0];
	v9 =	vmax.f32 v14, v13;
	v13 =	vadd.f32 v18, v11;
	v18 =	vmul.f32 $9.999999770e-03, v17  }
0x2ac: {  	v11 =	vmax.f32 v15, v20;
	[tilespmem:s10+$0x40] =	vst v9;
	v9 =	vadd.f32 v19, v5;
	v5 =	vld [tilespmem:s10+$0x70]  }
0x2ad: {  	s10 =	sadd.s32 $0x200, s10;
	[tilespmem:s28+$0xFFFFFF40] =	vst v11;
	v14 =	vld [tilespmem:s0+$0x50];
	v15 =	vmul.f32 $9.999999770e-03, v13;
	v11 =	vadd.f32 v16, v6;
	v6 =	vmax.f32 v17, v18  }
0x2ae: {  	v16 =	vld [tilespmem:s3+$0xFFFFFF50];
	_ =	sdelay $0x2  }
0x2af: {  	v7 =	vadd.f32 v12, v7  }
0x2b0: {  	v8 =	vadd.f32 v14, v8  }
0x2b1: {  	v42 =	vmul.f32 $9.999999770e-03, v7;
	v0 =	vadd.f32 v16, v0  }
0x2b2: {  	v41 =	vmax.f32 v13, v15;
	v14 =	vmul.f32 $9.999999770e-03, v8  }
0x2b3: {  	v43 =	vld [tilespmem:s28+$0xE0];
	[tilespmem:s28+$0xD0] =	vst v41;
	v7 =	vmax.f32 v7, v42;
	v45 =	vmul.f32 $9.999999770e-03, v0  }
0x2b4: {  	v44 =	vld [tilespmem:s3+$0xE0];
	[tilespmem:s28+$0xFFFFFFD0] =	vst v7;
	v46 =	vmax.f32 v8, v14  }
0x2b5: {  	v47 =	vld [tilespmem:s3+$0xFFFFFFE0];
	[tilespmem:s28+$0x50] =	vst v46;
	v0 =	vmax.f32 v0, v45  }
0x2b6: {  	[tilespmem:s28+$0xFFFFFF50] =	vst v0;
	v48 =	vld [tilespmem:s3+$0x60]  }
0x2b7: {  	v49 =	vld [tilespmem:s3+$0xFFFFFF60];
	_ =	sdelay $0x1  }
0x2b8: {  	v50 =	vadd.f32 v44, v43  }
0x2b9: {  	v2 =	vadd.f32 v47, v2  }
0x2ba: {  	v13 =	vmul.f32 $9.999999770e-03, v50;
	v0 =	vadd.f32 v48, v3  }
0x2bb: {  	v7 =	vmul.f32 $9.999999770e-03, v2;
	v1 =	vadd.f32 v49, v1  }
0x2bc: {  	v51 =	vmax.f32 v50, v13;
	v52 =	vmul.f32 $9.999999770e-03, v0  }
0x2bd: {  	v53 =	vld [tilespmem:s28+$0xF0];
	[tilespmem:s28+$0xE0] =	vst v51;
	v2 =	vmax.f32 v2, v7;
	v54 =	vmul.f32 $9.999999770e-03, v1  }
0x2be: {  	v55 =	vld [tilespmem:s3+$0xF0];
	[tilespmem:s28+$0xFFFFFFE0] =	vst v2;
	v0 =	vmax.f32 v0, v52  }
0x2bf: {  	v2 =	vld [tilespmem:s3+$0xFFFFFFF0];
	v1 =	vmax.f32 v1, v54;
	[tilespmem:s28+$0x60] =	vst v0  }
0x2c0: {  	[tilespmem:s28+$0xFFFFFF60] =	vst v1;
	v0 =	vld [tilespmem:s3+$0x70]  }
0x2c1: {  	v1 =	vld [tilespmem:s3+$0xFFFFFF70];
	_ =	sdelay $0x1  }
0x2c2: {  	v58 =	vmul.f32 $9.999999770e-03, v11;
	v57 =	vadd.f32 v55, v53  }
0x2c3: {  	v56 =	vmul.f32 $9.999999770e-03, v9;
	v2 =	vadd.f32 v2, v4  }
0x2c4: {  	[tilespmem:s26+$0xFFFFFFF0] =	vst v6;
	v60 =	vmax.f32 v11, v58;
	v59 =	vmul.f32 $9.999999770e-03, v57;
	v0 =	vadd.f32 v0, v5  }
0x2c5: {  	[tilespmem:s26+$0xFFFFFF70] =	vst v60;
	v3 =	vmax.f32 v9, v56;
	v61 =	vmul.f32 $9.999999770e-03, v2;
	v1 =	vadd.f32 v1, v10  }
0x2c6: {  	[tilespmem:s26+$0x70] =	vst v3;
	v4 =	vmax.f32 v57, v59;
	v62 =	vmul.f32 $9.999999770e-03, v0  }
0x2c7: {  	[tilespmem:s28+$0xF0] =	vst v4;
	v2 =	vmax.f32 v2, v61;
	v63 =	vmul.f32 $9.999999770e-03, v1  }
0x2c8: {  	s25 =	sadd.s32 $0x1, s25;
	[tilespmem:s28+$0xFFFFFFF0] =	vst v2;
	v0 =	vmax.f32 v0, v62  }
0x2c9: {  	p0 =	sne.s32 s25, s14;
	v1 =	vmax.f32 v1, v63;
	[tilespmem:s28+$0x70] =	vst v0  }
.Ltmp4:
0x2ca: {  	[tilespmem:s28+$0xFFFFFF70] =	vst v1;
	(pc) =	sbr.rel @p0 .LBB2_1-.Ltmp4, $4  }
0x2cb: {  	[hbm4b:s13+s4] =	stream.linear.scatter [tilespmem:s17], [sflag:$0x3], $0x2800, $0x38;
	[tilespmem:$0xA200] =	vst v63  }
0x2cc: {  	_ =	swait.ge [sflag:s15], $0x2800  }
0x2cd: {  	[sflag:s15] =	ssyncset.done $0x0  }
0x2ce: {  	[sflag:s15] =	ssyncadd.s32 $0xFFFFD800  }
0x2cf: {  	_ =	sfence.sel $0x180000  }
0x2d0: {  	[bflag:$0x0] =	sbarrier.arrive $0xFFFF  }
0x2d1: {  	_ =	strace $0x90000047  }
0x2d2: {  	s0 =	stileid.u32;
	[bflag:$0x2] =	sbarrier.arrive $0xFFFF  }
0x2d3: {  	p0 =	sne.s32 s0, $0x0;
	s0 =	rddreg [dreg:$0x2]  }
0x2d4: {  	s0 =	sadd.s32 @!p0 $0x100000, s0  }
0x2d5: {  	[sflag:s0] =	ssyncadd.tile.s32 @!p0 $0x1;
	_ =	shalt  }
.Lfunc_end2:
_tile_overlayer_lowered:
.L_overlay_start_2:
0x2d6: {  	(tag) =	ssettag $0x2  }
0x2d7: {  	s0 =	rddreg [dreg:$0x0];
	s2 =	stileid.u32  }
0x2d8: {  	s1 =	rddreg [dreg:$0x1];
	p0 =	sne.s32 s2, $0x0  }
0x2d9: {  	s3 =	rddreg [dreg:$0x2];
	[bflag:$0x3] =	sbarrier.arrive $0xFFFF;
	s2 =	simm.s32 @!p0 $0x1C03  }
0x2da: {  	[timem:s3], [sflag:s2] =	dma.local @!p0 [hbm:s0], s1  }
0x2db: {  	s0 =	simm.s32 @!p0 $0x3  }
0x2dc: {  	_ =	swait.ge @!p0 [sflag:s0], s1  }
0x2dd: {  	s1 =	ssub.s32 @!p0 $0x0, s1;
	[sflag:s0] =	ssyncset.done @!p0 $0x0  }
0x2de: {  	[sflag:s0] =	ssyncadd.s32 @!p0 s1  }
0x2df: {  	[bflag:$0x3] =	sbarrier.arrive $0xFFFF  }
0x2e0: {  	_ =	shalt  }

// kernel: scatter_offload_async_start.1
scs
__scs_entry_jumppad:
0x0: {  	(pc) =	sbr.rel $0x88, $3  }
0x1: {  	(tag) =	ssettag $0x0;
	lr =	simm.s32 $0x1  }
0x2: {  	[smem:$0x3F99] =	sst lr;
	_ =	strace $0xD0000000  }
0x3: {  	_ = 	snop  }
0x4: {  	_ = 	snop  }
0x5: {  	_ = 	snop  }
0x6: {  	_ = 	snop  }
0x7: {  	_ = 	snop  }
__scs_overlays_trampoline_lowered:
0x8: {  	[smem:$0x3FA8] =	sst s0  }
0x9: {  	[smem:$0x3FA9] =	sst s1  }
0xa: {  	[smem:$0x3FAA] =	sst s2  }
0xb: {  	[smem:$0x3FAB] =	sst s3  }
0xc: {  	[smem:$0x3FAC] =	sst s4  }
0xd: {  	[smem:$0x3FAD] =	sst s5  }
0xe: {  	[smem:$0x3FAE] =	sst s6  }
0xf: {  	[smem:$0x3FAF] =	sst s7  }
0x10: {  	[smem:$0x3FB0] =	sst s8  }
0x11: {  	[smem:$0x3FB1] =	sst s9;
	s0 =	simm.s32 @!p0 $0x0  }
0x12: {  	s1 =	sld [smem:$0x3F97];
	s0 =	simm.s32 @p0 $0x1  }
0x13: {  	[smem:$0x3FB2] =	sst s0;
	s0 =	simm.s32 @!p1 $0x0  }
0x14: {  	s2 =	sld [smem:$0x3F96];
	s0 =	simm.s32 @p1 $0x1  }
0x15: {  	[smem:$0x3FB3] =	sst s0;
	s0 =	simm.s32 @!p2 $0x0  }
0x16: {  	s3 =	sld [smem:$0x3FDB];
	s0 =	simm.s32 @p2 $0x1  }
0x17: {  	s4 =	simm.s32 $0x1BF5;
	[smem:$0x3FB5] =	sst s0  }
0x18: {  	s0 =	sld [smem:$0x3F98];
	_ =	swait.ge [sflag:s4], $0x0  }
0x19: {  	s7 =	sld [smem:$0x3F99]  }
0x1a: {  	s8 =	sadd.s32 $0xFFFFE003, lr  }
0x1b: {  	s9 =	sadd.s32 $0xFFFFFEF7, lr;
	s5 =	simm.s32 $0xFFFFFFFF;
	p2 =	slt.u32 s8, $0xFFFFF086  }
0x1c: {  	p1 =	slt.u32 s9, $0xF7A;
	s5 =	simm.s32 @!p2 $0x0  }
0x1d: {  	s5 =	simm.s32 @p1 $0x1;
	p0 =	seq.s32 s7, s2  }
0x1e: {  	s7 =	smul.u32 @!p0 $0xF7A, s2;
	p2 =	seq.s32 @!p0 s5, $0x0  }
0x1f: {  	s9 =	smul.u32 $0xF7A, s1;
	s8 =	simm.s32 @!p0 $0x1BF5;
	p2 =	por !p2, p0  }
0x20: {  	[sflag:s8] =	ssyncset.s32 @!p0 $0xFFFFF086;
	s6 =	sadd.s32 @!p0 s3, s7;
	s7 =	simm.s32 @!p0 $0x108  }
0x21: {  	s3 =	sadd.s32 s3, s9;
	s6 =	sadd.s32 @!p0 $0x88, s6;
	s7 =	simm.s32 @p2 $0x1082  }
0x22: {  	[simem:s7], [sflag:s8] =	dma.local @!p0 [hbm:s6], $0xF7A  }
0x23: {  	s9 =	sor.u32 $0xD0000000, s2;
	s6 =	simm.s32 $0x108;
	_ =	swait.ge @!p0 [sflag:s8], $0x0  }
0x24: {  	s3 =	sadd.s32 $0x88, s3;
	s6 =	simm.s32 @!p1 $0x1082;
	[sflag:s4] =	ssyncset.s32 $0xFFFFF086  }
0x25: {  	[simem:s6], [sflag:s4] =	dma.local [hbm:s3], $0xF7A  }
0x26: {  	[smem:$0x3F99] =	sst s1;
	(tag) =	ssettag s2;
	_ =	strace s9  }
0x27: {  	s1 =	sld [smem:$0x3FA9]  }
0x28: {  	s2 =	sld [smem:$0x3FAA]  }
0x29: {  	s4 =	sld [smem:$0x3FAC]  }
0x2a: {  	p0 =	seq.s32 s5, $0x0;
	s5 =	sld [smem:$0x3FAD]  }
0x2b: {  	s6 =	sld [smem:$0x3FAE]  }
0x2c: {  	s7 =	sld [smem:$0x3FAF]  }
0x2d: {  	s3 =	simm.s32 $0x108;
	s8 =	sld [smem:$0x3FB0]  }
0x2e: {  	s3 =	simm.s32 @!p0 $0x1082;
	s9 =	sld [smem:$0x3FB1]  }
0x2f: {  	lr =	sadd.s32 s0, s3;
	s0 =	sld [smem:$0x3FA8]  }
0x30: {  	s3 =	sld [smem:$0x3FAB]  }
0x31: {  	[smem:$0x3FB4] =	sst s10  }
0x32: {  	s10 =	sld [smem:$0x3FB2];
	_ =	sdelay $0x3  }
0x33: {  	p0 =	seq.s32 s10, $0x1;
	s10 =	sld [smem:$0x3FB4];
	_ =	sdelay $0x3  }
0x34: {  	[smem:$0x3FB4] =	sst s10  }
0x35: {  	s10 =	sld [smem:$0x3FB3];
	_ =	sdelay $0x3  }
0x36: {  	p1 =	seq.s32 s10, $0x1;
	s10 =	sld [smem:$0x3FB4];
	_ =	sdelay $0x3  }
0x37: {  	[smem:$0x3FB4] =	sst s10  }
0x38: {  	s10 =	sld [smem:$0x3FB5]  }
0x39: {  	_ = 	snop;
	(pc) =	sbr.ind lr, $3  }
0x3a: {  	_ = 	snop  }
0x3b: {  	_ = 	snop  }
0x3c: {  	p2 =	seq.s32 s10, $0x1;
	s10 =	sld [smem:$0x3FB4]  }
0x3d: {  	_ =	shalt  }
0x3e: {  	_ =	shalt  }
0x3f: {  	_ =	shalt  }
0x40: {  	_ =	shalt  }
0x41: {  	_ =	shalt  }
0x42: {  	_ =	shalt  }
0x43: {  	_ =	shalt  }
0x44: {  	_ =	shalt  }
0x45: {  	_ =	shalt  }
0x46: {  	_ =	shalt  }
0x47: {  	_ =	shalt  }
0x48: {  	_ =	shalt  }
0x49: {  	_ =	shalt  }
0x4a: {  	_ =	shalt  }
0x4b: {  	_ =	shalt  }
0x4c: {  	_ =	shalt  }
0x4d: {  	_ =	shalt  }
0x4e: {  	_ =	shalt  }
0x4f: {  	_ =	shalt  }
0x50: {  	_ =	shalt  }
0x51: {  	_ =	shalt  }
0x52: {  	_ =	shalt  }
0x53: {  	_ =	shalt  }
0x54: {  	_ =	shalt  }
0x55: {  	_ =	shalt  }
0x56: {  	_ =	shalt  }
0x57: {  	_ =	shalt  }
0x58: {  	_ =	shalt  }
0x59: {  	_ =	shalt  }
0x5a: {  	_ =	shalt  }
0x5b: {  	_ =	shalt  }
0x5c: {  	_ =	shalt  }
0x5d: {  	_ =	shalt  }
0x5e: {  	_ =	shalt  }
0x5f: {  	_ =	shalt  }
0x60: {  	_ =	shalt  }
0x61: {  	_ =	shalt  }
0x62: {  	_ =	shalt  }
0x63: {  	_ =	shalt  }
0x64: {  	_ =	shalt  }
0x65: {  	_ =	shalt  }
0x66: {  	_ =	shalt  }
0x67: {  	_ =	shalt  }
0x68: {  	_ =	shalt  }
0x69: {  	_ =	shalt  }
0x6a: {  	_ =	shalt  }
0x6b: {  	_ =	shalt  }
0x6c: {  	_ =	shalt  }
0x6d: {  	_ =	shalt  }
0x6e: {  	_ =	shalt  }
0x6f: {  	_ =	shalt  }
0x70: {  	_ =	shalt  }
0x71: {  	_ =	shalt  }
0x72: {  	_ =	shalt  }
0x73: {  	_ =	shalt  }
0x74: {  	_ =	shalt  }
0x75: {  	_ =	shalt  }
0x76: {  	_ =	shalt  }
0x77: {  	_ =	shalt  }
0x78: {  	_ =	shalt  }
0x79: {  	_ =	shalt  }
0x7a: {  	_ =	shalt  }
0x7b: {  	_ =	shalt  }
0x7c: {  	_ =	shalt  }
0x7d: {  	_ =	shalt  }
0x7e: {  	_ =	shalt  }
0x7f: {  	_ =	shalt  }
0x80: {  	_ =	shalt  }
0x81: {  	_ =	shalt  }
0x82: {  	_ =	shalt  }
0x83: {  	_ =	shalt  }
0x84: {  	_ =	shalt  }
0x85: {  	_ =	shalt  }
0x86: {  	_ =	shalt  }
0x87: {  	_ =	shalt  }
.Lfunc_end0:
.L_simem_size_0:
called_computation.1_lowered:
.L_overlay_start_0:
0x88: {  	s0 =	sld [smem:$0x3FD9]  }
0x89: {  	s1 =	sld [smem:$0x3FFE];
	_ =	sdelay $0x3  }
0x8a: {  	s0 =	sadd.s32 s1, s0  }
0x8b: {  	[smem:$0x3FC0] =	sst s0  }
0x8c: {  	_ = 	snop  }
0x8d: {  	(tm) =	ssettm $0x1  }
0x8e: {  	s15 =	sld [smem:$0x3FFB];
	_ =	sdelay $0x3  }
0x8f: {  	_ =	strace s15  }
0x90: {  	s0 =	sld [smem:$0x3FFC];
	_ =	sdelay $0x3  }
0x91: {  	_ =	strace s0  }
0x92: {  	s0 =	sld [smem:$0x3FFD];
	_ =	sdelay $0x3  }
0x93: {  	_ =	strace s0  }
0x94: {  	_ =	strace $0x8FFFFFFF  }
0x95: {  	s16 =	sld [smem:$0x3FDB];
	_ =	sdelay $0x1  }
0x96: {  	s17 =	simm.s32 $_scs_section_size  }
0x97: {  	s2 =	simm.s32 $_size__tile_overlayer_lowered;
	s3 =	simm.s32 $_tile_overlayer_lowered  }
0x98: {  	s20 =	simm.s32 $0x1BFF;
	s19 =	sshll.u32 s3, $0x1;
	s0 =	sadd.s32 s17, s16  }
0x99: {  	s4 =	simm.s32 $0x0;
	s18 =	sshll.u32 s2, $0x1;
	s2 =	sadd.s32 s19, s0  }
0x9a: {  	[timem:s4], [sflag:s20] =	dma.local [hbm:s2], s18  }
0x9b: {  	_ =	swait.ge [sflag:s20], s18  }
0x9c: {  	s1 =	ssub.s32 $0x0, s18;
	[sflag:s20] =	ssyncset.done $0x0  }
0x9d: {  	[sflag:s20] =	ssyncadd.s32 s1;
	_ =	sdelay $0x1  }
0x9e: {  	s21 =	simm.s32 $0x1B8B  }
0x9f: {  	_ =	swait.ge [sflag:s21], $0x1  }
0xa0: {  	[sflag:s21] =	ssyncset.done $0x0  }
0xa1: {  	s23 =	simm.s32 $0x1B8E;
	s22 =	sld [smem:$0x3FFE];
	[sflag:s21] =	ssyncadd.s32 $0xFFFFFFFF  }
0xa2: {  	s24 =	simm.s32 $execute0_lowered;
	[smem:$0x3FD2] =	sst s23  }
0xa3: {  	s2 =	sshll.u32 s24, $0x1;
	_ =	strace $0x80000049;
	[dreg:$0x1] =	wrdreg $0xFFFFFFFF  }
0xa4: {  	s25 =	simm.s32 $_size_execute0_lowered;
	s0 =	sadd.s32 s0, s2;
	[dreg:$0x0] =	wrdreg $0x0  }
0xa5: {  	s2 =	sshll.u32 s25, $0x1;
	[dreg:$0x2] =	wrdreg s0  }
0xa6: {  	[dreg:$0x3] =	wrdreg s2  }
0xa7: {  	[dreg:$0x4] =	wrdreg $0xC0  }
0xa8: {  	_ =	task [dreg:s4], $0x5FFFF  }
0xa9: {  	[dreg:$0x1] =	wrdreg $0xFFFFFFFF  }
0xaa: {  	[dreg:$0x0] =	wrdreg $0x60  }
0xab: {  	[dreg:$0x2] =	wrdreg s22  }
0xac: {  	[dreg:$0x3] =	wrdreg $0x9  }
0xad: {  	_ =	task.clear_ibuf [dreg:s4], $0x4FFFF;
	_ =	strace $0x90000049  }
0xae: {  	s26 =	simm.s32 $0x9;
	_ =	strace $0x8000004B  }
0xaf: {  	_ =	swait.ge [sflag:s26], $0x1  }
0xb0: {  	[sflag:s26] =	ssyncadd.s32 $0xFFFFFFFF  }
0xb1: {  	_ =	strace $0x9000004B  }
0xb2: {  	_ =	sfence  }
0xb3: {  	s28 =	sld [smem:$0x0];
	_ =	sdelay $0x1  }
0xb4: {  	s29 =	srdreg.scid  }
0xb5: {  	s30 =	sshll.u32 s29, $0xD;
	s31 =	sshrl.u32 s29, $0x2  }
0xb6: {  	s1 =	sand.u32 $0x1, s29;
	s2 =	sand.u32 $0x4000, s30;
	s0 =	sadd.s32 s31, s28  }
0xb7: {  	s1 =	sor.u32 s2, s1;
	s0 =	sshll.u32 s0, $0x11  }
0xb8: {  	s0 =	sor.u32 s0, s1  }
0xb9: {  	s0 =	sadd.s32 $0x8F2B, s0  }
0xba: {  	[sflag:s0] =	ssyncadd.remote.s32 $0x1  }
0xbb: {  	_ =	sfence.sel $0xFFFF  }
0xbc: {  	[dreg:$0x0] =	wrdreg $0xFFFFFFFF;
	(pc) =	sbr.abs _section_cstart, $3  }
0xbd: {  	[dreg:$0x1] =	wrdreg $0xFFFFFFFF  }
0xbe: {  	_ =	task.clear_ibuf [dreg:s4], $0x2FFFF;
	_ =	strace $0x9FFFFFFF  }
0xbf: {  	(tm) =	ssettm $0x7FFFFFFF  }
tec
execute0_lowered:
.L_overlay_start_1:
0x0: {  	(tag) =	ssettag $0x1  }
0x1: {  	s0 =	rddreg [dreg:$0x0];
	_ =	strace $0x8000004A;
	s15 =	stileid.u32  }
0x2: {  	s2 =	simm.s32 $0x1;
	s1 =	smin.u32 s15, $0x8;
	s3 =	sshll.u32 s15, $0x1  }
0x3: {  	v1 =	vimm.s32 $0xFFFFFFFF;
	[sflag:s2] =	ssyncpa.u1 $0x0;
	s1 =	sadd.s32 s1, s3  }
0x4: {  	p0 =	slt.u32 s15, $0x8;
	[tilespmem:$0x10] =	vst v1;
	s4 =	smul.u32 $0x1F40, s1;
	s1 =	simm.s32 $0x5DC0  }
0x5: {  	v0 =	vimm.f32 $0.0e+00;
	[tilespmem:$0x20] =	vst v1;
	s1 =	simm.s32 @!p0 $0x3E80  }
0x6: {  	[tilespmem:$0x30] =	vst v0;
	s1 =	sadd.s32 s1, s4  }
0x7: {  	[tilespmem:$0x40] =	vst v0;
	s5 =	smin.u32 s1, $0x4E200  }
0x8: {  	s7 =	simm.s32 $0x2;
	s8 =	simm.s32 $0x8;
	[tilespmem:$0x50] =	vst v0;
	s9 =	ssub.s32 s5, s4  }
0x9: {  	s31 =	simm.s32 $0x9;
	s16 =	simm.s32 $0x0;
	[tilespmem:$0x60] =	vst v1;
	p0 =	sgt.s32 s9, $0x0  }
0xa: {  	s17 =	simm.s32 $0xF0;
	s18 =	simm.s32 $0xFFFFFFFF;
	[tilespmem:$0x70] =	vst v1;
	s9 =	simm.s32 @!p0 $0x0  }
0xb: {  	s19 =	simm.s32 $0xFFFFC280;
	s20 =	simm.s32 $0xFFFFFFFE;
	[tilespmem:$0x80] =	vst v1;
	s30 =	smulhi.u32 $0x10624DD3, s9  }
0xc: {  	s21 =	simm.s32 $0xF;
	s25 =	simm.s32 $0x0;
	s24 =	simm.s32 $0x0;
	v1 =	vimm.s32 $0x0;
	[tilespmem:$0xB0] =	vst v0  }
0xd: {  	s6 =	sadd.s32 $0x530A00, s0;
	s15 =	sshllo.u32 s15, $0x1;
	[tilespmem:$0x90] =	vst v1;
	s10 =	sshrl.u32 s30, $0x9  }
0xe: {  	[tilespmem:$0xA0] =	vst v1;
	[sflag:s7] =	ssyncpa.u1 $0x0;
	s7 =	simm.s32 $0x7;
	s11 =	smul.u32 $0x1F40, s10  }
.Ltmp0:
0xf: {  	s13 =	sor.u32 $0x80, s3;
	[sflag:s7] =	ssyncpa.u1 $0x0;
	(pc) =	sbr.rel .LBB2_1-.Ltmp0, $4  }
0x10: {  	s14 =	sor.u32 $0x81, s3;
	[sflag:s8] =	ssyncpa.u1 $0x0;
	p0 =	sne.s32 s9, s11  }
0x11: {  	s23 =	smov.u32 s4;
	s1 =	sadd.s32 $0x544600, s0;
	s2 =	simm.s32 @!p0 $0x0  }
0x12: {  	vm0 =	vmmov $0xffff;
	v2 =	vlaneseq.u32;
	[sflag:s31] =	ssyncpa.u1 $0x0;
	s9 =	sadd.s32 $0x53A800, s0;
	s10 =	sadd.s32 s2, s10  }
0x13: {  	vm1 =	vmxor vm1, vm1;
	vm2 =	vmmov $0x1;
	vm3 =	vcmask $0x3F3C;
	p0 =	por $0x0, $0x0;
	s11 =	sadd.s32 $0x1, s10;
	s12 =	sadd.s32 $0x2, s10  }
.LBB2_9:
0x14: {  	p1 =	slt.u32 s24, $0x3  }
0x15: {  	s0 =	simm.s32 @!p1 $0x2  }
0x16: {  	_ =	swait.ge @!p1 [sflag:s0], $0x1F40  }
0x17: {  	[sflag:s0] =	ssyncset.done @!p1 $0x0  }
0x18: {  	[sflag:s0] =	ssyncadd.s32 @!p1 $0xFFFFE0C0;
	s0 =	simm.s32 @!p1 $0x9  }
0x19: {  	_ =	swait.ge @!p1 [sflag:s0], $0x10  }
0x1a: {  	[sflag:s0] =	ssyncset.done @!p1 $0x0  }
0x1b: {  	[sflag:s0] =	ssyncadd.s32 @!p1 $0xFFFFFFF0;
	p1 =	sne.s32 s24, s12  }
.Ltmp1:
0x1c: {  	s2 =	sadd.s32 $0x1F40, s23;
	(pc) =	sbr.rel @!p1 .LBB2_10-.Ltmp1, $4  }
0x1d: {  	s22 =	smov.u32 s4;
	s31 =	sadd.s32 $0x1, s24;
	s17 =	sadd.s32 $0x1F40, s17  }
0x1e: {  	s18 =	sadd.s32 $0x1, s18;
	s25 =	smov.u32 s23;
	p2 =	slt.s32 s2, s5  }
0x1f: {  	p0 =	por !p0, !p0;
	s19 =	sadd.s32 $0x1F40, s19;
	s22 =	smov.u32 @p2 s2  }
0x20: {  	s20 =	sadd.s32 $0x1, s20;
	s23 =	smov.u32 s22;
	s24 =	smov.u32 s31  }
.LBB2_1:
0x21: {  	p1 =	sge.u32 s24, s10  }
0x22: {  	s0 =	smulhi.u32 @!p1 $0xAAAAAAAB, s24;
	_ =	sdelay $0x1  }
0x23: {  	s0 =	sshrl.u32 @!p1 s0, $0x1  }
0x24: {  	s0 =	smul.u32 @!p1 $0x3, s0;
	_ =	sdelay $0x1  }
0x25: {  	s0 =	ssub.s32 @!p1 s24, s0  }
0x26: {  	s0 =	smul.u32 @!p1 $0x7D00, s0;
	_ =	sdelay $0x1  }
0x27: {  	s2 =	sshrl.u32 @!p1 s23, $0x3;
	s0 =	sshrl.u32 @!p1 s0, $0x2  }
0x28: {  	s22 =	sand.u32 @!p1 $0x7, s23;
	s2 =	sadd.s32 @!p1 s6, s2;
	s0 =	sadd.s32 @!p1 $0x100, s0  }
0x29: {  	[tilespmem:s0], [sflag:$0x7] =	stream.linear.gather @!p1 [hbm4b:s2+s22], $0x1F40, $0x38;
	[tilespmem:$0x11A60] =	vst v63  }
0x2a: {  	s0 =	sadd.s32 $0xFFFFFFFF, s24  }
0x2b: {  	p1 =	sge.u32 s0, s10  }
.Ltmp2:
0x2c: {  	_ = 	snop;
	(pc) =	sbr.rel @p1 .LBB2_5-.Ltmp2, $1  }
0x2d: {  	_ =	sdelay $0x3  }
0x2e: {  	s2 =	smulhi.u32 $0xAAAAAAAB, s0;
	_ =	sdelay $0x1  }
0x2f: {  	s2 =	sshrl.u32 s2, $0x1  }
0x30: {  	s2 =	smul.u32 $0x3, s2;
	_ =	sdelay $0x1  }
0x31: {  	s2 =	ssub.s32 s0, s2  }
0x32: {  	s2 =	smul.u32 $0x7D00, s2  }
0x33: {  	_ =	swait.ge [sflag:s7], $0x1F40  }
0x34: {  	[sflag:s7] =	ssyncset.done $0x0;
	s2 =	sshrl.u32 s2, $0x2  }
0x35: {  	[sflag:s7] =	ssyncadd.s32 $0xFFFFE0C0;
	(ifvalue) =	ssetifvalue $0xFFFFFFFF;
	v3 =	vld.msk [tilespmem:s2+$0x100 ss:$0x1], $0xffff;
	_ =	sdelay $0x2  }
0x36: {  	s30 =	smulhi.u32 $0xAAAAAAAB, s18;
	p1 =	sne.s32 s24, $0x1  }
0x37: {  	v4 =	vimm.s32 @!p1 $0x0  }
0x38: {  	s2 =	sshrl.u32 s30, $0x1;
	v4 =	vperm.xlane @!p1 v3, v4  }
0x39: {  	s22 =	sshll.u32 s24, $0x4;
	s2 =	smul.u32 $0xFFFE8900, s2;
	vm4 =	vlt.u32 v3, $0x2800  }
0x3a: {  	s22 =	sand.u32 $0x10, s22;
	v3 =	vnsel vm4, $0xFFFFFFFE, v3;
	vm4 =	vlt.u32 @!p1 v4, $0x2800  }
0x3b: {  	s2 =	sshra.s32 s2, $0x2;
	[tilespmem:s22+$0x60] =	vst v3;
	v3 =	vnsel @!p1 vm4, $0xFFFFFFFE, v4  }
0x3c: {  	s28 =	sadd.s32 s2, s17;
	[tilespmem:$0x80] =	vst @!p1 v3  }
0x3d: {  	v3 =	vld.msk [tilespmem:s28+$0x0 ss:$0x1], $0xffff;
	_ =	sdelay $0x4  }
0x3e: {  	(xrf1) =	vunique.msk.u32 $0xffff, v3;
	_ =	sdelay $0xd  }
0x3f: {  	v4 =	vimm.s32 $0xFFFFFFFF;
	v5, _, _ =	vpop (xrf1)  }
0x40: {  	vm5 =	vne.s32 v3, v4;
	vm4 =	veq.s32 v5, v2  }
0x41: {  	vm6 =	vlt.u32 v3, $0x2800;
	vm4 =	vmand vm5, vm4  }
0x42: {  	vm4 =	vmand vm6, vm4  }
0x43: {  	v4 =	vnsel vm4, $0xFFFFFFFF, v3  }
0x44: {  	s31 =	sand.u32 $0x1, s0  }
0x45: {  	s0 =	simm.s32 $0x1F40;
	p1 =	seq.s32 s31, $0x1  }
0x46: {  	s0 =	simm.s32 @!p1 $0x0  }
0x47: {  	s26 =	sadd.s32 $0x7DF0, s0;
	(ifvalue) =	ssetifvalue $0xFFFFFFFF  }
0x48: {  	v3 =	vperm.xlane v3, v1;
	[tilespmem:s26], [sflag:$0x8] =	stream.indirect_vreg.gather [hbm4b:s1+s16], $0x1, v4, vm0, $0x4038;
	v4 =	vnsel vm6, $0xFFFFFFFE, v4;
	[tilespmem:$0x11A60] =	vst v63  }
0x49: {  	s2 =	simm.s32 $0x0;
	s22 =	sadd.s32 $0xFFFFFFF0, s28;
	[tilespmem:s28+$0x0] =	vst v4  }
.LBB2_3:
0x4a: {  	v4 =	vld.msk [tilespmem:s22+$0x0 ss:$0x1], $0xffff;
	s2 =	sadd.s32 $0x10, s2;
	v5 =	vmov v3;
	s28 =	smov.u32 s22  }
0x4b: {  	p1 =	slt.u32 s2, $0x1F30;
	_ =	sdelay $0x4  }
0x4c: {  	v3 =	vperm.xlane v4, v1;
	(xrf1) =	vunique.msk.u32 $0xffff, v4;
	_ =	sdelay $0xd  }
0x4d: {  	v6, _, _ =	vpop (xrf1)  }
0x4e: {  	vm5 =	vne.s32 v4, v5;
	vm4 =	veq.s32 v6, v2  }
0x4f: {  	vm6 =	vlt.u32 v4, $0x2800;
	vm4 =	vmand vm5, vm4  }
0x50: {  	vm4 =	vmand vm6, vm4  }
0x51: {  	v4 =	vnsel vm4, $0xFFFFFFFF, v4  }
.Ltmp3:
0x52: {  	v5 =	vnsel vm6, $0xFFFFFFFE, v4;
	(pc) =	sbr.rel @p1 .LBB2_3-.Ltmp3, $3  }
0x53: {  	_ =	sdelay $0x1  }
0x54: {  	s22 =	sadd.s32 $0xFFFFFFF0, s22;
	s26 =	sadd.s32 $0xFFFFFFF0, s26;
	(ifvalue) =	ssetifvalue $0xFFFFFFFF  }
0x55: {  	[tilespmem:s26], [sflag:$0x8] =	stream.indirect_vreg.gather [hbm4b:s1+s16], $0x1, v4, vm0, $0x4038;
	[tilespmem:s28+$0x0] =	vst v5  }
0x56: {  	s2 =	sshrl.u32 s25, $0x3  }
0x57: {  	s0 =	sadd.s32 $0x9D40, s0;
	s2 =	sadd.s32 s9, s2  }
0x58: {  	[tilespmem:s0], [sflag:$0x8] =	stream.linear.gather [hbm:s2], $0x1F40, $0x38;
	[tilespmem:$0x11A60] =	vst v63  }
.LBB2_5:
0x59: {  	p1 =	slt.u32 s24, $0x2  }
0x5a: {  	p2 =	sge.u32 @!p1 s24, s12  }
0x5b: {  	p1 =	por p1, p2  }
.Ltmp4:
0x5c: {  	_ = 	snop;
	(pc) =	sbr.rel @p1 .LBB2_9-.Ltmp4, $1  }
0x5d: {  	_ =	sdelay $0x3  }
0x5e: {  	s0 =	sadd.s32 $0xFFFFFFFE, s24  }
0x5f: {  	s2 =	smulhi.u32 $0xAAAAAAAB, s0;
	_ =	sdelay $0x1  }
0x60: {  	s2 =	sshrl.u32 s2, $0x1  }
0x61: {  	s2 =	smul.u32 $0x3, s2;
	_ =	sdelay $0x1  }
0x62: {  	s0 =	ssub.s32 s0, s2  }
0x63: {  	_ =	swait.ge [sflag:s8], $0x3E80;
	s0 =	smul.u32 $0x1F40, s0  }
0x64: {  	p1 =	sne.s32 s24, s11;
	[sflag:s8] =	ssyncset.done $0x0  }
0x65: {  	[sflag:s8] =	ssyncadd.s32 $0xFFFFC180;
	s2 =	sadd.s32 @!p1 $0x203F, s0  }
0x66: {  	[spmem:s14] =	stream.linear.scatter @!p1 [tilespmem:s2], [sflag:$0x1], $0x1, $0x38;
	[tilespmem:$0x11A60] =	vst v63  }
0x67: {  	s2 =	simm.s32 @!p1 $0x1  }
0x68: {  	_ =	swait.ge @!p1 [sflag:s2], $0x1  }
0x69: {  	s22 =	sshll.u32 s24, $0x4;
	[sflag:s2] =	ssyncset.done @!p1 $0x0  }
0x6a: {  	s25 =	sand.u32 $0x10, s22;
	[sflag:s2] =	ssyncadd.s32 @!p1 $0xFFFFFFFF  }
0x6b: {  	s2 =	sxor.u32 $0x10, s25;
	v4 =	vld [tilespmem:s25+$0x10]  }
0x6c: {  	v5 =	vld [tilespmem:s2+$0x60]  }
0x6d: {  	v3 =	vld [tilespmem:$0x80];
	_ =	sdelay $0x2  }
0x6e: {  	(v2sf) =	vpush v4, $0x0  }
0x6f: {  	(v2sf) =	vpush v5, $0x0  }
0x70: {  	(v2sf) =	vpush v3, $0x0;
	_ =	sdelay $0xc  }
0x71: {  	s22 =	spop (v2sf)  }
0x72: {  	s26 =	spop (v2sf)  }
0x73: {  	s28 =	spop (v2sf)  }
0x74: {  	p2 =	seq.s32 s22, s26;
	p3 =	seq.s32 s28, s22  }
0x75: {  	p3 =	por p2, p3  }
0x76: {  	s26 =	sand.u32 $0x1, s24;
	v4 =	vpsel p3, $0xFFFFFFFF, v4  }
0x77: {  	s29 =	smul.u32 $0x1F40, s26;
	[tilespmem:s25+$0x10] =	vst.msk $0x1, v4  }
0x78: {  	v4 =	vld [tilespmem:$0x30]  }
0x79: {  	v5 =	vld [tilespmem:s29+$0x9D40]  }
0x7a: {  	v6 =	vld [tilespmem:s25+$0x40];
	_ =	sdelay $0x3  }
0x7b: {  	vm4 =	vmmov vm1;
	v5 =	vadd.f32 v5, v4  }
0x7c: {  	vm5 =	vmmov vm2;
	vm4 =	vmmov @p2 vm2;
	s22 =	sshll.u32 s26, $0x4;
	v4 =	vadd.f32 v6, v4  }
0x7d: {  	s26 =	sor.u32 $0x11A40, s22;
	vm5 =	vmmov @p3 vm1;
	[tilespmem:s29+$0x9D40] =	vst.msk vm4, v5  }
0x7e: {  	[tilespmem:s26+$0x0] =	vst.msk vm5, v4  }
0x7f: {  	v4 =	vld [tilespmem:s29+$0x7DF0];
	_ =	sdelay $0x3  }
0x80: {  	v5 =	vimm.f32 $0.0e+00  }
0x81: {  	v4 =	vshift.insert v4, v5, s21  }
0x82: {  	s22 =	sor.u32 $0x40, s2  }
0x83: {  	[tilespmem:s22+$0x0] =	vst.msk $0x1, v4  }
0x84: {  	[tilespmem:s29+$0x7DFF] =	vst.msk $0x1, v5  }
0x85: {  	v4 =	vld [tilespmem:s0+$0x2030];
	_ =	sdelay $0x1  }
0x86: {  	s22 =	smulhi.u32 $0xAAAAAAAB, s20;
	s0 =	simm.s32 $0x1  }
0x87: {  	s0 =	simm.s32 @!p0 $0x0  }
0x88: {  	s22 =	sshrl.u32 s22, $0x1;
	s0 =	smul.u32 $0x7D00, s0  }
0x89: {  	s22 =	smul.u32 $0xFFFE8900, s22;
	v4 =	vshift.insert v4, v1, s21  }
0x8a: {  	s0 =	sshrl.u32 s0, $0x2  }
0x8b: {  	s22 =	sshra.s32 s22, $0x2;
	s30 =	sadd.s32 $0x9D40, s0;
	[tilespmem:s2+$0x10] =	vst.msk $0x1, v4  }
0x8c: {  	s22 =	sadd.s32 s22, s19;
	v6 =	vld [tilespmem:s30+$0x0]  }
0x8d: {  	v7 =	vld [tilespmem:s22+$0x0];
	_ =	sdelay $0x3  }
0x8e: {  	v5 =	vadd.f32 v6, v5  }
0x8f: {  	vm4 =	vne.s32 v7, $0xFFFFFFFF  }
0x90: {  	(xrf2) =	vadd.seg.scan.f32 vm4, v5;
	_ =	sdelay $0x3  }
0x91: {  	s31 =	sadd.s32 $0x5EC0, s0;
	v5 =	vperm.xlane v4, v1  }
0x92: {  	v6 =	vld [tilespmem:s31+$0x0]  }
0x93: {  	vm5 =	veq.s32 v7, v3;
	vm6 =	veq.s32 v7, v5  }
0x94: {  	vm7 =	vgt.u32 v7, $0xFFFFFFFD;
	vm6 =	vmor vm6, vm5  }
0x95: {  	vm6 =	vmor vm6, vm7  }
0x96: {  	v9 =	vld [tilespmem:$0xA0];
	v7 =	vsel vm6, $0xFFFFFFFF, v7  }
0x97: {  	v10 =	vld [tilespmem:$0x90];
	v6 =	vsel vm5, $0x0, v6;
	v8, _, _ =	vpop (xrf2)  }
0x98: {  	v6 =	vadd.f32 v8, v6  }
0x99: {  	s0 =	sadd.s32 $0xDBC0, s0  }
0x9a: {  	vm4 =	vmand vm4, vm3;
	[tilespmem:s0+$0x0] =	vst v6;
	(ifvalue) =	ssetifvalue $0xFFFFFFFF  }
0x9b: {  	vm6 =	veq.s32 v9, $0x1;
	[hbm4b:s1+s16] =	stream.indirect_vreg.scatter [tilespmem:s0], [sflag:$0x2], $0x1, v7, vm0, $0x4038;
	v7 =	vsel vm4, $0x0, v8;
	[tilespmem:$0x11A60] =	vst v63  }
0x9c: {  	s2 =	simm.s32 $0x0;
	s22 =	sadd.s32 $0x10, s22;
	vm4 =	vmor vm6, vm5;
	v6 =	vsel vm5, v8, v10;
	v7 =	vshift.insert v7, v0, s21  }
.LBB2_7:
0x9d: {  	v8 =	vld [tilespmem:s22+$0x0];
	s30 =	sadd.s32 $0x10, s30  }
0x9e: {  	s31 =	sadd.s32 $0x10, s31;
	v9 =	vld [tilespmem:s30+$0x0]  }
0x9f: {  	s2 =	sadd.s32 $0x10, s2;
	v10 =	vld [tilespmem:s31+$0x0]  }
0xa0: {  	p2 =	slt.u32 s2, $0x1F30;
	_ =	sdelay $0x2  }
0xa1: {  	v7 =	vadd.f32 v9, v7  }
0xa2: {  	vm5 =	vne.s32 v8, $0xFFFFFFFF  }
0xa3: {  	vm6 =	vmand vm5, vm3;
	(xrf2) =	vadd.seg.scan.f32 vm5, v7;
	_ =	sdelay $0x5  }
0xa4: {  	vm7 =	veq.s32 v8, v5;
	vm5 =	veq.s32 v8, v3  }
0xa5: {  	vm8 =	vgt.u32 v8, $0xFFFFFFFD;
	vm4 =	vmor vm4, vm5;
	vm7 =	vmor vm7, vm5  }
0xa6: {  	vm7 =	vmor vm7, vm8  }
0xa7: {  	v8 =	vsel vm7, $0xFFFFFFFF, v8  }
.Ltmp5:
0xa8: {  	v7 =	vsel vm5, $0x0, v10;
	v9, _, _ =	vpop (xrf2);
	(pc) =	sbr.rel @p2 .LBB2_7-.Ltmp5, $4  }
0xa9: {  	v6 =	vsel vm5, v9, v6;
	v10 =	vadd.f32 v9, v7;
	v7 =	vsel vm6, $0x0, v9  }
0xaa: {  	s0 =	sadd.s32 $0x10, s0;
	v7 =	vshift.insert v7, v0, s21  }
0xab: {  	s22 =	sadd.s32 $0x10, s22;
	[tilespmem:s0+$0x0] =	vst v10;
	(ifvalue) =	ssetifvalue $0xFFFFFFFF  }
0xac: {  	[hbm4b:s1+s16] =	stream.indirect_vreg.scatter [tilespmem:s0], [sflag:$0x2], $0x1, v8, vm0, $0x4038;
	[tilespmem:$0x11A60] =	vst v63  }
0xad: {  	v3 =	vld [tilespmem:s29+$0xFAF0];
	_ =	sdelay $0x4  }
0xae: {  	v3 =	vshift.insert v3, v0, s21  }
0xaf: {  	s0 =	simm.s32 $0x30  }
0xb0: {  	[tilespmem:s0+$0x0] =	vst.msk $0x1, v3  }
0xb1: {  	v3 =	vsel vm4, $0x1, v1;
	[tilespmem:$0x90] =	vst v6  }
0xb2: {  	s0 =	sadd.s32 @!p1 $0xFAFF, s29;
	[tilespmem:$0xA0] =	vst v3  }
0xb3: {  	[spmem:s15] =	stream.linear.scatter @!p1 [tilespmem:s0], [sflag:$0x1], $0x1, $0x38;
	[tilespmem:$0x11A60] =	vst v63  }
0xb4: {  	s0 =	simm.s32 @!p1 $0x1  }
0xb5: {  	v3 =	vmctz.xlane @!p1 vm4;
	_ =	swait.ge @!p1 [sflag:s0], $0x1  }
0xb6: {  	(v2sf) =	vpush @!p1 v4, $0x0  }
0xb7: {  	(v2sf) =	vpush @!p1 v3, $0x0;
	_ =	sdelay $0xd  }
0xb8: {  	s2 =	spop @!p1 (v2sf)  }
0xb9: {  	s22 =	spop @!p1 (v2sf)  }
0xba: {  	p2 =	sne.s32 @!p1 s28, s2;
	p3 =	slt.s32 @!p1 s22, $0xF  }
0xbb: {  	[sflag:s0] =	ssyncset.done @!p1 $0x0;
	p2 =	por p2, p1;
	p3 =	por !p3, p1  }
0xbc: {  	[sflag:s0] =	ssyncadd.s32 @!p1 $0xFFFFFFFF;
	v3 =	vimm.s32 @!p2 $0xFFFFFFFF;
	s22 =	simm.s32 @p3 $0xF  }
0xbd: {  	[tilespmem:$0x80] =	vst @!p2 v3;
	s2 =	sadd.s32 @!p1 $0x90, s22  }
0xbe: {  	[spmem:s3] =	stream.linear.scatter @!p1 [tilespmem:s2], [sflag:$0x1], $0x1, $0x38;
	[tilespmem:$0x11A60] =	vst v63  }
0xbf: {  	_ =	swait.ge @!p1 [sflag:s0], $0x1  }
0xc0: {  	[sflag:s0] =	ssyncset.done @!p1 $0x0  }
0xc1: {  	s2 =	simm.s32 @!p1 $0x80;
	[sflag:s0] =	ssyncadd.s32 @!p1 $0xFFFFFFFF  }
0xc2: {  	[spmem:s13] =	stream.linear.scatter @!p1 [tilespmem:s2], [sflag:$0x1], $0x1, $0x38;
	[tilespmem:$0x11A60] =	vst v63  }
0xc3: {  	_ =	swait.ge @!p1 [sflag:s0], $0x1  }
0xc4: {  	[sflag:s0] =	ssyncset.done @!p1 $0x0  }
0xc5: {  	[sflag:s0] =	ssyncadd.s32 @!p1 $0xFFFFFFFF;
	(ifvalue) =	ssetifvalue $0xFFFFFFFF;
	v3 =	vld [tilespmem:s25+$0x10];
	_ =	sdelay $0x3  }
.Ltmp6:
0xc6: {  	_ = 	snop;
	(pc) =	sbr.rel .LBB2_9-.Ltmp6, $3  }
0xc7: {  	_ =	sdelay $0x1  }
0xc8: {  	(ifvalue) =	ssetifvalue $0xFFFFFFFF  }
0xc9: {  	[hbm4b:s1+s16] =	stream.indirect_vreg.scatter [tilespmem:s26], [sflag:$0x9], $0x1, v3, vm0, $0x4038;
	[tilespmem:$0x11A60] =	vst v63  }
.LBB2_10:
0xca: {  	_ =	sfence.sel $0x180000  }
0xcb: {  	s0 =	simm.s32 $0x7;
	[bflag:$0x0] =	sbarrier.arrive $0xFFFF  }
0xcc: {  	s26 =	simm.s32 $0x8;
	[sflag:s0] =	ssyncpa.u1 $0x1  }
0xcd: {  	s28 =	simm.s32 $0x9;
	[sflag:s26] =	ssyncpa.u1 $0x1  }
0xce: {  	[sflag:s28] =	ssyncpa.u1 $0x1  }
0xcf: {  	_ =	sfence.stream.spmem  }
0xd0: {  	s29 =	simm.s32 $0x3;
	[bflag:$0x0] =	sbarrier.arrive $0xFFFF  }
0xd1: {  	s30 =	simm.s32 $0x4;
	[sflag:s29] =	ssyncpa.u1 $0x1  }
0xd2: {  	s31 =	simm.s32 $0x3C;
	s2 =	stileid.u32;
	[sflag:s30] =	ssyncpa.u1 $0x1  }
0xd3: {  	p0 =	sne.s32 s2, $0x0;
	[sflag:s31] =	ssyncpa.u1 $0x1  }
0xd4: {  	s0 =	simm.s32 @p0 $0x1;
	_ =	sfence @p0  }
0xd5: {  	[sflag:s0] =	ssyncpa.u1 @p0 $0x1;
	s0 =	simm.s32 @p0 $0x2  }
0xd6: {  	[sflag:s0] =	ssyncpa.u1 @p0 $0x1  }
0xd7: {  	_ =	strace @p0 $0x9000004A  }
0xd8: {  	[bflag:$0x2] =	sbarrier.arrive @p0 $0xFFFF  }
0xd9: {  	_ =	shalt @p0  }
.LBB2_11:
0xda: {  	_ =	sfence.stream.spmem;
	s0 =	simm.s32 $0x5  }
0xdb: {  	s2 =	simm.s32 $0x80;
	s3 =	simm.s32 $0xC0;
	[sflag:s0] =	ssyncpa.u1 $0x0  }
0xdc: {  	[tilespmem:s3], [sflag:$0x5] =	stream.linear.gather [spmem:s2], $0x20, $0x38;
	[tilespmem:$0x11A60] =	vst v63  }
0xdd: {  	s2 =	simm.s32 $0x0;
	s3 =	simm.s32 $0xE0  }
0xde: {  	[tilespmem:s3], [sflag:$0x5] =	stream.linear.gather [spmem:s2], $0x20, $0x38;
	[tilespmem:$0x11A60] =	vst v63  }
.Ltmp7:
0xdf: {  	_ = 	snop;
	(pc) =	sbr.rel .LBB2_12-.Ltmp7, $4  }
0xe0: {  	_ =	swait.ge [sflag:s0], $0x40  }
0xe1: {  	[sflag:s0] =	ssyncset.done $0x0  }
0xe2: {  	s31 =	simm.s32 $0x6;
	[sflag:s0] =	ssyncadd.s32 $0xFFFFFFC0  }
0xe3: {  	s4 =	simm.s32 $0x0;
	[sflag:s31] =	ssyncpa.u1 $0x0  }
.LBB2_17:
0xe4: {  	p0 =	sgt.u32 s5, $0x27FF  }
0xe5: {  	s0 =	sshrl.u32 @!p0 s5, $0x3  }
0xe6: {  	s5 =	sand.u32 @!p0 $0x7, s5;
	s6 =	simm.s32 @!p0 $0xB0;
	s0 =	sadd.s32 @!p0 s1, s0  }
0xe7: {  	[tilespmem:s6], [sflag:$0x6] =	stream.linear.gather @!p0 [hbm4b:s0+s5], $0x1, $0x38;
	[tilespmem:$0x11A60] =	vst v63  }
0xe8: {  	s0 =	simm.s32 @!p0 $0x6  }
0xe9: {  	_ =	swait.ge @!p0 [sflag:s0], $0x1  }
0xea: {  	[sflag:s0] =	ssyncset.done @!p0 $0x0  }
0xeb: {  	[sflag:s0] =	ssyncadd.s32 @!p0 $0xFFFFFFFF  }
0xec: {  	v2 =	vmov @!p0 s4;
	v1 =	vld.msk @!p0 [tilespmem:$0xB0], $0x1;
	_ =	sdelay $0x3  }
0xed: {  	s0 =	simm.s32 @!p0 $0xE0  }
0xee: {  	[tilespmem:v2+s0+$0x0], v1 =	vst.idx.ret.add.f32.msk @!p0 $0x1, v1  }
0xef: {  	[tilespmem:s2+$0xC0] =	vst.msk $0x1, v0  }
0xf0: {  	v0 =	vld.msk [tilespmem:s4+$0xE0], $0x1;
	_ =	sdelay $0x4  }
0xf1: {  	[tilespmem:s2+$0xE0] =	vst.msk $0x1, v0;
	s2 =	sadd.s32 $0x1, s2  }
.LBB2_19:
0xf2: {  	s4 =	sadd.s32 $0x1, s4  }
0xf3: {  	p0 =	sne.s32 s4, $0x20  }
.Ltmp8:
0xf4: {  	_ = 	snop;
	(pc) =	sbr.rel @!p0 .LBB2_20-.Ltmp8, $1  }
0xf5: {  	_ =	sdelay $0x3  }
.LBB2_12:
0xf6: {  	v0 =	vld.msk [tilespmem:s4+$0xC0], $0x1;
	_ =	sdelay $0x4  }
0xf7: {  	(v2sf) =	vpush v0, $0x0;
	_ =	sdelay $0xe  }
0xf8: {  	s5 =	spop (v2sf)  }
0xf9: {  	p0 =	seq.s32 s5, $0xFFFFFFFF  }
.Ltmp9:
0xfa: {  	_ = 	snop;
	(pc) =	sbr.rel @p0 .LBB2_19-.Ltmp9, $1  }
0xfb: {  	_ =	sdelay $0x3  }
0xfc: {  	p0 =	slt.s32 s2, $0x1  }
.Ltmp10:
0xfd: {  	_ = 	snop;
	(pc) =	sbr.rel @p0 .LBB2_17-.Ltmp10, $1  }
0xfe: {  	_ =	sdelay $0x3  }
0xff: {  	s0 =	simm.s32 $0xC0;
	p0 =	por $0x0, $0x0  }
0x100: {  	v1 =	vld.msk @!p0 [tilespmem:s0+$0x0], $0x1;
	_ =	sdelay $0x4  }
0x101: {  	(v2sf) =	vpush @!p0 v1, $0x0;
	_ =	sdelay $0xd  }
0x102: {  	p2 =	sne.s32 s2, $0x1  }
.Ltmp11:
0x103: {  	s6 =	spop @!p0 (v2sf);
	(pc) =	sbr.rel @!p2 .LBB2_16-.Ltmp11, $4  }
0x104: {  	p1 =	seq.s32 @!p0 s5, s6  }
0x105: {  	s6 =	simm.s32 $0x0;
	p1 =	por !p1, p0  }
0x106: {  	s8 =	simm.s32 $0xFFFFFFFF;
	s6 =	simm.s32 @p1 $0xFFFFFFFF  }
0x107: {  	s7 =	simm.s32 $0x1;
	s6 =	smov.u32 @p0 s8  }
.LBB2_15:
0x108: {  	s8 =	smov.u32 s6;
	p0 =	sne.s32 s6, $0xFFFFFFFF  }
0x109: {  	s0 =	sadd.s32 $0x1, s0;
	s6 =	smov.u32 s7;
	s7 =	sadd.s32 $0x1, s7  }
0x10a: {  	p1 =	sne.s32 s2, s7;
	v1 =	vld.msk @!p0 [tilespmem:s0+$0x0], $0x1;
	_ =	sdelay $0x4  }
0x10b: {  	(v2sf) =	vpush @!p0 v1, $0x0;
	_ =	sdelay $0xe  }
.Ltmp12:
0x10c: {  	s9 =	spop @!p0 (v2sf);
	(pc) =	sbr.rel @p1 .LBB2_15-.Ltmp12, $4  }
0x10d: {  	p2 =	seq.s32 @!p0 s5, s9  }
0x10e: {  	p2 =	por !p2, p0  }
0x10f: {  	s6 =	simm.s32 @p2 $0xFFFFFFFF  }
0x110: {  	s6 =	smov.u32 @p0 s8  }
.LBB2_16:
0x111: {  	p0 =	sne.s32 s6, $0xFFFFFFFF  }
.Ltmp13:
0x112: {  	_ = 	snop;
	(pc) =	sbr.rel @!p0 .LBB2_17-.Ltmp13, $1  }
0x113: {  	_ =	sdelay $0x3  }
0x114: {  	v0 =	vld.msk [tilespmem:s4+$0xE0], $0x1;
	v1 =	vmov s6  }
.Ltmp14:
0x115: {  	_ = 	snop;
	(pc) =	sbr.rel .LBB2_19-.Ltmp14, $2  }
0x116: {  	_ =	sdelay $0x2  }
0x117: {  	[tilespmem:v1+s3+$0x0], v0 =	vst.idx.ret.add.f32.msk $0x1, v0  }
.LBB2_20:
0x118: {  	p0 =	slt.s32 s2, $0x1  }
.Ltmp15:
0x119: {  	_ = 	snop;
	(pc) =	sbr.rel @p0 .LBB2_24-.Ltmp15, $3  }
0x11a: {  	_ =	sdelay $0x1  }
0x11b: {  	s0 =	simm.s32 $0x6  }
0x11c: {  	s3 =	simm.s32 $0x0;
	[sflag:s0] =	ssyncpa.u1 $0x1  }
0x11d: {  	s0 =	simm.s32 $0xC0  }
0x11e: {  	v0 =	vld.msk [tilespmem:s0+$0x0], $0x1;
	_ =	sdelay $0x4  }
0x11f: {  	(v2sf) =	vpush v0, $0x0;
	_ =	sdelay $0xe  }
0x120: {  	s2 =	sadd.s32 $0xFFFFFFFF, s2;
	s4 =	spop (v2sf)  }
0x121: {  	p1 =	sne.s32 s2, $0x0;
	p0 =	sgt.u32 s4, $0x27FF  }
.Ltmp16:
0x122: {  	s5 =	sshrl.u32 @!p0 s4, $0x3;
	(pc) =	sbr.rel @!p1 .LBB2_23-.Ltmp16, $4  }
0x123: {  	s0 =	simm.s32 $0xE0;
	s4 =	sand.u32 @!p0 $0x7, s4;
	s5 =	sadd.s32 @!p0 s1, s5  }
0x124: {  	[hbm4b:s5+s4] =	stream.linear.scatter @!p0 [tilespmem:s0], [sflag:$0x5], $0x1, $0x38;
	[tilespmem:$0x11A60] =	vst v63  }
0x125: {  	s5 =	simm.s32 $0x0  }
0x126: {  	s4 =	simm.s32 $0xC1;
	s5 =	simm.s32 @!p0 $0x4  }
.LBB2_22:
0x127: {  	v0 =	vld.msk [tilespmem:s4+$0x0], $0x1;
	s2 =	sadd.s32 $0xFFFFFFFF, s2;
	s3 =	sadd.s32 s3, s5  }
0x128: {  	p0 =	sne.s32 s2, $0x0;
	_ =	sdelay $0x3  }
0x129: {  	(v2sf) =	vpush v0, $0x0;
	_ =	sdelay $0xe  }
.Ltmp17:
0x12a: {  	s6 =	spop (v2sf);
	(pc) =	sbr.rel @p0 .LBB2_22-.Ltmp17, $4  }
0x12b: {  	s5 =	simm.s32 $0x0;
	p1 =	sgt.u32 s6, $0x27FF  }
0x12c: {  	s0 =	sadd.s32 $0x1, s0;
	s5 =	simm.s32 @!p1 $0x4;
	s7 =	sshrl.u32 @!p1 s6, $0x3  }
0x12d: {  	s4 =	sadd.s32 $0x1, s4;
	s6 =	sand.u32 @!p1 $0x7, s6;
	s7 =	sadd.s32 @!p1 s1, s7  }
0x12e: {  	[hbm4b:s7+s6] =	stream.linear.scatter @!p1 [tilespmem:s0], [sflag:$0x5], $0x1, $0x38;
	[tilespmem:$0x11A60] =	vst v63  }
.LBB2_23:
0x12f: {  	s0 =	sadd.s32 s3, s5  }
0x130: {  	s3 =	sshrl.u32 s0, $0x2  }
.LBB2_24:
0x131: {  	s0 =	simm.s32 $0x5  }
0x132: {  	_ =	swait.ge [sflag:s0], s3  }
0x133: {  	s1 =	ssub.s32 $0x0, s3;
	[sflag:s0] =	ssyncset.done $0x0  }
0x134: {  	[sflag:s0] =	ssyncadd.s32 s1  }
0x135: {  	[sflag:s0] =	ssyncpa.u1 $0x1  }
0x136: {  	s29 =	simm.s32 $0x1;
	_ =	sfence  }
0x137: {  	s30 =	simm.s32 $0x2;
	[sflag:s29] =	ssyncpa.u1 $0x1  }
0x138: {  	[sflag:s30] =	ssyncpa.u1 $0x1  }
0x139: {  	_ =	strace $0x9000004A  }
0x13a: {  	[bflag:$0x2] =	sbarrier.arrive $0xFFFF  }
0x13b: {  	s31 =	rddreg [dreg:$0x1]  }
0x13c: {  	s0 =	sadd.s32 $0x100000, s31  }
0x13d: {  	[sflag:s0] =	ssyncadd.tile.s32 $0x1;
	_ =	shalt  }
.Lfunc_end2:
_tile_overlayer_lowered:
.L_overlay_start_2:
0x13e: {  	(tag) =	ssettag $0x2  }
0x13f: {  	s0 =	rddreg [dreg:$0x0];
	s2 =	stileid.u32  }
0x140: {  	s1 =	rddreg [dreg:$0x1];
	p0 =	sne.s32 s2, $0x0  }
0x141: {  	s3 =	rddreg [dreg:$0x2];
	[bflag:$0x3] =	sbarrier.arrive $0xFFFF;
	s2 =	simm.s32 @!p0 $0x1C01  }
0x142: {  	[timem:s3], [sflag:s2] =	dma.local @!p0 [hbm:s0], s1  }
0x143: {  	s0 =	simm.s32 @!p0 $0x1  }
0x144: {  	_ =	swait.ge @!p0 [sflag:s0], s1  }
0x145: {  	s1 =	ssub.s32 @!p0 $0x0, s1;
	[sflag:s0] =	ssyncset.done @!p0 $0x0  }
0x146: {  	[sflag:s0] =	ssyncadd.s32 @!p0 s1  }
0x147: {  	[bflag:$0x3] =	sbarrier.arrive $0xFFFF  }
0x148: {  	_ =	shalt  }

// kernel: scatter_offload_async_start
scs
__scs_entry_jumppad:
0x0: {  	(pc) =	sbr.rel $0x88, $3  }
0x1: {  	(tag) =	ssettag $0x0;
	lr =	simm.s32 $0x1  }
0x2: {  	[smem:$0x3F99] =	sst lr;
	_ =	strace $0xD0000000  }
0x3: {  	_ = 	snop  }
0x4: {  	_ = 	snop  }
0x5: {  	_ = 	snop  }
0x6: {  	_ = 	snop  }
0x7: {  	_ = 	snop  }
__scs_overlays_trampoline_lowered:
0x8: {  	[smem:$0x3FA8] =	sst s0  }
0x9: {  	[smem:$0x3FA9] =	sst s1  }
0xa: {  	[smem:$0x3FAA] =	sst s2  }
0xb: {  	[smem:$0x3FAB] =	sst s3  }
0xc: {  	[smem:$0x3FAC] =	sst s4  }
0xd: {  	[smem:$0x3FAD] =	sst s5  }
0xe: {  	[smem:$0x3FAE] =	sst s6  }
0xf: {  	[smem:$0x3FAF] =	sst s7  }
0x10: {  	[smem:$0x3FB0] =	sst s8  }
0x11: {  	[smem:$0x3FB1] =	sst s9;
	s0 =	simm.s32 @!p0 $0x0  }
0x12: {  	s1 =	sld [smem:$0x3F97];
	s0 =	simm.s32 @p0 $0x1  }
0x13: {  	[smem:$0x3FB2] =	sst s0;
	s0 =	simm.s32 @!p1 $0x0  }
0x14: {  	s2 =	sld [smem:$0x3F96];
	s0 =	simm.s32 @p1 $0x1  }
0x15: {  	[smem:$0x3FB3] =	sst s0;
	s0 =	simm.s32 @!p2 $0x0  }
0x16: {  	s3 =	sld [smem:$0x3FDB];
	s0 =	simm.s32 @p2 $0x1  }
0x17: {  	s4 =	simm.s32 $0x1BF5;
	[smem:$0x3FB5] =	sst s0  }
0x18: {  	s0 =	sld [smem:$0x3F98];
	_ =	swait.ge [sflag:s4], $0x0  }
0x19: {  	s7 =	sld [smem:$0x3F99]  }
0x1a: {  	s8 =	sadd.s32 $0xFFFFE003, lr  }
0x1b: {  	s9 =	sadd.s32 $0xFFFFFEF7, lr;
	s5 =	simm.s32 $0xFFFFFFFF;
	p2 =	slt.u32 s8, $0xFFFFF086  }
0x1c: {  	p1 =	slt.u32 s9, $0xF7A;
	s5 =	simm.s32 @!p2 $0x0  }
0x1d: {  	s5 =	simm.s32 @p1 $0x1;
	p0 =	seq.s32 s7, s2  }
0x1e: {  	s7 =	smul.u32 @!p0 $0xF7A, s2;
	p2 =	seq.s32 @!p0 s5, $0x0  }
0x1f: {  	s9 =	smul.u32 $0xF7A, s1;
	s8 =	simm.s32 @!p0 $0x1BF5;
	p2 =	por !p2, p0  }
0x20: {  	[sflag:s8] =	ssyncset.s32 @!p0 $0xFFFFF086;
	s6 =	sadd.s32 @!p0 s3, s7;
	s7 =	simm.s32 @!p0 $0x108  }
0x21: {  	s3 =	sadd.s32 s3, s9;
	s6 =	sadd.s32 @!p0 $0x88, s6;
	s7 =	simm.s32 @p2 $0x1082  }
0x22: {  	[simem:s7], [sflag:s8] =	dma.local @!p0 [hbm:s6], $0xF7A  }
0x23: {  	s9 =	sor.u32 $0xD0000000, s2;
	s6 =	simm.s32 $0x108;
	_ =	swait.ge @!p0 [sflag:s8], $0x0  }
0x24: {  	s3 =	sadd.s32 $0x88, s3;
	s6 =	simm.s32 @!p1 $0x1082;
	[sflag:s4] =	ssyncset.s32 $0xFFFFF086  }
0x25: {  	[simem:s6], [sflag:s4] =	dma.local [hbm:s3], $0xF7A  }
0x26: {  	[smem:$0x3F99] =	sst s1;
	(tag) =	ssettag s2;
	_ =	strace s9  }
0x27: {  	s1 =	sld [smem:$0x3FA9]  }
0x28: {  	s2 =	sld [smem:$0x3FAA]  }
0x29: {  	s4 =	sld [smem:$0x3FAC]  }
0x2a: {  	p0 =	seq.s32 s5, $0x0;
	s5 =	sld [smem:$0x3FAD]  }
0x2b: {  	s6 =	sld [smem:$0x3FAE]  }
0x2c: {  	s7 =	sld [smem:$0x3FAF]  }
0x2d: {  	s3 =	simm.s32 $0x108;
	s8 =	sld [smem:$0x3FB0]  }
0x2e: {  	s3 =	simm.s32 @!p0 $0x1082;
	s9 =	sld [smem:$0x3FB1]  }
0x2f: {  	lr =	sadd.s32 s0, s3;
	s0 =	sld [smem:$0x3FA8]  }
0x30: {  	s3 =	sld [smem:$0x3FAB]  }
0x31: {  	[smem:$0x3FB4] =	sst s10  }
0x32: {  	s10 =	sld [smem:$0x3FB2];
	_ =	sdelay $0x3  }
0x33: {  	p0 =	seq.s32 s10, $0x1;
	s10 =	sld [smem:$0x3FB4];
	_ =	sdelay $0x3  }
0x34: {  	[smem:$0x3FB4] =	sst s10  }
0x35: {  	s10 =	sld [smem:$0x3FB3];
	_ =	sdelay $0x3  }
0x36: {  	p1 =	seq.s32 s10, $0x1;
	s10 =	sld [smem:$0x3FB4];
	_ =	sdelay $0x3  }
0x37: {  	[smem:$0x3FB4] =	sst s10  }
0x38: {  	s10 =	sld [smem:$0x3FB5]  }
0x39: {  	_ = 	snop;
	(pc) =	sbr.ind lr, $3  }
0x3a: {  	_ = 	snop  }
0x3b: {  	_ = 	snop  }
0x3c: {  	p2 =	seq.s32 s10, $0x1;
	s10 =	sld [smem:$0x3FB4]  }
0x3d: {  	_ =	shalt  }
0x3e: {  	_ =	shalt  }
0x3f: {  	_ =	shalt  }
0x40: {  	_ =	shalt  }
0x41: {  	_ =	shalt  }
0x42: {  	_ =	shalt  }
0x43: {  	_ =	shalt  }
0x44: {  	_ =	shalt  }
0x45: {  	_ =	shalt  }
0x46: {  	_ =	shalt  }
0x47: {  	_ =	shalt  }
0x48: {  	_ =	shalt  }
0x49: {  	_ =	shalt  }
0x4a: {  	_ =	shalt  }
0x4b: {  	_ =	shalt  }
0x4c: {  	_ =	shalt  }
0x4d: {  	_ =	shalt  }
0x4e: {  	_ =	shalt  }
0x4f: {  	_ =	shalt  }
0x50: {  	_ =	shalt  }
0x51: {  	_ =	shalt  }
0x52: {  	_ =	shalt  }
0x53: {  	_ =	shalt  }
0x54: {  	_ =	shalt  }
0x55: {  	_ =	shalt  }
0x56: {  	_ =	shalt  }
0x57: {  	_ =	shalt  }
0x58: {  	_ =	shalt  }
0x59: {  	_ =	shalt  }
0x5a: {  	_ =	shalt  }
0x5b: {  	_ =	shalt  }
0x5c: {  	_ =	shalt  }
0x5d: {  	_ =	shalt  }
0x5e: {  	_ =	shalt  }
0x5f: {  	_ =	shalt  }
0x60: {  	_ =	shalt  }
0x61: {  	_ =	shalt  }
0x62: {  	_ =	shalt  }
0x63: {  	_ =	shalt  }
0x64: {  	_ =	shalt  }
0x65: {  	_ =	shalt  }
0x66: {  	_ =	shalt  }
0x67: {  	_ =	shalt  }
0x68: {  	_ =	shalt  }
0x69: {  	_ =	shalt  }
0x6a: {  	_ =	shalt  }
0x6b: {  	_ =	shalt  }
0x6c: {  	_ =	shalt  }
0x6d: {  	_ =	shalt  }
0x6e: {  	_ =	shalt  }
0x6f: {  	_ =	shalt  }
0x70: {  	_ =	shalt  }
0x71: {  	_ =	shalt  }
0x72: {  	_ =	shalt  }
0x73: {  	_ =	shalt  }
0x74: {  	_ =	shalt  }
0x75: {  	_ =	shalt  }
0x76: {  	_ =	shalt  }
0x77: {  	_ =	shalt  }
0x78: {  	_ =	shalt  }
0x79: {  	_ =	shalt  }
0x7a: {  	_ =	shalt  }
0x7b: {  	_ =	shalt  }
0x7c: {  	_ =	shalt  }
0x7d: {  	_ =	shalt  }
0x7e: {  	_ =	shalt  }
0x7f: {  	_ =	shalt  }
0x80: {  	_ =	shalt  }
0x81: {  	_ =	shalt  }
0x82: {  	_ =	shalt  }
0x83: {  	_ =	shalt  }
0x84: {  	_ =	shalt  }
0x85: {  	_ =	shalt  }
0x86: {  	_ =	shalt  }
0x87: {  	_ =	shalt  }
.Lfunc_end0:
.L_simem_size_0:
called_computation_lowered:
.L_overlay_start_0:
0x88: {  	s2 =	sld [smem:$0x3FD9]  }
0x89: {  	s3 =	sld [smem:$0x3FFE];
	_ =	sdelay $0x1  }
0x8a: {  	s1 =	srdreg.scid  }
0x8b: {  	s0 =	sand.u32 $0x1, s1  }
0x8c: {  	s17 =	sshll.u32 s0, $0xA;
	s2 =	sadd.s32 s3, s2  }
0x8d: {  	s2 =	sadd.s32 s2, s17  }
0x8e: {  	[smem:$0x3FC0] =	sst s2  }
0x8f: {  	_ = 	snop  }
0x90: {  	s18 =	sld [smem:$0x3FD0];
	(tm) =	ssettm $0x1  }
0x91: {  	s19 =	sld [smem:$0x3FFB];
	_ =	sdelay $0x3  }
0x92: {  	_ =	strace s19  }
0x93: {  	s2 =	sld [smem:$0x3FFC];
	_ =	sdelay $0x3  }
0x94: {  	_ =	strace s2  }
0x95: {  	s2 =	sld [smem:$0x3FFD];
	_ =	sdelay $0x3  }
0x96: {  	_ =	strace s2  }
0x97: {  	_ =	strace $0x8FFFFFFF  }
0x98: {  	s20 =	sld [smem:$0x3FDB];
	_ =	sdelay $0x1  }
0x99: {  	s4 =	simm.s32 $_scs_section_size  }
0x9a: {  	s5 =	simm.s32 $_size__tile_overlayer_lowered;
	s6 =	simm.s32 $_tile_overlayer_lowered  }
0x9b: {  	s7 =	simm.s32 $0x1BFF;
	s21 =	sshll.u32 s6, $0x1;
	s4 =	sadd.s32 s4, s20  }
0x9c: {  	s22 =	simm.s32 $0x0;
	s5 =	sshll.u32 s5, $0x1;
	s6 =	sadd.s32 s21, s4  }
0x9d: {  	[timem:s22], [sflag:s7] =	dma.local [hbm:s6], s5  }
0x9e: {  	_ =	swait.ge [sflag:s7], s5  }
0x9f: {  	s5 =	ssub.s32 $0x0, s5;
	[sflag:s7] =	ssyncset.done $0x0  }
0xa0: {  	[sflag:s7] =	ssyncadd.s32 s5;
	_ =	sdelay $0x1  }
0xa1: {  	s23 =	simm.s32 $0x1B8B  }
0xa2: {  	_ =	swait.ge [sflag:s23], $0x1  }
0xa3: {  	[sflag:s23] =	ssyncset.done $0x0  }
0xa4: {  	[sflag:s23] =	ssyncadd.s32 $0xFFFFFFFF  }
0xa5: {  	s5 =	sld [smem:$0x0]  }
0xa6: {  	s6 =	sand.u32 $0xFFFFFFFE, s1  }
0xa7: {  	p0 =	sne.s32 s1, s6  }
0xa8: {  	s6 =	sshll.u32 @p0 s6, $0xE  }
0xa9: {  	s6 =	sadd.s32 @p0 $0x11B8D, s6;
	s7 =	sshll.u32 @p0 s5, $0x11  }
0xaa: {  	s6 =	sor.u32 @p0 s7, s6  }
0xab: {  	[sflag:s6] =	ssyncadd.remote.s32 @p0 $0x1;
	_ =	sdelay $0x1  }
0xac: {  	s6 =	simm.s32 @p0 $0x1B8D  }
0xad: {  	_ =	swait.eq @p0 [sflag:s6], $0x1  }
0xae: {  	[sflag:s6] =	ssyncadd.s32 @p0 $0xFFFFFFFF  }
0xaf: {  	s7 =	sshll.u32 @!p0 s1, $0xE  }
0xb0: {  	s7 =	sor.u32 @!p0 $0x4000, s7;
	s6 =	simm.s32 @!p0 $0x1B8D  }
0xb1: {  	s8 =	sshll.u32 @!p0 s5, $0x11;
	s7 =	sadd.s32 @!p0 $0x11B8D, s7;
	_ =	swait.eq @!p0 [sflag:s6], $0x1  }
0xb2: {  	[sflag:s6] =	ssyncadd.s32 @!p0 $0xFFFFFFFF;
	s6 =	sor.u32 @!p0 s8, s7  }
0xb3: {  	s25 =	simm.s32 $0x1B8E;
	s24 =	sld [smem:$0x3FFE];
	[sflag:s6] =	ssyncadd.remote.s32 @!p0 $0x1  }
0xb4: {  	s26 =	simm.s32 $execute0_lowered;
	[smem:$0x3FD2] =	sst s25  }
0xb5: {  	s7 =	sshll.u32 s26, $0x1;
	_ =	strace $0x8000004C;
	[dreg:$0x1] =	wrdreg $0xFFFFFFFF  }
0xb6: {  	s28 =	simm.s32 $_size_execute0_lowered;
	s4 =	sadd.s32 s4, s7;
	[dreg:$0x0] =	wrdreg $0x0  }
0xb7: {  	s7 =	sshll.u32 s28, $0x1;
	[dreg:$0x2] =	wrdreg s4  }
0xb8: {  	[dreg:$0x3] =	wrdreg s7  }
0xb9: {  	[dreg:$0x4] =	wrdreg $0xC0  }
0xba: {  	_ =	task [dreg:s22], $0x5FFFF  }
0xbb: {  	[dreg:$0x1] =	wrdreg $0xFFFFFFFF  }
0xbc: {  	[dreg:$0x0] =	wrdreg $0x60  }
0xbd: {  	[dreg:$0x2] =	wrdreg s18  }
0xbe: {  	[dreg:$0x3] =	wrdreg s24  }
0xbf: {  	[dreg:$0x4] =	wrdreg s1  }
0xc0: {  	[dreg:$0x5] =	wrdreg s5  }
0xc1: {  	[dreg:$0x6] =	wrdreg $0xA  }
0xc2: {  	_ =	task.clear_ibuf [dreg:s22], $0x7FFFF;
	_ =	strace $0x9000004C  }
0xc3: {  	s29 =	simm.s32 $0xA;
	_ =	strace $0x8000004E  }
0xc4: {  	_ =	swait.ge [sflag:s29], $0x1  }
0xc5: {  	[sflag:s29] =	ssyncadd.s32 $0xFFFFFFFF  }
0xc6: {  	_ =	strace $0x9000004E  }
0xc7: {  	_ =	sfence  }
0xc8: {  	s30 =	sld [smem:$0x0];
	_ =	sdelay $0x2  }
0xc9: {  	s31 =	sshll.u32 s1, $0xD;
	s1 =	sshrl.u32 s1, $0x2  }
0xca: {  	s4 =	sand.u32 $0x4000, s31;
	s1 =	sadd.s32 s1, s30  }
0xcb: {  	s0 =	sor.u32 s4, s0;
	s1 =	sshll.u32 s1, $0x11  }
0xcc: {  	s0 =	sor.u32 s1, s0  }
0xcd: {  	s0 =	sadd.s32 $0x8F2B, s0  }
0xce: {  	[sflag:s0] =	ssyncadd.remote.s32 $0x1  }
0xcf: {  	_ =	sfence.sel $0xFFFF  }
0xd0: {  	[dreg:$0x0] =	wrdreg $0xFFFFFFFF;
	(pc) =	sbr.abs _section_cstart, $3  }
0xd1: {  	[dreg:$0x1] =	wrdreg $0xFFFFFFFF  }
0xd2: {  	_ =	task.clear_ibuf [dreg:s22], $0x2FFFF;
	_ =	strace $0x9FFFFFFF  }
0xd3: {  	(tm) =	ssettm $0x7FFFFFFF  }
tec
execute0_lowered:
.L_overlay_start_1:
0x0: {  	(tag) =	ssettag $0x1  }
0x1: {  	s1 =	rddreg [dreg:$0x0]  }
0x2: {  	s2 =	rddreg [dreg:$0x1]  }
0x3: {  	s3 =	rddreg [dreg:$0x2];
	_ =	strace $0x8000004D;
	s0 =	simm.s32 $0x1  }
0x4: {  	v0 =	vimm.s32 $0x0;
	[sflag:s0] =	ssyncpa.u1 $0x0;
	s0 =	simm.s32 $0x108  }
0x5: {  	[tilespmem:s0+$0x70] =	vst v0  }
0x6: {  	[tilespmem:s0+$0x60] =	vst v0  }
0x7: {  	[tilespmem:s0+$0x50] =	vst v0  }
0x8: {  	[tilespmem:s0+$0x40] =	vst v0  }
0x9: {  	[tilespmem:s0+$0x30] =	vst v0  }
0xa: {  	s15 =	sadd.s32 $0x51CE00, s2;
	s6 =	sadd.s32 $0x3AE00, s2;
	[tilespmem:s0+$0x20] =	vst v0  }
0xb: {  	s14 =	sadd.s32 $0x526C00, s2;
	s5 =	sand.u32 $0x1, s3;
	s3 =	simm.s32 $0x40;
	[tilespmem:s0+$0x10] =	vst v0  }
.LBB2_1:
0xc: {  	s3 =	sadd.s32 $0x40, s3;
	[tilespmem:s0+$0x0] =	vst v0;
	s0 =	sadd.s32 $0x80, s0  }
0xd: {  	p0 =	slt.u32 s3, $0x3C40;
	[tilespmem:s0+$0x70] =	vst v0  }
0xe: {  	[tilespmem:s0+$0x60] =	vst v0  }
.Ltmp0:
0xf: {  	[tilespmem:s0+$0x50] =	vst v0;
	(pc) =	sbr.rel @p0 .LBB2_1-.Ltmp0, $4  }
0x10: {  	[tilespmem:s0+$0x40] =	vst v0  }
0x11: {  	[tilespmem:s0+$0x30] =	vst v0  }
0x12: {  	[tilespmem:s0+$0x20] =	vst v0  }
0x13: {  	[tilespmem:s0+$0x10] =	vst v0  }
0x14: {  	s9 =	stileid.u32  }
0x15: {  	s2 =	smul.u32 $0x29, s9  }
0x16: {  	s3 =	smin.u32 s9, $0xB  }
0x17: {  	s2 =	sadd.s32 s3, s2  }
0x18: {  	p0 =	slt.u32 s9, $0xB;
	s7 =	smul.u32 $0xF0, s2;
	s2 =	simm.s32 $0x2760  }
0x19: {  	s2 =	simm.s32 @!p0 $0x2670  }
0x1a: {  	s2 =	sadd.s32 s2, s7  }
0x1b: {  	s8 =	smin.u32 s2, $0x27100  }
0x1c: {  	s2 =	ssub.s32 s8, s7  }
0x1d: {  	p0 =	sgt.s32 s2, $0x0  }
0x1e: {  	s29 =	simm.s32 $0x2;
	s10 =	simm.s32 $0x9;
	s2 =	simm.s32 @!p0 $0x0  }
0x1f: {  	s4 =	simm.s32 $0xA;
	s11 =	simm.s32 $0xB;
	s28 =	smulhi.u32 $0x88888889, s2  }
0x20: {  	[dreg:$0x5] =	wrdreg s5;
	s31 =	smul.u32 $0x4E20, s5;
	s12 =	simm.s32 $0x1  }
0x21: {  	s22 =	simm.s32 $0x0;
	s18 =	simm.s32 $0xC;
	s30 =	sshrl.u32 s28, $0x7  }
0x22: {  	s20 =	simm.s32 $0x0;
	s21 =	simm.s32 $0x0;
	s3 =	smul.u32 $0xF0, s30  }
.Ltmp1:
0x23: {  	[tilespmem:s0+$0x0] =	vst v0;
	v0 =	vimm.s32 $0xFFFFFFFF;
	[sflag:s29] =	ssyncpa.u1 $0x0;
	s16 =	sshll.u32 s9, $0x8;
	(pc) =	sbr.rel .LBB2_3-.Ltmp1, $4  }
0x24: {  	[tilespmem:$0xF208] =	vst v0;
	[sflag:s10] =	ssyncpa.u1 $0x0;
	p0 =	sne.s32 s2, s3;
	s2 =	simm.s32 $0x1  }
0x25: {  	s14 =	sadd.s32 s31, s14;
	[sflag:s4] =	ssyncpa.u1 $0x0;
	s2 =	simm.s32 @!p0 $0x0  }
0x26: {  	s15 =	sadd.s32 s31, s15;
	[sflag:s11] =	ssyncpa.u1 $0x0;
	s13 =	sadd.s32 s2, s30  }
0x27: {  	v0 =	vlaneseq.u32;
	s19 =	smov.u32 s7;
	p0 =	por $0x0, $0x0;
	s17 =	sadd.s32 $0x1, s13  }
.LBB2_18:
0x28: {  	s0 =	sshrl.u32 s31, $0x2  }
.LBB2_20:
0x29: {  	_ =	swait.ge [sflag:s18], s0  }
0x2a: {  	s31 =	ssub.s32 $0x0, s0;
	v1 =	vmov s24;
	vm0 =	veq.s32 v0, $0x0;
	[sflag:s18] =	ssyncset.done $0x0  }
0x2b: {  	vm15 =	veq.s32 v0, $0x2;
	v1 =	vsel vm0, s30, v1;
	[sflag:s18] =	ssyncadd.s32 s31  }
0x2c: {  	v1 =	vsel vm15, s22, v1;
	[sflag:s18] =	ssyncpa.u1 $0x1  }
0x2d: {  	[tilespmem:$0xF208] =	vst v1  }
.LBB2_21:
0x2e: {  	s0 =	sadd.s32 $0xF0, s19  }
0x2f: {  	s2 =	smov.u32 s7;
	p1 =	slt.s32 s0, s8  }
0x30: {  	s2 =	smov.u32 @p1 s0;
	p1 =	sne.s32 s21, s17  }
.Ltmp2:
0x31: {  	_ = 	snop;
	(pc) =	sbr.rel @!p1 .LBB2_22-.Ltmp2, $3  }
0x32: {  	_ =	sdelay $0x1  }
0x33: {  	s22 =	smov.u32 s20;
	s31 =	sadd.s32 $0x1, s21;
	s20 =	smov.u32 s19  }
0x34: {  	p0 =	por !p0, !p0;
	s21 =	smov.u32 s31;
	s19 =	smov.u32 s2  }
.LBB2_3:
0x35: {  	p1 =	sge.u32 s21, s13  }
0x36: {  	s0 =	smulhi.u32 @!p1 $0xAAAAAAAB, s21  }
0x37: {  	s2 =	smov.u32 s19;
	p2 =	sgt.s32 @!p1 s19, $0x27010  }
0x38: {  	s3 =	sshra.s32 @!p1 s19, $0x1F;
	p2 =	por !p2, p1;
	s0 =	sshrl.u32 @!p1 s0, $0x1  }
0x39: {  	s3 =	sand.u32 @!p1 s3, s19;
	s2 =	simm.s32 @p2 $0x27010;
	s0 =	smul.u32 @!p1 $0x3, s0  }
0x3a: {  	s2 =	ssub.s32 @!p1 s2, s3  }
0x3b: {  	s2 =	sadd.s32 @!p1 $0xFFFD8FF0, s2;
	s0 =	ssub.s32 @!p1 s21, s0  }
0x3c: {  	s3 =	sshll.u32 @!p1 s2, $0x2;
	p2 =	sgt.s32 @!p1 s2, $0xEF;
	s0 =	smul.u32 @!p1 $0x3C0, s0  }
0x3d: {  	s4 =	sand.u32 @!p1 $0x7, s19;
	s2 =	ssub.s32 @!p1 $0x3C0, s3;
	p2 =	por !p2, p1  }
0x3e: {  	s3 =	sshrl.u32 @!p1 s19, $0x3;
	s2 =	sshrl.u32 @!p1 s2, $0x2;
	s0 =	sshrl.u32 @!p1 s0, $0x2  }
0x3f: {  	s3 =	sadd.s32 @!p1 s3, s14;
	s2 =	simm.s32 @!p2 $0x0;
	s0 =	sadd.s32 @!p1 $0x10248, s0  }
0x40: {  	[tilespmem:s0], [sflag:$0xA] =	stream.linear.gather @!p1 [hbm4b:s3+s4], s2, $0x38;
	[tilespmem:$0x1F6F8] =	vst v63  }
0x41: {  	s0 =	sadd.s32 $0xFFFFFFFF, s21  }
0x42: {  	p1 =	sge.u32 s0, s13  }
0x43: {  	p2 =	sgt.s32 @!p1 s20, $0x27010  }
0x44: {  	s2 =	smov.u32 s20;
	s3 =	sshra.s32 @!p1 s20, $0x1F;
	p2 =	por !p2, p1  }
0x45: {  	s3 =	sand.u32 @!p1 s3, s20;
	s2 =	simm.s32 @p2 $0x27010  }
0x46: {  	s2 =	ssub.s32 @!p1 s2, s3  }
0x47: {  	s2 =	sadd.s32 @!p1 $0xFFFD8FF0, s2  }
0x48: {  	s4 =	sand.u32 @!p1 $0x1, s0;
	s3 =	sshll.u32 @!p1 s2, $0x2  }
0x49: {  	p2 =	sgt.s32 @!p1 s2, $0xEF;
	s2 =	ssub.s32 @!p1 $0x3C0, s3;
	s3 =	smulhi.u32 @!p1 $0xAAAAAAAB, s0  }
0x4a: {  	s23 =	smul.u32 @!p1 $0x3C0, s4;
	p2 =	por !p2, p1;
	s2 =	sshrl.u32 @!p1 s2, $0x2  }
0x4b: {  	s5 =	simm.s32 @!p1 $0xA;
	s2 =	simm.s32 @!p2 $0x0;
	s3 =	sshrl.u32 @!p1 s3, $0x1  }
0x4c: {  	s23 =	sshrl.u32 @!p1 s23, $0x2;
	_ =	swait.ge @!p1 [sflag:s5], s2;
	s3 =	smul.u32 @!p1 $0x3, s3  }
0x4d: {  	s23 =	sadd.s32 @!p1 $0x10518, s23;
	s24 =	ssub.s32 @!p1 $0x0, s2;
	[sflag:s5] =	ssyncset.done @!p1 $0x0  }
0x4e: {  	[sflag:s5] =	ssyncadd.s32 @!p1 s24;
	s5 =	sshrl.u32 @!p1 s20, $0x3;
	s0 =	ssub.s32 @!p1 s0, s3  }
0x4f: {  	s24 =	sand.u32 @!p1 $0x7, s20;
	s5 =	sadd.s32 @!p1 s5, s15;
	s0 =	smul.u32 @!p1 $0x3C0, s0  }
0x50: {  	[tilespmem:s23], [sflag:$0xB] =	stream.linear.gather @!p1 [hbm4b:s5+s24], s2, $0x38;
	[tilespmem:$0x1F6F8] =	vst v63  }
0x51: {  	s3 =	ssub.s32 @!p1 $0x27100, s20;
	s2 =	smul.u32 @!p1 $0x1E000, s4  }
0x52: {  	p2 =	slt.s32 @!p1 s3, $0xF0  }
0x53: {  	p2 =	por !p2, p1;
	s0 =	sshrl.u32 @!p1 s0, $0x2;
	s2 =	sshrl.u32 @!p1 s2, $0x2  }
0x54: {  	s3 =	simm.s32 @p2 $0xF0;
	s0 =	sadd.s32 @!p1 $0x10248, s0;
	s2 =	sor.u32 @!p1 $0x106F8, s2  }
0x55: {  	[tilespmem:s2], [sflag:$0x9] =	stream.indirect.gather @!p1 [hbm4b:s6+s3], $0x80, s0, s3, $0xb8;
	[tilespmem:$0x1F6F8] =	vst v63  }
0x56: {  	p1 =	slt.u32 s21, $0x2  }
.Ltmp3:
0x57: {  	_ = 	snop;
	(pc) =	sbr.rel @p1 .LBB2_21-.Ltmp3, $1  }
0x58: {  	_ =	sdelay $0x3  }
0x59: {  	p1 =	sgt.s32 s22, $0x27010  }
0x5a: {  	s0 =	smov.u32 s22;
	s2 =	sshra.s32 s22, $0x1F;
	s3 =	ssub.s32 $0x27100, s22  }
0x5b: {  	s0 =	simm.s32 @!p1 $0x27010;
	s2 =	sand.u32 s2, s22;
	p1 =	slt.s32 s3, $0xF0  }
0x5c: {  	s0 =	ssub.s32 s0, s2;
	s3 =	simm.s32 @!p1 $0xF0  }
0x5d: {  	s0 =	sadd.s32 $0xFFFD8FF0, s0;
	s25 =	sshll.u32 s3, $0x7  }
0x5e: {  	s26 =	sshll.u32 s0, $0x2;
	s2 =	sand.u32 $0x3FFFFF80, s25  }
0x5f: {  	p1 =	sgt.s32 s0, $0xEF;
	s29 =	ssub.s32 $0x3C0, s26;
	_ =	swait.ge [sflag:s10], s2  }
0x60: {  	s2 =	ssub.s32 $0x0, s2;
	[sflag:s10] =	ssyncset.done $0x0;
	s0 =	sshrl.u32 s29, $0x2  }
0x61: {  	[sflag:s10] =	ssyncadd.s32 s2;
	s0 =	simm.s32 @p1 $0x0  }
0x62: {  	_ =	swait.ge [sflag:s11], s0  }
0x63: {  	s0 =	ssub.s32 $0x0, s0;
	[sflag:s11] =	ssyncset.done $0x0  }
0x64: {  	[sflag:s11] =	ssyncadd.s32 s0  }
0x65: {  	v1 =	vld [tilespmem:$0xF208];
	_ =	sdelay $0x4  }
0x66: {  	(v2sf) =	vpush v1, $0x0  }
0x67: {  	(v2sf) =	vpush v1, $0x1  }
0x68: {  	(v2sf) =	vpush v1, $0x2;
	_ =	sdelay $0x3  }
0x69: {  	s0 =	sadd.s32 $0xF0, s22  }
0x6a: {  	s2 =	ssub.s32 $0x4E200, s22;
	p1 =	slt.s32 s8, s0  }
0x6b: {  	s0 =	smov.u32 @p1 s8;
	p1 =	sgt.s32 s2, $0x0  }
0x6c: {  	s26 =	ssub.s32 s0, s22;
	s2 =	simm.s32 @!p1 $0x0  }
0x6d: {  	p1 =	slt.s32 s2, s26  }
0x6e: {  	s26 =	smov.u32 @p1 s2  }
0x6f: {  	s25 =	simm.s32 $0x1;
	p1 =	slt.s32 s26, $0x1  }
.Ltmp4:
0x70: {  	s25 =	simm.s32 @!p0 $0x0;
	(pc) =	sbr.rel @p1 .LBB2_8-.Ltmp4, $4  }
0x71: {  	s31 =	smul.u32 $0x3C0, s25  }
0x72: {  	s28 =	spop (v2sf)  }
0x73: {  	s0 =	sshrl.u32 s31, $0x2;
	s30 =	spop (v2sf)  }
0x74: {  	s23 =	sadd.s32 $0x10518, s0;
	s22 =	spop (v2sf)  }
0x75: {  	s0 =	smin.u32 s26, $0x10  }
0x76: {  	v1 =	vmov s0  }
0x77: {  	p2 =	sgt.s32 s26, $0x10;
	vm1 =	vgt.u32 v1, v0  }
.Ltmp5:
0x78: {  	_ = 	snop;
	(pc) =	sbr.rel @!p2 .LBB2_7-.Ltmp5, $2  }
0x79: {  	_ =	sdelay $0x2  }
0x7a: {  	s4 =	simm.s32 $0x10;
	s24 =	sadd.s32 $0xFFFFFFF0, s26;
	s0 =	smov.u32 s23;
	vm0 =	vmmov vm1  }
.LBB2_6:
0x7b: {  	s2 =	smin.u32 s24, $0x10;
	s4 =	sadd.s32 $0x10, s4;
	v1 =	vld.msk [tilespmem:s0+$0x0 ss:$0x1], vm1  }
0x7c: {  	v2 =	vmov s2;
	p2 =	slt.s32 s4, s26  }
0x7d: {  	vm1 =	vgt.u32 v2, v0  }
.Ltmp6:
0x7e: {  	(pc) =	sbr.rel @p2 .LBB2_6-.Ltmp6, $3  }
0x7f: {  	_ =	sdelay $0x1  }
0x80: {  	v1 =	vshll.u32 v1, $0x4  }
0x81: {  	s24 =	sadd.s32 $0xFFFFFFF0, s24;
	[tilespmem:s0+$0x0] =	vst.msk vm0, v1;
	s0 =	sadd.s32 $0x10, s0;
	vm0 =	vmmov vm1  }
.LBB2_7:
0x82: {  	_ =	sdelay $0x4  }
0x83: {  	v1 =	vld.msk [tilespmem:s0+$0x0 ss:$0x1], vm1;
	_ =	sdelay $0x4  }
0x84: {  	v1 =	vshll.u32 v1, $0x4  }
0x85: {  	[tilespmem:s0+$0x0] =	vst.msk vm0, v1  }
.LBB2_8:
0x86: {  	s0 =	sand.u32 $0x1, s21  }
0x87: {  	s0 =	smul.u32 $0xF0, s0  }
0x88: {  	p2 =	sne.s32 s30, $0xFFFFFFFF  }
0x89: {  	v1 =	vld.msk @!p2 [tilespmem:s0+$0x10518], $0x1;
	_ =	sdelay $0x4  }
0x8a: {  	(v2sf) =	vpush @!p2 v1, $0x0;
	_ =	sdelay $0xc  }
.Ltmp7:
0x8b: {  	_ = 	snop;
	(pc) =	sbr.rel @p1 .LBB2_19-.Ltmp7, $4  }
0x8c: {  	_ = 	snop  }
0x8d: {  	s29 =	spop @!p2 (v2sf)  }
0x8e: {  	s22 =	simm.s32 @!p2 $0x0;
	s24 =	smov.u32 s29  }
0x8f: {  	[sflag:s18] =	ssyncpa.u1 $0x0;
	s29 =	smov.u32 @p2 s28;
	s24 =	smov.u32 @p2 s30  }
0x90: {  	v1 =	vld.msk [tilespmem:s23+$0x0], $0x1;
	_ =	sdelay $0x4  }
0x91: {  	(v2sf) =	vpush v1, $0x0;
	_ =	sdelay $0xe  }
0x92: {  	s2 =	smul.u32 $0x1E000, s25;
	s0 =	spop (v2sf)  }
0x93: {  	s26 =	ssub.s32 $0x0, s26;
	p1 =	seq.s32 s29, s0  }
0x94: {  	s30 =	sadd.s32 $0x1, s26;
	s2 =	sshrl.u32 s2, $0x2;
	p2 =	sgt.s32 @!p1 s29, $0x0  }
0x95: {  	s25 =	sor.u32 $0x10738, s2;
	s2 =	smov.u32 s29;
	p2 =	por !p2, p1  }
0x96: {  	s2 =	simm.s32 @p2 $0x0;
	p2 =	seq.s32 s30, $0x0  }
.Ltmp8:
0x97: {  	_ = 	snop;
	(pc) =	sbr.rel @p2 .LBB2_11-.Ltmp8, $4  }
0x98: {  	_ = 	snop  }
0x99: {  	s28 =	simm.s32 $0x0;
	s31 =	sadd.s32 $0x1, s23;
	s2 =	smin.u32 @!p1 s2, $0x270F0  }
0x9a: {  	s4 =	simm.s32 @!p1 $0x1;
	s5 =	simm.s32 @!p1 $0x7988;
	s3 =	sand.u32 @!p1 $0x3FFF8, s2  }
0x9b: {  	s4 =	smov.u32 @p1 s28;
	s2 =	sand.u32 @!p1 $0x7, s2;
	s3 =	sadd.s32 @!p1 s1, s3  }
.LBB2_10:
0x9c: {  	s9 =	smov.u32 s4  }
0x9d: {  	[tilespmem:s5], [sflag:$0x2] =	stream.linear.gather @!p1 [hbm4b:s3+s2], $0x80, $0x38;
	[tilespmem:$0x1F6F8] =	vst v63  }
0x9e: {  	s30 =	sadd.s32 $0x1, s30;
	s2 =	smov.u32 s0;
	v1 =	vld.msk [tilespmem:s31+$0x0], $0x1  }
0x9f: {  	p2 =	seq.s32 s30, $0x0;
	_ =	sdelay $0x3  }
0xa0: {  	(v2sf) =	vpush v1, $0x0;
	_ =	sdelay $0xe  }
0xa1: {  	s0 =	spop (v2sf)  }
0xa2: {  	p1 =	seq.s32 s2, s0  }
0xa3: {  	p3 =	sgt.s32 @!p1 s2, $0x0;
	s3 =	sshll.u32 @!p1 s4, $0x9;
	s4 =	sadd.s32 @!p1 $0x1, s4  }
.Ltmp9:
0xa4: {  	p3 =	por !p3, p1;
	s3 =	sshra.s32 @!p1 s3, $0x2;
	(pc) =	sbr.rel @!p2 .LBB2_10-.Ltmp9, $4  }
0xa5: {  	s4 =	smov.u32 @p1 s9;
	s2 =	simm.s32 @p3 $0x0;
	s5 =	sadd.s32 @!p1 $0x7988, s3  }
0xa6: {  	s2 =	smin.u32 @!p1 s2, $0x270F0  }
0xa7: {  	s3 =	sand.u32 @!p1 $0x3FFF8, s2;
	s2 =	sand.u32 @!p1 $0x7, s2  }
0xa8: {  	s31 =	sadd.s32 $0x1, s31;
	s3 =	sadd.s32 @!p1 s1, s3  }
.LBB2_11:
0xa9: {  	[tilespmem:s5], [sflag:$0x2] =	stream.linear.gather @!p1 [hbm4b:s3+s2], $0x80, $0x38;
	[tilespmem:$0x1F6F8] =	vst v63  }
.Ltmp10:
0xaa: {  	s0 =	sshll.u32 s4, $0x7;
	(pc) =	sbr.rel .LBB2_12-.Ltmp10, $4  }
0xab: {  	s30 =	simm.s32 $0x2;
	s0 =	sand.u32 $0x3FFFFF80, s0  }
0xac: {  	_ =	swait.ge [sflag:s30], s0  }
0xad: {  	s0 =	ssub.s32 $0x0, s0;
	[sflag:s30] =	ssyncset.done $0x0  }
0xae: {  	s31 =	simm.s32 $0x0;
	[sflag:s30] =	ssyncadd.s32 s0  }
.LBB2_13:
0xaf: {  	v1 =	vld [tilespmem:s25+$0xFFFFFFC0];
	_ =	sdelay $0x3  }
0xb0: {  	s0 =	sshra.s32 s0, $0x2  }
0xb1: {  	[tilespmem:s0+$0x108] =	vst.add.f32.msk $0xffff, v1  }
0xb2: {  	v1 =	vld [tilespmem:s25+$0xFFFFFFD0];
	_ =	sdelay $0x4  }
0xb3: {  	[tilespmem:s0+$0x118] =	vst.add.f32.msk $0xffff, v1  }
0xb4: {  	v1 =	vld [tilespmem:s25+$0xFFFFFFE0];
	_ =	sdelay $0x4  }
0xb5: {  	[tilespmem:s0+$0x128] =	vst.add.f32.msk $0xffff, v1  }
0xb6: {  	v1 =	vld [tilespmem:s25+$0xFFFFFFF0];
	_ =	sdelay $0x4  }
0xb7: {  	[tilespmem:s0+$0x138] =	vst.add.f32.msk $0xffff, v1  }
0xb8: {  	v1 =	vld [tilespmem:s25+$0x0];
	_ =	sdelay $0x4  }
0xb9: {  	[tilespmem:s0+$0x148] =	vst.add.f32.msk $0xffff, v1  }
0xba: {  	v1 =	vld [tilespmem:s25+$0x10];
	_ =	sdelay $0x4  }
0xbb: {  	[tilespmem:s0+$0x158] =	vst.add.f32.msk $0xffff, v1  }
0xbc: {  	v1 =	vld [tilespmem:s25+$0x20];
	_ =	sdelay $0x4  }
0xbd: {  	[tilespmem:s0+$0x168] =	vst.add.f32.msk $0xffff, v1  }
0xbe: {  	v1 =	vld [tilespmem:s25+$0x30];
	_ =	sdelay $0x4  }
0xbf: {  	[tilespmem:s0+$0x178] =	vst.add.f32.msk $0xffff, v1  }
.LBB2_17:
0xc0: {  	s26 =	sadd.s32 $0x1, s26  }
0xc1: {  	p1 =	seq.s32 s26, $0x0  }
.Ltmp11:
0xc2: {  	_ = 	snop;
	(pc) =	sbr.rel @p1 .LBB2_18-.Ltmp11, $2  }
0xc3: {  	_ =	sdelay $0x2  }
0xc4: {  	s23 =	sadd.s32 $0x1, s23;
	s25 =	sadd.s32 $0x80, s25;
	s29 =	smov.u32 s30  }
.LBB2_12:
0xc5: {  	v1 =	vld.msk [tilespmem:s23+$0x0], $0x1;
	_ =	sdelay $0x4  }
0xc6: {  	(v2sf) =	vpush v1, $0x0;
	_ =	sdelay $0xe  }
0xc7: {  	s30 =	spop (v2sf)  }
0xc8: {  	p1 =	sne.s32 s29, s30  }
.Ltmp12:
0xc9: {  	_ = 	snop;
	(pc) =	sbr.rel @!p1 .LBB2_13-.Ltmp12, $2  }
0xca: {  	_ =	sdelay $0x2  }
0xcb: {  	s0 =	sshll.u32 s22, $0x9  }
0xcc: {  	p1 =	seq.s32 s29, s24  }
.Ltmp13:
0xcd: {  	_ = 	snop;
	(pc) =	sbr.rel @!p1 .LBB2_15-.Ltmp13, $1  }
0xce: {  	_ =	sdelay $0x3  }
0xcf: {  	s0 =	sshra.s32 s0, $0x2  }
.Ltmp14:
0xd0: {  	s0 =	sadd.s32 $0x108, s0;
	(pc) =	sbr.rel .LBB2_16-.Ltmp14, $4  }
0xd1: {  	[spmem:s16] =	stream.linear.scatter [tilespmem:s0], [sflag:$0x1], $0x80, $0x38;
	[tilespmem:$0x1F6F8] =	vst v63  }
0xd2: {  	_ =	swait.ge [sflag:s12], $0x80  }
0xd3: {  	[sflag:s12] =	ssyncset.done $0x0  }
0xd4: {  	[sflag:s12] =	ssyncadd.s32 $0xFFFFFF80  }
.LBB2_15:
0xd5: {  	s2 =	sshll.u32 s28, $0x9  }
0xd6: {  	s2 =	sshra.s32 s2, $0x2  }
0xd7: {  	v1 =	vld [tilespmem:s2+$0x7988];
	_ =	sdelay $0x3  }
0xd8: {  	s0 =	sshra.s32 s0, $0x2  }
0xd9: {  	[tilespmem:s0+$0x108] =	vst.add.f32.msk $0xffff, v1  }
0xda: {  	v1 =	vld [tilespmem:s2+$0x7998];
	_ =	sdelay $0x4  }
0xdb: {  	[tilespmem:s0+$0x118] =	vst.add.f32.msk $0xffff, v1  }
0xdc: {  	v1 =	vld [tilespmem:s2+$0x79A8];
	_ =	sdelay $0x4  }
0xdd: {  	[tilespmem:s0+$0x128] =	vst.add.f32.msk $0xffff, v1  }
0xde: {  	v1 =	vld [tilespmem:s2+$0x79B8];
	_ =	sdelay $0x4  }
0xdf: {  	[tilespmem:s0+$0x138] =	vst.add.f32.msk $0xffff, v1  }
0xe0: {  	v1 =	vld [tilespmem:s2+$0x79C8];
	_ =	sdelay $0x4  }
0xe1: {  	[tilespmem:s0+$0x148] =	vst.add.f32.msk $0xffff, v1  }
0xe2: {  	v1 =	vld [tilespmem:s2+$0x79D8];
	_ =	sdelay $0x4  }
0xe3: {  	[tilespmem:s0+$0x158] =	vst.add.f32.msk $0xffff, v1  }
0xe4: {  	v1 =	vld [tilespmem:s2+$0x79E8];
	_ =	sdelay $0x4  }
0xe5: {  	[tilespmem:s0+$0x168] =	vst.add.f32.msk $0xffff, v1  }
0xe6: {  	v1 =	vld [tilespmem:s2+$0x79F8];
	_ =	sdelay $0x2  }
0xe7: {  	p1 =	sgt.u32 s29, $0x270F0  }
0xe8: {  	s2 =	sand.u32 @!p1 $0x3FFF8, s29  }
0xe9: {  	s3 =	sadd.s32 $0x108, s0;
	[tilespmem:s0+$0x178] =	vst.add.f32.msk $0xffff, v1;
	s0 =	sadd.s32 @!p1 s1, s2;
	s2 =	sand.u32 @!p1 $0x7, s29  }
0xea: {  	[hbm4b:s0+s2] =	stream.linear.scatter @!p1 [tilespmem:s3], [sflag:$0xC], $0x80, $0x38;
	[tilespmem:$0x1F6F8] =	vst v63  }
0xeb: {  	s0 =	simm.s32 $0x0  }
0xec: {  	s0 =	simm.s32 @!p1 $0x200  }
0xed: {  	s31 =	sadd.s32 s0, s31  }
.LBB2_16:
0xee: {  	s0 =	sadd.s32 $0x1, s22  }
0xef: {  	s2 =	smulhi.u32 $0x88888889, s0;
	_ =	sdelay $0x1  }
0xf0: {  	v1 =	vld [tilespmem:s25+$0xFFFFFFC0];
	s2 =	sshrl.u32 s2, $0x7  }
0xf1: {  	s2 =	smul.u32 $0xF0, s2;
	_ =	sdelay $0x1  }
0xf2: {  	s22 =	ssub.s32 s0, s2  }
0xf3: {  	s0 =	sshll.u32 s22, $0x7  }
0xf4: {  	[tilespmem:s0+$0x108] =	vst v1  }
0xf5: {  	v1 =	vld [tilespmem:s25+$0xFFFFFFD0];
	_ =	sdelay $0x4  }
0xf6: {  	[tilespmem:s0+$0x118] =	vst v1  }
0xf7: {  	v1 =	vld [tilespmem:s25+$0xFFFFFFE0];
	_ =	sdelay $0x4  }
0xf8: {  	[tilespmem:s0+$0x128] =	vst v1  }
0xf9: {  	v1 =	vld [tilespmem:s25+$0xFFFFFFF0];
	_ =	sdelay $0x4  }
0xfa: {  	[tilespmem:s0+$0x138] =	vst v1  }
0xfb: {  	v1 =	vld [tilespmem:s25+$0x0];
	_ =	sdelay $0x4  }
0xfc: {  	[tilespmem:s0+$0x148] =	vst v1  }
0xfd: {  	v1 =	vld [tilespmem:s25+$0x10];
	_ =	sdelay $0x4  }
0xfe: {  	[tilespmem:s0+$0x158] =	vst v1  }
0xff: {  	v1 =	vld [tilespmem:s25+$0x20];
	_ =	sdelay $0x4  }
0x100: {  	[tilespmem:s0+$0x168] =	vst v1  }
0x101: {  	v1 =	vld [tilespmem:s25+$0x30]  }
.Ltmp15:
0x102: {  	_ = 	snop;
	(pc) =	sbr.rel .LBB2_17-.Ltmp15, $2  }
0x103: {  	_ =	sdelay $0x2  }
0x104: {  	s28 =	sadd.s32 $0x1, s28;
	[tilespmem:s0+$0x178] =	vst v1  }
.LBB2_19:
.Ltmp16:
0x105: {  	(pc) =	sbr.rel .LBB2_20-.Ltmp16, $4  }
0x106: {  	_ = 	snop  }
0x107: {  	s0 =	simm.s32 $0x2  }
0x108: {  	_ =	swait.ge [sflag:s0], $0x0  }
0x109: {  	s30 =	smov.u32 s29;
	[sflag:s0] =	ssyncset.done $0x0;
	s0 =	simm.s32 $0x0  }
.LBB2_22:
0x10a: {  	_ =	sfence.sel $0x180000  }
0x10b: {  	s0 =	simm.s32 $0x9;
	[bflag:$0x0] =	sbarrier.arrive $0xFFFF  }
0x10c: {  	s24 =	simm.s32 $0xA;
	[sflag:s0] =	ssyncpa.u1 $0x1  }
0x10d: {  	s25 =	simm.s32 $0xB;
	[sflag:s24] =	ssyncpa.u1 $0x1  }
0x10e: {  	s26 =	simm.s32 $0x2;
	[sflag:s25] =	ssyncpa.u1 $0x1  }
0x10f: {  	[sflag:s26] =	ssyncpa.u1 $0x1  }
0x110: {  	v0 =	vld [tilespmem:$0xF208];
	_ =	sdelay $0x4  }
0x111: {  	(v2sf) =	vpush v0, $0x0  }
0x112: {  	(v2sf) =	vpush v0, $0x1;
	_ =	sdelay $0x1  }
0x113: {  	(v2sf) =	vpush v0, $0x2;
	_ =	sdelay $0xb  }
0x114: {  	s0 =	spop (v2sf)  }
0x115: {  	s2 =	spop (v2sf)  }
0x116: {  	s3 =	smov.u32 s0;
	p0 =	sne.s32 s0, s2  }
0x117: {  	s4 =	spop (v2sf);
	s3 =	simm.s32 @!p0 $0xFFFFFFFF  }
0x118: {  	v2 =	vimm.s32 $0x1;
	v3 =	vlaneseq.u32;
	p0 =	seq.s32 s4, $0xFFFFFFFF;
	v1 =	vmov s3  }
0x119: {  	s16 =	stileid.u32;
	v0 =	vperm.xlane v0, v2;
	p1 =	sne.s32 @!p0 s0, s2;
	v1 =	vperm.xlane v1, v3  }
0x11a: {  	vm0 =	vcmask $0x3F04;
	s6 =	simm.s32 $0xF208;
	s0 =	simm.s32 @!p0 $0x1;
	p1 =	por !p1, p0  }
0x11b: {  	s3 =	sshll.u32 s16, $0x1;
	s2 =	sshll.u32 @!p0 s4, $0x9;
	s0 =	simm.s32 @p1 $0x0;
	v0 =	vsel vm0, v1, v0  }
0x11c: {  	s5 =	sor.u32 $0x1000, s3;
	s2 =	sshra.s32 @!p0 s2, $0x2;
	s0 =	sor.u32 @!p0 s0, s3;
	[tilespmem:$0xF208] =	vst v0  }
0x11d: {  	[spmem:s5] =	stream.linear.scatter [tilespmem:s6], [sflag:$0x1], $0x2, $0x38;
	[tilespmem:$0x1F6F8] =	vst v63  }
0x11e: {  	s2 =	sadd.s32 @!p0 $0x108, s2;
	s0 =	sshll.u32 @!p0 s0, $0x7  }
0x11f: {  	[spmem:s0] =	stream.linear.scatter @!p0 [tilespmem:s2], [sflag:$0x1], $0x80, $0x38;
	[tilespmem:$0x1F6F8] =	vst v63  }
0x120: {  	s0 =	simm.s32 @!p0 $0x82  }
0x121: {  	s28 =	simm.s32 $0x1;
	s0 =	simm.s32 @p0 $0x2  }
0x122: {  	_ =	swait.ge [sflag:s28], s0  }
0x123: {  	s0 =	ssub.s32 $0x0, s0;
	[sflag:s28] =	ssyncset.done $0x0  }
0x124: {  	p0 =	sne.s32 s16, $0x0;
	[sflag:s28] =	ssyncadd.s32 s0  }
.Ltmp17:
0x125: {  	_ =	sfence.stream.spmem;
	(pc) =	sbr.rel @p0 .LBB2_39-.Ltmp17, $4  }
0x126: {  	s29 =	simm.s32 $0x3;
	[bflag:$0x0] =	sbarrier.arrive $0xFFFF  }
0x127: {  	s30 =	simm.s32 $0x4;
	[sflag:s29] =	ssyncpa.u1 $0x1  }
0x128: {  	s31 =	simm.s32 $0x3C;
	[sflag:s30] =	ssyncpa.u1 $0x1  }
0x129: {  	s15 =	rddreg [dreg:$0x5];
	[sflag:s31] =	ssyncpa.u1 $0x1  }
0x12a: {  	_ =	sfence.stream.spmem;
	s0 =	simm.s32 $0x5  }
0x12b: {  	s2 =	simm.s32 $0x1000;
	s3 =	simm.s32 $0xF218;
	[sflag:s0] =	ssyncpa.u1 $0x0  }
0x12c: {  	[tilespmem:s3], [sflag:$0x5] =	stream.linear.gather [spmem:s2], $0x20, $0x38;
	[tilespmem:$0x1F6F8] =	vst v63  }
0x12d: {  	s26 =	simm.s32 $0x0;
	s28 =	simm.s32 $0xF238  }
0x12e: {  	[tilespmem:s28], [sflag:$0x5] =	stream.linear.gather [spmem:s26], $0x1000, $0x38;
	[tilespmem:$0x1F6F8] =	vst v63  }
0x12f: {  	_ =	swait.ge [sflag:s0], $0x1020  }
0x130: {  	[sflag:s0] =	ssyncset.done $0x0  }
0x131: {  	s29 =	simm.s32 $0x0;
	[sflag:s0] =	ssyncadd.s32 $0xFFFFEFE0  }
0x132: {  	v0 =	vld.msk [tilespmem:s29+$0xF218], $0x1;
	_ =	sdelay $0x1  }
0x133: {  	s30 =	simm.s32 $0x1  }
0x134: {  	v1 =	vld.msk [tilespmem:s30+$0xF218], $0x1;
	_ =	sdelay $0x1  }
0x135: {  	(v2sf) =	vpush v0, $0x0;
	_ =	sdelay $0x2  }
0x136: {  	(v2sf) =	vpush v1, $0x0;
	_ =	sdelay $0x2  }
0x137: {  	s31 =	simm.s32 $0x2  }
0x138: {  	v0 =	vld.msk [tilespmem:s31+$0xF218], $0x1;
	_ =	sdelay $0x2  }
0x139: {  	s4 =	simm.s32 $0xFFFFFFFF;
	s5 =	simm.s32 $0xFFFFFFFF;
	s0 =	simm.s32 $0xC  }
.LBB2_24:
0x13a: {  	s2 =	smov.u32 s5;
	s3 =	smov.u32 s4  }
0x13b: {  	s4 =	sshra.s32 s0, $0x2;
	p1 =	sne.s32 s0, $0x7C;
	s0 =	sadd.s32 $0x4, s0;
	(v2sf) =	vpush v0, $0x0  }
0x13c: {  	v0 =	vld.msk [tilespmem:s4+$0xF218], $0x1  }
.Ltmp18:
0x13d: {  	(pc) =	sbr.rel @p1 .LBB2_24-.Ltmp18, $4  }
0x13e: {  	s5 =	spop (v2sf)  }
0x13f: {  	p2 =	sne.s32 s3, $0xFFFFFFFF;
	s4 =	smov.u32 s5  }
0x140: {  	p3 =	seq.s32 s5, $0xFFFFFFFF;
	s4 =	smov.u32 @p2 s3  }
0x141: {  	s5 =	smov.u32 @p3 s2;
	s4 =	smov.u32 @p3 s3  }
0x142: {  	(v2sf) =	vpush v0, $0x0;
	_ =	sdelay $0x8  }
0x143: {  	s0 =	spop (v2sf)  }
0x144: {  	p1 =	sne.s32 s4, $0xFFFFFFFF;
	s2 =	smov.u32 s0  }
0x145: {  	s9 =	simm.s32 $0x6;
	p2 =	seq.s32 s0, $0xFFFFFFFF;
	s2 =	smov.u32 @p1 s4  }
0x146: {  	s6 =	simm.s32 $0x0;
	s2 =	smov.u32 @p2 s4;
	s3 =	spop (v2sf)  }
0x147: {  	s0 =	smov.u32 @p2 s5;
	p1 =	sne.s32 s2, $0xFFFFFFFF;
	s4 =	smov.u32 s3  }
.Ltmp19:
0x148: {  	p2 =	seq.s32 s3, $0xFFFFFFFF;
	s4 =	smov.u32 @p1 s2;
	(pc) =	sbr.rel .LBB2_26-.Ltmp19, $4  }
0x149: {  	s10 =	simm.s32 $0xF188;
	s4 =	smov.u32 @p2 s2;
	s7 =	spop (v2sf)  }
0x14a: {  	s11 =	simm.s32 $0x0;
	p1 =	sne.s32 s4, $0xFFFFFFFF;
	s8 =	smov.u32 s7  }
0x14b: {  	s3 =	smov.u32 @p2 s0;
	p2 =	seq.s32 s7, $0xFFFFFFFF;
	s8 =	smov.u32 @p1 s4  }
0x14c: {  	[sflag:s9] =	ssyncpa.u1 $0x0;
	s7 =	smov.u32 @p2 s3;
	s8 =	smov.u32 @p2 s4  }
.LBB2_32:
0x14d: {  	p1 =	sgt.u32 s12, $0x270F0  }
0x14e: {  	p2 =	seq.s32 @!p1 s12, s8  }
0x14f: {  	p1 =	por p1, p2  }
0x150: {  	p2 =	sne.s32 @!p1 s12, s7  }
0x151: {  	p1 =	por p1, !p2  }
0x152: {  	s0 =	sshll.u32 @p1 s11, $0x9  }
0x153: {  	s0 =	sand.u32 @!p1 $0x3FFF8, s12  }
0x154: {  	s2 =	sand.u32 @!p1 $0x7, s12;
	s0 =	sadd.s32 @!p1 s1, s0  }
0x155: {  	[tilespmem:s10], [sflag:$0x6] =	stream.linear.gather @!p1 [hbm4b:s0+s2], $0x80, $0x38;
	[tilespmem:$0x1F6F8] =	vst v63  }
0x156: {  	_ =	swait.ge @!p1 [sflag:s9], $0x80  }
0x157: {  	[sflag:s9] =	ssyncset.done @!p1 $0x0  }
0x158: {  	[sflag:s9] =	ssyncadd.s32 @!p1 $0xFFFFFF80  }
0x159: {  	v1 =	vld @!p1 [tilespmem:$0xF188];
	_ =	sdelay $0x2  }
0x15a: {  	s0 =	sshll.u32 @!p1 s11, $0x9  }
0x15b: {  	s2 =	sshrl.u32 @!p1 s0, $0x2  }
0x15c: {  	[tilespmem:s2+$0xF238] =	vst.add.f32.msk @!p1 $0xffff, v1  }
0x15d: {  	v1 =	vld @!p1 [tilespmem:$0xF198];
	_ =	sdelay $0x4  }
0x15e: {  	[tilespmem:s2+$0xF248] =	vst.add.f32.msk @!p1 $0xffff, v1  }
0x15f: {  	v1 =	vld @!p1 [tilespmem:$0xF1A8];
	_ =	sdelay $0x4  }
0x160: {  	[tilespmem:s2+$0xF258] =	vst.add.f32.msk @!p1 $0xffff, v1  }
0x161: {  	v1 =	vld @!p1 [tilespmem:$0xF1B8];
	_ =	sdelay $0x4  }
0x162: {  	[tilespmem:s2+$0xF268] =	vst.add.f32.msk @!p1 $0xffff, v1  }
0x163: {  	v1 =	vld @!p1 [tilespmem:$0xF1C8];
	_ =	sdelay $0x4  }
0x164: {  	[tilespmem:s2+$0xF278] =	vst.add.f32.msk @!p1 $0xffff, v1  }
0x165: {  	v1 =	vld @!p1 [tilespmem:$0xF1D8];
	_ =	sdelay $0x4  }
0x166: {  	[tilespmem:s2+$0xF288] =	vst.add.f32.msk @!p1 $0xffff, v1  }
0x167: {  	v1 =	vld @!p1 [tilespmem:$0xF1E8];
	_ =	sdelay $0x4  }
0x168: {  	[tilespmem:s2+$0xF298] =	vst.add.f32.msk @!p1 $0xffff, v1  }
0x169: {  	v1 =	vld @!p1 [tilespmem:$0xF1F8];
	_ =	sdelay $0x4  }
0x16a: {  	[tilespmem:s2+$0xF2A8] =	vst.add.f32.msk @!p1 $0xffff, v1  }
0x16b: {  	s0 =	sshrl.u32 s0, $0x2;
	[tilespmem:s6+$0xF218] =	vst.msk $0x1, v0  }
0x16c: {  	v0 =	vld [tilespmem:s0+$0xF238];
	_ =	sdelay $0x2  }
0x16d: {  	s31 =	sshll.u32 s6, $0x9  }
0x16e: {  	s2 =	sshra.s32 s31, $0x2  }
0x16f: {  	[tilespmem:s2+$0xF238] =	vst v0  }
0x170: {  	v0 =	vld [tilespmem:s0+$0xF248];
	_ =	sdelay $0x4  }
0x171: {  	[tilespmem:s2+$0xF248] =	vst v0  }
0x172: {  	v0 =	vld [tilespmem:s0+$0xF258];
	_ =	sdelay $0x4  }
0x173: {  	[tilespmem:s2+$0xF258] =	vst v0  }
0x174: {  	v0 =	vld [tilespmem:s0+$0xF268];
	_ =	sdelay $0x4  }
0x175: {  	[tilespmem:s2+$0xF268] =	vst v0  }
0x176: {  	v0 =	vld [tilespmem:s0+$0xF278];
	_ =	sdelay $0x4  }
0x177: {  	[tilespmem:s2+$0xF278] =	vst v0  }
0x178: {  	v0 =	vld [tilespmem:s0+$0xF288];
	_ =	sdelay $0x4  }
0x179: {  	[tilespmem:s2+$0xF288] =	vst v0  }
0x17a: {  	v0 =	vld [tilespmem:s0+$0xF298];
	_ =	sdelay $0x4  }
0x17b: {  	[tilespmem:s2+$0xF298] =	vst v0  }
0x17c: {  	v0 =	vld [tilespmem:s0+$0xF2A8];
	_ =	sdelay $0x4  }
0x17d: {  	s6 =	sadd.s32 $0x1, s6;
	[tilespmem:s2+$0xF2A8] =	vst v0  }
.LBB2_33:
0x17e: {  	s11 =	sadd.s32 $0x1, s11  }
0x17f: {  	p1 =	sne.s32 s11, $0x20  }
.Ltmp20:
0x180: {  	_ = 	snop;
	(pc) =	sbr.rel @!p1 .LBB2_34-.Ltmp20, $1  }
0x181: {  	_ =	sdelay $0x3  }
.LBB2_26:
0x182: {  	v0 =	vld.msk [tilespmem:s11+$0xF218], $0x1;
	_ =	sdelay $0x4  }
0x183: {  	(v2sf) =	vpush v0, $0x0;
	_ =	sdelay $0xe  }
0x184: {  	s12 =	spop (v2sf)  }
0x185: {  	p1 =	seq.s32 s12, $0xFFFFFFFF  }
.Ltmp21:
0x186: {  	_ = 	snop;
	(pc) =	sbr.rel @p1 .LBB2_33-.Ltmp21, $1  }
0x187: {  	_ =	sdelay $0x3  }
0x188: {  	p1 =	slt.s32 s6, $0x1  }
.Ltmp22:
0x189: {  	_ = 	snop;
	(pc) =	sbr.rel @p1 .LBB2_32-.Ltmp22, $1  }
0x18a: {  	_ =	sdelay $0x3  }
0x18b: {  	s13 =	simm.s32 $0xF218;
	p1 =	por $0x0, $0x0  }
0x18c: {  	v1 =	vld.msk @!p1 [tilespmem:s13+$0x0], $0x1;
	_ =	sdelay $0x4  }
0x18d: {  	(v2sf) =	vpush @!p1 v1, $0x0;
	_ =	sdelay $0xd  }
0x18e: {  	p3 =	sne.s32 s6, $0x1  }
.Ltmp23:
0x18f: {  	s0 =	spop @!p1 (v2sf);
	(pc) =	sbr.rel @!p3 .LBB2_30-.Ltmp23, $4  }
0x190: {  	p2 =	seq.s32 @!p1 s12, s0  }
0x191: {  	s14 =	simm.s32 $0x0;
	p2 =	por !p2, p1  }
0x192: {  	s2 =	simm.s32 $0xFFFFFFFF;
	s14 =	simm.s32 @p2 $0xFFFFFFFF  }
0x193: {  	s0 =	simm.s32 $0x1;
	s14 =	smov.u32 @p1 s2  }
.LBB2_29:
0x194: {  	s2 =	smov.u32 s14;
	p1 =	sne.s32 s14, $0xFFFFFFFF  }
0x195: {  	s13 =	sadd.s32 $0x1, s13;
	s14 =	smov.u32 s0;
	s0 =	sadd.s32 $0x1, s0  }
0x196: {  	p2 =	sne.s32 s6, s0;
	v1 =	vld.msk @!p1 [tilespmem:s13+$0x0], $0x1;
	_ =	sdelay $0x4  }
0x197: {  	(v2sf) =	vpush @!p1 v1, $0x0;
	_ =	sdelay $0xe  }
.Ltmp24:
0x198: {  	s3 =	spop @!p1 (v2sf);
	(pc) =	sbr.rel @p2 .LBB2_29-.Ltmp24, $4  }
0x199: {  	p3 =	seq.s32 @!p1 s12, s3  }
0x19a: {  	p3 =	por !p3, p1  }
0x19b: {  	s14 =	simm.s32 @p3 $0xFFFFFFFF  }
0x19c: {  	s14 =	smov.u32 @p1 s2  }
.LBB2_30:
0x19d: {  	p1 =	seq.s32 s14, $0xFFFFFFFF  }
.Ltmp25:
0x19e: {  	_ = 	snop;
	(pc) =	sbr.rel @p1 .LBB2_32-.Ltmp25, $1  }
0x19f: {  	_ =	sdelay $0x3  }
0x1a0: {  	s0 =	sshll.u32 s11, $0x7  }
0x1a1: {  	s0 =	sand.u32 $0x3FFFFF80, s0  }
0x1a2: {  	v0 =	vld [tilespmem:s0+$0xF238];
	_ =	sdelay $0x2  }
0x1a3: {  	s2 =	sshll.u32 s14, $0x9  }
0x1a4: {  	s2 =	sshra.s32 s2, $0x2  }
0x1a5: {  	[tilespmem:s2+$0xF238] =	vst.add.f32.msk $0xffff, v0  }
0x1a6: {  	v0 =	vld [tilespmem:s0+$0xF248];
	_ =	sdelay $0x4  }
0x1a7: {  	[tilespmem:s2+$0xF248] =	vst.add.f32.msk $0xffff, v0  }
0x1a8: {  	v0 =	vld [tilespmem:s0+$0xF258];
	_ =	sdelay $0x4  }
0x1a9: {  	[tilespmem:s2+$0xF258] =	vst.add.f32.msk $0xffff, v0  }
0x1aa: {  	v0 =	vld [tilespmem:s0+$0xF268];
	_ =	sdelay $0x4  }
0x1ab: {  	[tilespmem:s2+$0xF268] =	vst.add.f32.msk $0xffff, v0  }
0x1ac: {  	v0 =	vld [tilespmem:s0+$0xF278];
	_ =	sdelay $0x4  }
0x1ad: {  	[tilespmem:s2+$0xF278] =	vst.add.f32.msk $0xffff, v0  }
0x1ae: {  	v0 =	vld [tilespmem:s0+$0xF288];
	_ =	sdelay $0x4  }
0x1af: {  	[tilespmem:s2+$0xF288] =	vst.add.f32.msk $0xffff, v0  }
0x1b0: {  	v0 =	vld [tilespmem:s0+$0xF298];
	_ =	sdelay $0x4  }
0x1b1: {  	[tilespmem:s2+$0xF298] =	vst.add.f32.msk $0xffff, v0  }
0x1b2: {  	v0 =	vld [tilespmem:s0+$0xF2A8]  }
.Ltmp26:
0x1b3: {  	_ = 	snop;
	(pc) =	sbr.rel .LBB2_33-.Ltmp26, $2  }
0x1b4: {  	_ =	sdelay $0x2  }
0x1b5: {  	[tilespmem:s2+$0xF2A8] =	vst.add.f32.msk $0xffff, v0  }
.LBB2_34:
0x1b6: {  	s0 =	simm.s32 $0x6;
	p1 =	seq.s32 s6, $0x0  }
0x1b7: {  	[sflag:s0] =	ssyncpa.u1 $0x1;
	v0 =	vimm.s32 @p1 $0xFFFFFFFF  }
0x1b8: {  	s9 =	sadd.s32 $0xFFFFFFFF, s6;
	[tilespmem:$0x10238] =	vst @p1 v0  }
0x1b9: {  	v0 =	vld.msk @!p1 [tilespmem:s9+$0xF218], $0x1;
	_ =	sdelay $0x1  }
0x1ba: {  	v1 =	vld.msk @!p1 [tilespmem:$0xF218], $0x1;
	_ =	sdelay $0x2  }
0x1bb: {  	p2 =	seq.s32 @!p1 s9, $0x0;
	v0 =	vbroadcast @!p1 v0, $0x0  }
0x1bc: {  	vm0 =	vmmov @!p1 $0x1;
	p2 =	por !p2, p1  }
0x1bd: {  	v1 =	vnsel @!p1 vm0, $0xFFFFFFFF, v1;
	vm0 =	vcmask @!p1 $0x308;
	v0 =	vpsel !p2, $0xFFFFFFFF, v0  }
0x1be: {  	p2 =	sne.s32 @!p1 s8, s7;
	v0 =	vsel @!p1 vm0, v1, v0  }
0x1bf: {  	s0 =	simm.s32 @!p1 $0xF238;
	s2 =	simm.s32 @!p1 $0x0;
	p3 =	por !p2, p1;
	[tilespmem:$0x10238] =	vst @!p1 v0  }
0x1c0: {  	[spmem:s2] =	stream.linear.scatter @!p1 [tilespmem:s0], [sflag:$0x1], $0x80, $0x38;
	[tilespmem:$0x1F6F8] =	vst v63  }
0x1c1: {  	s0 =	sshll.u32 @!p3 s9, $0x9  }
0x1c2: {  	s0 =	sshra.s32 @!p3 s0, $0x2  }
0x1c3: {  	s2 =	simm.s32 @!p3 $0x80;
	s0 =	sadd.s32 @!p3 $0xF238, s0  }
0x1c4: {  	[spmem:s2] =	stream.linear.scatter @!p3 [tilespmem:s0], [sflag:$0x1], $0x80, $0x38;
	[tilespmem:$0x1F6F8] =	vst v63  }
0x1c5: {  	s0 =	simm.s32 @!p3 $0x1  }
0x1c6: {  	_ =	swait.ge @!p3 [sflag:s0], $0x100  }
0x1c7: {  	p1 =	por p2, p1;
	[sflag:s0] =	ssyncset.done @!p3 $0x0  }
0x1c8: {  	[sflag:s0] =	ssyncadd.s32 @!p3 $0xFFFFFF00;
	s0 =	simm.s32 @!p1 $0x1  }
0x1c9: {  	_ =	swait.ge @!p1 [sflag:s0], $0x80  }
0x1ca: {  	s29 =	simm.s32 $0x10238;
	[sflag:s0] =	ssyncset.done @!p1 $0x0  }
0x1cb: {  	s30 =	simm.s32 $0x1000;
	s31 =	simm.s32 $0x1;
	[sflag:s0] =	ssyncadd.s32 @!p1 $0xFFFFFF80  }
0x1cc: {  	[spmem:s30] =	stream.linear.scatter [tilespmem:s29], [sflag:$0x1], $0x10, $0x38;
	[tilespmem:$0x1F6F8] =	vst v63  }
0x1cd: {  	_ =	swait.ge [sflag:s31], $0x10  }
0x1ce: {  	[sflag:s31] =	ssyncset.done $0x0  }
0x1cf: {  	p1 =	seq.s32 s15, $0x0;
	s8 =	rddreg [dreg:$0x2];
	[sflag:s31] =	ssyncadd.s32 $0xFFFFFFF0  }
0x1d0: {  	s2 =	sshll.u32 @p1 s8, $0xE;
	s7 =	rddreg [dreg:$0x3]  }
0x1d1: {  	s0 =	sadd.s32 @p1 $0x15C3C, s2;
	s2 =	sshll.u32 @p1 s7, $0x11  }
0x1d2: {  	_ =	sfence.stream.spmem;
	s0 =	sor.u32 @p1 s2, s0  }
0x1d3: {  	[sflag:s0] =	ssyncadd.remote.s32 @p1 $0x1;
	s0 =	simm.s32 @p1 $0x4  }
0x1d4: {  	s3 =	simm.s32 @!p1 $0x3C;
	s2 =	sand.u32 $0xFFFFFFFE, s8;
	_ =	swait.ge @p1 [sflag:s0], $0x22  }
0x1d5: {  	s4 =	simm.s32 @!p1 $0x0;
	s2 =	sadd.s32 @!p1 $0x4, s2;
	[sflag:s0] =	ssyncset.done @p1 $0x0  }
0x1d6: {  	s5 =	simm.s32 @!p1 $0x100;
	[sflag:s0] =	ssyncadd.s32 @p1 $0xFFFFFFDE;
	s0 =	sshll.u32 @!p1 s2, $0x1A  }
0x1d7: {  	s2 =	sshll.u32 @!p1 s2, $0xD;
	s0 =	sor.u32 @!p1 s0, s7;
	_ =	swait.eq @!p1 [sflag:s3], $0x1  }
0x1d8: {  	s2 =	sor.u32 @!p1 $0x1C04, s2;
	s3 =	simm.s32 @!p1 $0x1C03;
	s0 =	sor.u32 @!p1 $0x80004000, s0  }
0x1d9: {  	[spmem:s5], [sflag:s2] =	dma.general @!p1 [spmem:s4], [sflag:s3], length:$0x20, [dreg:$0x0], stride_count:$0x0, ici_dest:s0, dma_misc:DstOpCode:WRITE  }
0x1da: {  	p2 =	slt.s32 s9, $0x2;
	s4 =	simm.s32 @!p1 $0x200;
	s5 =	simm.s32 @!p1 $0x202  }
0x1db: {  	[spmem:s5], [sflag:s2] =	dma.general @!p1 [spmem:s4], [sflag:s3], length:$0x2, [dreg:$0x0], stride_count:$0x0, ici_dest:s0, dma_misc:DstOpCode:WRITE  }
.Ltmp27:
0x1dc: {  	s0 =	simm.s32 @!p1 $0x3;
	(pc) =	sbr.rel @p2 .LBB2_38-.Ltmp27, $4  }
0x1dd: {  	s2 =	sshll.u32 @!p1 s8, $0xE;
	_ =	swait.ge @!p1 [sflag:s0], $0x22  }
0x1de: {  	s3 =	sshll.u32 @!p1 s7, $0x11;
	s2 =	sadd.s32 @!p1 $0x11C3C, s2;
	[sflag:s0] =	ssyncset.done @!p1 $0x0  }
0x1df: {  	[sflag:s0] =	ssyncadd.s32 @!p1 $0xFFFFFFDE;
	s0 =	sor.u32 @!p1 s3, s2  }
0x1e0: {  	[sflag:s0] =	ssyncadd.remote.s32 @!p1 $0xFFFFFFFF;
	s0 =	simm.s32 $0x0  }
0x1e1: {  	s0 =	simm.s32 $0xF219  }
0x1e2: {  	v0 =	vld.msk [tilespmem:s0+$0x0], $0x1;
	_ =	sdelay $0x4  }
0x1e3: {  	(v2sf) =	vpush v0, $0x0;
	_ =	sdelay $0xb  }
0x1e4: {  	s31 =	sadd.s32 $0xFFFFFFFE, s6  }
0x1e5: {  	s0 =	sadd.s32 $0xFFFFFFFF, s31  }
0x1e6: {  	p2 =	sne.s32 s0, $0x0  }
.Ltmp28:
0x1e7: {  	s2 =	spop (v2sf);
	(pc) =	sbr.rel @!p2 .LBB2_37-.Ltmp28, $4  }
0x1e8: {  	s4 =	simm.s32 $0xF2B8;
	s7 =	simm.s32 $0x0;
	p1 =	sgt.u32 s2, $0x270F0  }
0x1e9: {  	s5 =	simm.s32 $0x0;
	s6 =	simm.s32 $0xF21A;
	s3 =	sand.u32 @!p1 $0x3FFF8, s2  }
0x1ea: {  	s2 =	sand.u32 @!p1 $0x7, s2;
	s7 =	simm.s32 @!p1 $0x200;
	s3 =	sadd.s32 @!p1 s1, s3  }
0x1eb: {  	[hbm4b:s3+s2] =	stream.linear.scatter @!p1 [tilespmem:s4], [sflag:$0x5], $0x80, $0x38;
	[tilespmem:$0x1F6F8] =	vst v63  }
.LBB2_36:
0x1ec: {  	v0 =	vld.msk [tilespmem:s6+$0x0], $0x1;
	s0 =	sadd.s32 $0xFFFFFFFF, s0;
	s5 =	sadd.s32 s5, s7  }
0x1ed: {  	p1 =	sne.s32 s0, $0x0;
	_ =	sdelay $0x3  }
0x1ee: {  	(v2sf) =	vpush v0, $0x0;
	_ =	sdelay $0xe  }
.Ltmp29:
0x1ef: {  	s2 =	spop (v2sf);
	(pc) =	sbr.rel @p1 .LBB2_36-.Ltmp29, $4  }
0x1f0: {  	s7 =	simm.s32 $0x0;
	p2 =	sgt.u32 s2, $0x270F0  }
0x1f1: {  	s4 =	sadd.s32 $0x80, s4;
	s7 =	simm.s32 @!p2 $0x200;
	s3 =	sand.u32 @!p2 $0x3FFF8, s2  }
0x1f2: {  	s6 =	sadd.s32 $0x1, s6;
	s2 =	sand.u32 @!p2 $0x7, s2;
	s3 =	sadd.s32 @!p2 s1, s3  }
0x1f3: {  	[hbm4b:s3+s2] =	stream.linear.scatter @!p2 [tilespmem:s4], [sflag:$0x5], $0x80, $0x38;
	[tilespmem:$0x1F6F8] =	vst v63  }
.LBB2_37:
0x1f4: {  	s0 =	sadd.s32 s5, s7  }
0x1f5: {  	s0 =	sshrl.u32 s0, $0x2  }
.LBB2_38:
0x1f6: {  	s2 =	simm.s32 $0x5  }
0x1f7: {  	_ =	swait.ge [sflag:s2], s0  }
0x1f8: {  	s31 =	ssub.s32 $0x0, s0;
	[sflag:s2] =	ssyncset.done $0x0  }
0x1f9: {  	[sflag:s2] =	ssyncadd.s32 s31  }
0x1fa: {  	[sflag:s2] =	ssyncpa.u1 $0x1  }
.LBB2_39:
0x1fb: {  	s0 =	sor.u32 s15, s16  }
0x1fc: {  	p1 =	sne.s32 s0, $0x0  }
.Ltmp30:
0x1fd: {  	_ = 	snop;
	(pc) =	sbr.rel @p1 .LBB2_54-.Ltmp30, $3  }
0x1fe: {  	_ =	sdelay $0x1  }
0x1ff: {  	[bflag:$0x0] =	sbarrier.arrive $0xFFFF  }
0x200: {  	_ =	sfence  }
0x201: {  	s0 =	simm.s32 $0x7  }
0x202: {  	s2 =	simm.s32 $0x1000;
	s3 =	simm.s32 $0xF218;
	[sflag:s0] =	ssyncpa.u1 $0x0  }
0x203: {  	[tilespmem:s3], [sflag:$0x7] =	stream.linear.gather [spmem:s2], $0x20, $0x38;
	[tilespmem:$0x1F6F8] =	vst v63  }
0x204: {  	s30 =	simm.s32 $0xF238;
	s2 =	simm.s32 $0x0  }
0x205: {  	[tilespmem:s30], [sflag:$0x7] =	stream.linear.gather [spmem:s2], $0x1000, $0x38;
	[tilespmem:$0x1F6F8] =	vst v63  }
.Ltmp31:
0x206: {  	_ = 	snop;
	(pc) =	sbr.rel .LBB2_41-.Ltmp31, $4  }
0x207: {  	_ =	swait.ge [sflag:s0], $0x1020  }
0x208: {  	[sflag:s0] =	ssyncset.done $0x0  }
0x209: {  	s31 =	simm.s32 $0x8;
	[sflag:s0] =	ssyncadd.s32 $0xFFFFEFE0  }
0x20a: {  	s3 =	simm.s32 $0x0;
	[sflag:s31] =	ssyncpa.u1 $0x0  }
.LBB2_47:
0x20b: {  	p1 =	slt.u32 s4, $0x270F1  }
0x20c: {  	s0 =	sand.u32 @p1 $0x3FFF8, s4  }
0x20d: {  	s4 =	sand.u32 @p1 $0x7, s4;
	s5 =	simm.s32 @p1 $0xF188;
	s0 =	sadd.s32 @p1 s1, s0  }
0x20e: {  	[tilespmem:s5], [sflag:$0x8] =	stream.linear.gather @p1 [hbm4b:s0+s4], $0x80, $0x38;
	[tilespmem:$0x1F6F8] =	vst v63  }
0x20f: {  	s0 =	simm.s32 @p1 $0x8  }
0x210: {  	_ =	swait.ge @p1 [sflag:s0], $0x80  }
0x211: {  	[sflag:s0] =	ssyncset.done @p1 $0x0  }
0x212: {  	[sflag:s0] =	ssyncadd.s32 @p1 $0xFFFFFF80  }
0x213: {  	v1 =	vld @p1 [tilespmem:$0xF188];
	_ =	sdelay $0x2  }
0x214: {  	s0 =	sshll.u32 @p1 s3, $0x9  }
0x215: {  	s4 =	sshrl.u32 @p1 s0, $0x2  }
0x216: {  	[tilespmem:s4+$0xF238] =	vst.add.f32.msk @p1 $0xffff, v1  }
0x217: {  	v1 =	vld @p1 [tilespmem:$0xF198];
	_ =	sdelay $0x4  }
0x218: {  	[tilespmem:s4+$0xF248] =	vst.add.f32.msk @p1 $0xffff, v1  }
0x219: {  	v1 =	vld @p1 [tilespmem:$0xF1A8];
	_ =	sdelay $0x4  }
0x21a: {  	[tilespmem:s4+$0xF258] =	vst.add.f32.msk @p1 $0xffff, v1  }
0x21b: {  	v1 =	vld @p1 [tilespmem:$0xF1B8];
	_ =	sdelay $0x4  }
0x21c: {  	[tilespmem:s4+$0xF268] =	vst.add.f32.msk @p1 $0xffff, v1  }
0x21d: {  	v1 =	vld @p1 [tilespmem:$0xF1C8];
	_ =	sdelay $0x4  }
0x21e: {  	[tilespmem:s4+$0xF278] =	vst.add.f32.msk @p1 $0xffff, v1  }
0x21f: {  	v1 =	vld @p1 [tilespmem:$0xF1D8];
	_ =	sdelay $0x4  }
0x220: {  	[tilespmem:s4+$0xF288] =	vst.add.f32.msk @p1 $0xffff, v1  }
0x221: {  	v1 =	vld @p1 [tilespmem:$0xF1E8];
	_ =	sdelay $0x4  }
0x222: {  	[tilespmem:s4+$0xF298] =	vst.add.f32.msk @p1 $0xffff, v1  }
0x223: {  	v1 =	vld @p1 [tilespmem:$0xF1F8];
	_ =	sdelay $0x3  }
0x224: {  	s5 =	sshll.u32 @!p1 s3, $0x9  }
0x225: {  	s5 =	smov.u32 @p1 s0;
	[tilespmem:s4+$0xF2A8] =	vst.add.f32.msk @p1 $0xffff, v1  }
0x226: {  	s0 =	sshrl.u32 s5, $0x2;
	[tilespmem:s2+$0xF218] =	vst.msk $0x1, v0  }
0x227: {  	v0 =	vld [tilespmem:s0+$0xF238];
	_ =	sdelay $0x2  }
0x228: {  	s31 =	sshll.u32 s2, $0x9  }
0x229: {  	s4 =	sshra.s32 s31, $0x2  }
0x22a: {  	[tilespmem:s4+$0xF238] =	vst v0  }
0x22b: {  	v0 =	vld [tilespmem:s0+$0xF248];
	_ =	sdelay $0x4  }
0x22c: {  	[tilespmem:s4+$0xF248] =	vst v0  }
0x22d: {  	v0 =	vld [tilespmem:s0+$0xF258];
	_ =	sdelay $0x4  }
0x22e: {  	[tilespmem:s4+$0xF258] =	vst v0  }
0x22f: {  	v0 =	vld [tilespmem:s0+$0xF268];
	_ =	sdelay $0x4  }
0x230: {  	[tilespmem:s4+$0xF268] =	vst v0  }
0x231: {  	v0 =	vld [tilespmem:s0+$0xF278];
	_ =	sdelay $0x4  }
0x232: {  	[tilespmem:s4+$0xF278] =	vst v0  }
0x233: {  	v0 =	vld [tilespmem:s0+$0xF288];
	_ =	sdelay $0x4  }
0x234: {  	[tilespmem:s4+$0xF288] =	vst v0  }
0x235: {  	v0 =	vld [tilespmem:s0+$0xF298];
	_ =	sdelay $0x4  }
0x236: {  	[tilespmem:s4+$0xF298] =	vst v0  }
0x237: {  	v0 =	vld [tilespmem:s0+$0xF2A8];
	_ =	sdelay $0x4  }
0x238: {  	s2 =	sadd.s32 $0x1, s2;
	[tilespmem:s4+$0xF2A8] =	vst v0  }
.LBB2_48:
0x239: {  	s3 =	sadd.s32 $0x1, s3  }
0x23a: {  	p1 =	sne.s32 s3, $0x20  }
.Ltmp32:
0x23b: {  	_ = 	snop;
	(pc) =	sbr.rel @!p1 .LBB2_49-.Ltmp32, $1  }
0x23c: {  	_ =	sdelay $0x3  }
.LBB2_41:
0x23d: {  	v0 =	vld.msk [tilespmem:s3+$0xF218], $0x1;
	_ =	sdelay $0x4  }
0x23e: {  	(v2sf) =	vpush v0, $0x0;
	_ =	sdelay $0xe  }
0x23f: {  	s4 =	spop (v2sf)  }
0x240: {  	p1 =	seq.s32 s4, $0xFFFFFFFF  }
.Ltmp33:
0x241: {  	_ = 	snop;
	(pc) =	sbr.rel @p1 .LBB2_48-.Ltmp33, $1  }
0x242: {  	_ =	sdelay $0x3  }
0x243: {  	p1 =	slt.s32 s2, $0x1  }
.Ltmp34:
0x244: {  	_ = 	snop;
	(pc) =	sbr.rel @p1 .LBB2_47-.Ltmp34, $1  }
0x245: {  	_ =	sdelay $0x3  }
0x246: {  	s5 =	simm.s32 $0xF218;
	p1 =	por $0x0, $0x0  }
0x247: {  	v1 =	vld.msk @!p1 [tilespmem:s5+$0x0], $0x1;
	_ =	sdelay $0x4  }
0x248: {  	(v2sf) =	vpush @!p1 v1, $0x0;
	_ =	sdelay $0xd  }
0x249: {  	p3 =	sne.s32 s2, $0x1  }
.Ltmp35:
0x24a: {  	s0 =	spop @!p1 (v2sf);
	(pc) =	sbr.rel @!p3 .LBB2_45-.Ltmp35, $4  }
0x24b: {  	p2 =	seq.s32 @!p1 s4, s0  }
0x24c: {  	s6 =	simm.s32 $0x0;
	p2 =	por !p2, p1  }
0x24d: {  	s7 =	simm.s32 $0xFFFFFFFF;
	s6 =	simm.s32 @p2 $0xFFFFFFFF  }
0x24e: {  	s0 =	simm.s32 $0x1;
	s6 =	smov.u32 @p1 s7  }
.LBB2_44:
0x24f: {  	s7 =	smov.u32 s6;
	p1 =	sne.s32 s6, $0xFFFFFFFF  }
0x250: {  	s5 =	sadd.s32 $0x1, s5;
	s6 =	smov.u32 s0;
	s0 =	sadd.s32 $0x1, s0  }
0x251: {  	p2 =	sne.s32 s2, s0;
	v1 =	vld.msk @!p1 [tilespmem:s5+$0x0], $0x1;
	_ =	sdelay $0x4  }
0x252: {  	(v2sf) =	vpush @!p1 v1, $0x0;
	_ =	sdelay $0xe  }
.Ltmp36:
0x253: {  	s8 =	spop @!p1 (v2sf);
	(pc) =	sbr.rel @p2 .LBB2_44-.Ltmp36, $4  }
0x254: {  	p3 =	seq.s32 @!p1 s4, s8  }
0x255: {  	p3 =	por !p3, p1  }
0x256: {  	s6 =	simm.s32 @p3 $0xFFFFFFFF  }
0x257: {  	s6 =	smov.u32 @p1 s7  }
.LBB2_45:
0x258: {  	p1 =	seq.s32 s6, $0xFFFFFFFF  }
.Ltmp37:
0x259: {  	_ = 	snop;
	(pc) =	sbr.rel @p1 .LBB2_47-.Ltmp37, $1  }
0x25a: {  	_ =	sdelay $0x3  }
0x25b: {  	s0 =	sshll.u32 s3, $0x7  }
0x25c: {  	s0 =	sand.u32 $0x3FFFFF80, s0  }
0x25d: {  	v0 =	vld [tilespmem:s0+$0xF238];
	_ =	sdelay $0x2  }
0x25e: {  	s4 =	sshll.u32 s6, $0x9  }
0x25f: {  	s4 =	sshra.s32 s4, $0x2  }
0x260: {  	[tilespmem:s4+$0xF238] =	vst.add.f32.msk $0xffff, v0  }
0x261: {  	v0 =	vld [tilespmem:s0+$0xF248];
	_ =	sdelay $0x4  }
0x262: {  	[tilespmem:s4+$0xF248] =	vst.add.f32.msk $0xffff, v0  }
0x263: {  	v0 =	vld [tilespmem:s0+$0xF258];
	_ =	sdelay $0x4  }
0x264: {  	[tilespmem:s4+$0xF258] =	vst.add.f32.msk $0xffff, v0  }
0x265: {  	v0 =	vld [tilespmem:s0+$0xF268];
	_ =	sdelay $0x4  }
0x266: {  	[tilespmem:s4+$0xF268] =	vst.add.f32.msk $0xffff, v0  }
0x267: {  	v0 =	vld [tilespmem:s0+$0xF278];
	_ =	sdelay $0x4  }
0x268: {  	[tilespmem:s4+$0xF278] =	vst.add.f32.msk $0xffff, v0  }
0x269: {  	v0 =	vld [tilespmem:s0+$0xF288];
	_ =	sdelay $0x4  }
0x26a: {  	[tilespmem:s4+$0xF288] =	vst.add.f32.msk $0xffff, v0  }
0x26b: {  	v0 =	vld [tilespmem:s0+$0xF298];
	_ =	sdelay $0x4  }
0x26c: {  	[tilespmem:s4+$0xF298] =	vst.add.f32.msk $0xffff, v0  }
0x26d: {  	v0 =	vld [tilespmem:s0+$0xF2A8]  }
.Ltmp38:
0x26e: {  	_ = 	snop;
	(pc) =	sbr.rel .LBB2_48-.Ltmp38, $2  }
0x26f: {  	_ =	sdelay $0x2  }
0x270: {  	[tilespmem:s4+$0xF2A8] =	vst.add.f32.msk $0xffff, v0  }
.LBB2_49:
0x271: {  	p1 =	slt.s32 s2, $0x1  }
.Ltmp39:
0x272: {  	_ = 	snop;
	(pc) =	sbr.rel @p1 .LBB2_53-.Ltmp39, $3  }
0x273: {  	_ =	sdelay $0x1  }
0x274: {  	s0 =	simm.s32 $0x8  }
0x275: {  	s3 =	simm.s32 $0x0;
	[sflag:s0] =	ssyncpa.u1 $0x1  }
0x276: {  	s0 =	simm.s32 $0xF218  }
0x277: {  	v0 =	vld.msk [tilespmem:s0+$0x0], $0x1;
	_ =	sdelay $0x4  }
0x278: {  	(v2sf) =	vpush v0, $0x0;
	_ =	sdelay $0xe  }
0x279: {  	s0 =	sadd.s32 $0xFFFFFFFF, s2;
	s5 =	spop (v2sf)  }
0x27a: {  	p2 =	sne.s32 s0, $0x0;
	p1 =	sgt.u32 s5, $0x270F0  }
.Ltmp40:
0x27b: {  	s6 =	sand.u32 @!p1 $0x3FFF8, s5;
	(pc) =	sbr.rel @!p2 .LBB2_52-.Ltmp40, $4  }
0x27c: {  	s4 =	simm.s32 $0xF238;
	s5 =	sand.u32 @!p1 $0x7, s5;
	s2 =	sadd.s32 @!p1 s1, s6  }
0x27d: {  	[hbm4b:s2+s5] =	stream.linear.scatter @!p1 [tilespmem:s4], [sflag:$0x7], $0x80, $0x38;
	[tilespmem:$0x1F6F8] =	vst v63  }
0x27e: {  	s5 =	simm.s32 $0x0  }
0x27f: {  	s2 =	simm.s32 $0xF219;
	s5 =	simm.s32 @!p1 $0x200  }
.LBB2_51:
0x280: {  	v0 =	vld.msk [tilespmem:s2+$0x0], $0x1;
	s0 =	sadd.s32 $0xFFFFFFFF, s0;
	s3 =	sadd.s32 s3, s5  }
0x281: {  	p1 =	sne.s32 s0, $0x0;
	_ =	sdelay $0x3  }
0x282: {  	(v2sf) =	vpush v0, $0x0;
	_ =	sdelay $0xe  }
.Ltmp41:
0x283: {  	s6 =	spop (v2sf);
	(pc) =	sbr.rel @p1 .LBB2_51-.Ltmp41, $4  }
0x284: {  	s5 =	simm.s32 $0x0;
	p2 =	sgt.u32 s6, $0x270F0  }
0x285: {  	s4 =	sadd.s32 $0x80, s4;
	s5 =	simm.s32 @!p2 $0x200;
	s7 =	sand.u32 @!p2 $0x3FFF8, s6  }
0x286: {  	s2 =	sadd.s32 $0x1, s2;
	s6 =	sand.u32 @!p2 $0x7, s6;
	s7 =	sadd.s32 @!p2 s1, s7  }
0x287: {  	[hbm4b:s7+s6] =	stream.linear.scatter @!p2 [tilespmem:s4], [sflag:$0x7], $0x80, $0x38;
	[tilespmem:$0x1F6F8] =	vst v63  }
.LBB2_52:
0x288: {  	s0 =	sadd.s32 s3, s5  }
0x289: {  	s3 =	sshrl.u32 s0, $0x2  }
.LBB2_53:
0x28a: {  	s0 =	simm.s32 $0x7  }
0x28b: {  	_ =	swait.ge [sflag:s0], s3  }
0x28c: {  	s1 =	ssub.s32 $0x0, s3;
	[sflag:s0] =	ssyncset.done $0x0  }
0x28d: {  	[sflag:s0] =	ssyncadd.s32 s1  }
0x28e: {  	[sflag:s0] =	ssyncpa.u1 $0x1  }
.LBB2_54:
0x28f: {  	_ =	sfence;
	s0 =	simm.s32 $0x1  }
0x290: {  	[sflag:s0] =	ssyncpa.u1 $0x1  }
0x291: {  	_ =	strace $0x9000004D  }
0x292: {  	[bflag:$0x2] =	sbarrier.arrive $0xFFFF  }
0x293: {  	s0 =	rddreg [dreg:$0x4]  }
0x294: {  	s0 =	sadd.s32 @!p0 $0x100000, s0  }
0x295: {  	[sflag:s0] =	ssyncadd.tile.s32 @!p0 $0x1;
	_ =	shalt  }
.Lfunc_end2:
_tile_overlayer_lowered:
.L_overlay_start_2:
0x296: {  	(tag) =	ssettag $0x2  }
0x297: {  	s0 =	rddreg [dreg:$0x0];
	s2 =	stileid.u32  }
0x298: {  	s1 =	rddreg [dreg:$0x1];
	p0 =	sne.s32 s2, $0x0  }
0x299: {  	s3 =	rddreg [dreg:$0x2];
	[bflag:$0x3] =	sbarrier.arrive $0xFFFF;
	s2 =	simm.s32 @!p0 $0x1C01  }
0x29a: {  	[timem:s3], [sflag:s2] =	dma.local @!p0 [hbm:s0], s1  }
0x29b: {  	s0 =	simm.s32 @!p0 $0x1  }
0x29c: {  	_ =	swait.ge @!p0 [sflag:s0], s1  }
0x29d: {  	s1 =	ssub.s32 @!p0 $0x0, s1;
	[sflag:s0] =	ssyncset.done @!p0 $0x0  }
0x29e: {  	[sflag:s0] =	ssyncadd.s32 @!p0 s1  }
0x29f: {  	[bflag:$0x3] =	sbarrier.arrive $0xFFFF  }
0x2a0: {  	_ =	shalt  }

</sc_bundles>
